<compile_context>
chip_gen: v7x
topology: tpu7x:2x2x1
jax: 0.10.2.dev20260603
libtpu: 0.0.44.dev20260713+nightly
codegen_flags: <defaults>
</compile_context>

<pallas_src>
import functools

import jax
import jax.numpy as jnp
from jax import lax
from jax.experimental import pallas as pl
from jax.experimental.pallas import tpu as pltpu
from jax.experimental.pallas import tpu_sc as plsc

_N = 50000
_E = 800000
_HID = 64
_MT = 51200
_B = 112
_EPT = 50176
_NCHUNK = _EPT // _B
_EPAD = 16 * _EPT
_H = 25000
_ACC_ROWS = 25040
_DEN_ROWS = 3136
_NB = 40
_NCH = _H // _NB

_mesh = plsc.VectorSubcoreMesh(
    core_axis_name="c", subcore_axis_name="s", num_cores=2, num_subcores=16
)



def _proj_body(h_ref, w_ref, b_ref, qt_ref, kv_ref):
    x = (
        jnp.dot(h_ref[...], w_ref[...], preferred_element_type=jnp.float32)
        + b_ref[...]
    )
    bn = x.shape[0]
    z96 = jnp.zeros((bn, 96), jnp.float32)
    z64 = jnp.zeros((bn, 64), jnp.float32)
    qt_ref[0] = jnp.concatenate([x[:, 0:32], z96], axis=1)
    qt_ref[1] = jnp.concatenate([x[:, 32:64], z96], axis=1)
    kv_ref[0] = jnp.concatenate([x[:, 64:96], x[:, 128:160], z64], axis=1)
    kv_ref[1] = jnp.concatenate([x[:, 96:128], x[:, 160:192], z64], axis=1)


def _qkv_project(h_pad, W, b):
    bn = 1024
    nb = _MT // bn
    return pl.pallas_call(
        _proj_body,
        grid=(nb,),
        in_specs=[
            pl.BlockSpec((bn, _HID), lambda i: (i, 0)),
            pl.BlockSpec((_HID, 192), lambda i: (0, 0)),
            pl.BlockSpec((1, 192), lambda i: (0, 0)),
        ],
        out_specs=[
            pl.BlockSpec((2, bn, 128), lambda i: (0, i, 0)),
            pl.BlockSpec((2, bn, 128), lambda i: (0, i, 0)),
        ],
        out_shape=[
            jax.ShapeDtypeStruct((2, _MT, 128), jnp.float32),
            jax.ShapeDtypeStruct((2, _MT, 128), jnp.float32),
        ],
    )(h_pad, W, b)


def _out_body(x0_ref, x1_ref, w_ref, b_ref, o_ref):
    x = jnp.concatenate(
        [x0_ref[0][:, 0:32], x1_ref[0][:, 0:32]], axis=1
    )
    o_ref[...] = (
        jnp.dot(x, w_ref[...], preferred_element_type=jnp.float32)
        + b_ref[...]
    )


def _out_project(x, WoT, bo2):
    bn = 1000
    return pl.pallas_call(
        _out_body,
        grid=(_N // bn,),
        in_specs=[
            pl.BlockSpec((1, bn, 128), lambda i: (0, i, 0)),
            pl.BlockSpec((1, bn, 128), lambda i: (1, i, 0)),
            pl.BlockSpec((_HID, _HID), lambda i: (0, 0)),
            pl.BlockSpec((1, _HID), lambda i: (0, 0)),
        ],
        out_specs=pl.BlockSpec((bn, _HID), lambda i: (i, 0)),
        out_shape=jax.ShapeDtypeStruct((_N, _HID), jnp.float32),
    )(x, x, WoT, bo2)



def _sc_body(qtab, kvtab, rowh, colh, outh, acc_n, acc_d,
             idx_r0, idx_c0, idx_q0, idx_k0, idx_d0, rl20, rs0,
             idx_r1, idx_c1, idx_q1, idx_k1, idx_d1, rl21, rs1,
             qrows0, kvrows0, qrows1, kvrows1,
             wbuf, dbuf, lbuf, ldb, zbuf, obuf,
             semr0, semc0, semq0, semk0, semr1, semc1, semq1, semk1):
    bufs = [
        (idx_r0, idx_c0, idx_q0, idx_k0, idx_d0, rl20, rs0,
         qrows0, kvrows0, semr0, semc0, semq0, semk0),
        (idx_r1, idx_c1, idx_q1, idx_k1, idx_d1, rl21, rs1,
         qrows1, kvrows1, semr1, semc1, semq1, semk1),
    ]
    c = lax.axis_index("c")
    s = lax.axis_index("s")
    lane = lax.iota(jnp.int32, 16)
    coff = jnp.broadcast_to(c * _MT, (16,)).astype(jnp.int32)
    rots = [jnp.bitwise_and(lane + sh, 15) for sh in (8, 4, 2, 1)]

    def lane_sum(p):
        for r in rots:
            p = p + p.at[r].get(mode="promise_in_bounds")
        return p

    def one_pass(p, carry):
        pbase = p * _H

        zero16 = jnp.zeros((16,), jnp.float32)

        def zrow(t, cc):
            lbuf[t, pl.ds(0, 16)] = zero16
            lbuf[t, pl.ds(16, 16)] = zero16
            return cc

        lax.fori_loop(0, _NB, zrow, 0)

        def zrow_d(t, cc):
            zbuf[t, pl.ds(0, 16)] = zero16
            return cc

        lax.fori_loop(0, 28, zrow_d, 0)
        zrows = _ACC_ROWS // 16
        zb = s * zrows

        def zcp(i, cc):
            pltpu.sync_copy(lbuf, acc_n.at[pl.ds(zb + i * _NB, _NB)])
            return cc

        lax.fori_loop(0, zrows // _NB, zcp, 0)
        rem = zrows - (zrows // _NB) * _NB
        if rem:
            pltpu.sync_copy(
                lbuf.at[pl.ds(0, rem)],
                acc_n.at[pl.ds(zb + zrows - rem, rem)],
            )
        drows = _DEN_ROWS // 16
        db = s * drows

        def zcp_d(i, cc):
            pltpu.sync_copy(zbuf, acc_d.at[pl.ds(db + i * 28, 28)])
            return cc

        lax.fori_loop(0, 7, zcp_d, 0)
        plsc.subcore_barrier()

        def idx_load(j, b):
            idx_r, idx_c, semr, semc = bufs[b][0], bufs[b][1], bufs[b][9], bufs[b][10]
            base = s * _EPT + j * _B
            pltpu.async_copy(rowh.at[pl.ds(base, _B)], idx_r, semr)
            pltpu.async_copy(colh.at[pl.ds(base, _B)], idx_c, semc)

        def idx_wait_adj_gather(b):
            (idx_r, idx_c, idx_q, idx_k, idx_d, rl2, rs,
             qrows, kvrows, semr, semc, semq, semk) = bufs[b]
            pltpu.make_async_copy(rowh.at[pl.ds(0, _B)], idx_r, semr).wait()
            pltpu.make_async_copy(colh.at[pl.ds(0, _B)], idx_c, semc).wait()

            def adj(t, tc):
                sl = pl.ds(t * 16, 16)
                r = idx_r[sl]
                idx_q[sl] = r + coff
                idx_k[sl] = idx_c[sl] + coff
                rl = r - jnp.broadcast_to(pbase, (16,)).astype(jnp.int32)
                ok = jnp.logical_and(rl >= 0, rl < _H)
                rl = jnp.where(ok, rl, _H)
                rs[sl] = rl
                idx_d[sl] = lax.shift_right_logical(rl, 3)
                rl2[sl] = jnp.bitwise_and(rl, 7) * 2
                return tc

            lax.fori_loop(0, _B // 16, adj, 0)
            pltpu.async_copy(qtab.at[idx_q], qrows, semq)
            pltpu.async_copy(kvtab.at[idx_k], kvrows, semk)

        def compute_scatter(b):
            (_, _, idx_q, idx_k, idx_d, rl2, rs,
             qrows, kvrows, _, _, semq, semk) = bufs[b]
            pltpu.make_async_copy(qtab.at[idx_q], qrows, semq).wait()
            pltpu.make_async_copy(kvtab.at[idx_k], kvrows, semk).wait()

            def edge4(g, ec):
                for u in range(4):
                    e = g * 4 + u
                    q0 = qrows[e, pl.ds(0, 16)]
                    q1 = qrows[e, pl.ds(16, 16)]
                    k0 = kvrows[e, pl.ds(0, 16)]
                    k1 = kvrows[e, pl.ds(16, 16)]
                    e0 = jnp.exp(lane_sum(q0 * k0))
                    e1 = jnp.exp(lane_sum(q1 * k1))
                    wbuf[e, pl.ds(0, 16)] = kvrows[e, pl.ds(32, 16)] * e0
                    wbuf[e, pl.ds(16, 16)] = kvrows[e, pl.ds(48, 16)] * e1
                    l2 = plsc.load_gather(rl2, [jnp.broadcast_to(e, (16,))])
                    dbuf[e, pl.ds(0, 16)] = (
                        jnp.where(lane == l2, e0, 0.0)
                        + jnp.where(lane == l2 + 1, e1, 0.0)
                    )
                return ec

            lax.fori_loop(0, _B // 4, edge4, 0)
            pltpu.sync_copy(wbuf, acc_n.at[rs], add=True)
            pltpu.sync_copy(dbuf, acc_d.at[idx_d], add=True)

        idx_load(0, 0)
        idx_wait_adj_gather(0)
        idx_load(1, 1)

        def pair(jj, cc):
            j0 = jj * 2
            for b in (0, 1):
                j = j0 + b
                idx_load(jnp.minimum(j + 2, _NCHUNK - 1), b)
                idx_wait_adj_gather(1 - b)
                compute_scatter(b)
            return cc

        lax.fori_loop(0, _NCHUNK // 2, pair, 0)
        pltpu.make_async_copy(qtab.at[idx_q0], qrows0, semq0).wait()
        pltpu.make_async_copy(kvtab.at[idx_k0], kvrows0, semk0).wait()
        pltpu.make_async_copy(rowh.at[pl.ds(0, _B)], idx_r1, semr1).wait()
        pltpu.make_async_copy(colh.at[pl.ds(0, _B)], idx_c1, semc1).wait()
        plsc.subcore_barrier()

        nch_t = (_NCH + 15 - s) // 16

        def nchunk(i, cc):
            ch = s + i * 16
            nbase = ch * _NB
            pltpu.sync_copy(acc_n.at[pl.ds(nbase, _NB)], lbuf)
            pltpu.sync_copy(acc_d.at[pl.ds(ch * 5, 5)], ldb)

            def node(t, tc):
                dvec = ldb[t >> 3, pl.ds(0, 16)]
                col = jnp.broadcast_to((t & 7) * 2, (16,)).astype(jnp.int32)
                d0 = dvec.at[col].get(mode="promise_in_bounds")
                d1 = dvec.at[col + 1].get(mode="promise_in_bounds")
                obuf[t, pl.ds(0, 16)] = lbuf[t, pl.ds(0, 16)] / (d0 + 1e-9)
                obuf[t, pl.ds(16, 16)] = lbuf[t, pl.ds(16, 16)] / (d1 + 1e-9)
                return tc

            lax.fori_loop(0, _NB, node, 0)
            pltpu.sync_copy(obuf, outh.at[c, pl.ds(pbase + nbase, _NB)])
            return cc

        lax.fori_loop(0, nch_t, nchunk, 0)
        plsc.subcore_barrier()
        return carry

    lax.fori_loop(0, 2, one_pass, 0)


@functools.partial(
    pl.kernel,
    out_type=jax.ShapeDtypeStruct((2, _N, 128), jnp.float32),
    mesh=_mesh,
    compiler_params=pltpu.CompilerParams(
        needs_layout_passes=False, use_tc_tiling_on_sc=False
    ),
    scratch_types=(
        [
            pltpu.VMEM_SHARED((_ACC_ROWS, 32), jnp.float32),
            pltpu.VMEM_SHARED((_DEN_ROWS, 16), jnp.float32),
        ]
        + [pltpu.VMEM((_B,), jnp.int32)] * 14
        + [pltpu.VMEM((_B, 128), jnp.float32)] * 4
        + [
            pltpu.VMEM((_B, 32), jnp.float32),
            pltpu.VMEM((_B, 16), jnp.float32),
            pltpu.VMEM((_NB, 32), jnp.float32),
            pltpu.VMEM((5, 16), jnp.float32),
            pltpu.VMEM((28, 16), jnp.float32),
            pltpu.VMEM((_NB, 128), jnp.float32),
        ]
        + [pltpu.SemaphoreType.DMA] * 8
    ),
)
def _sc_attn(qtab, kvtab, rowh, colh, outh, *rest):
    _sc_body(qtab, kvtab, rowh, colh, outh, *rest)



def kernel(h, edge_index, Wq, bq, Wk, bk, Wv, bv, Wo, bo):
    scaling = float(_HID // 4) ** (-0.5)
    h_pad = jnp.pad(h, ((0, _MT - _N), (0, 0)))
    W = jnp.concatenate([Wq.T * scaling, Wk.T, Wv.T], axis=1)
    b = jnp.concatenate([bq * scaling, bk, bv]).reshape(1, 192)
    qt, kvt = _qkv_project(h_pad, W, b)
    qtab = qt.reshape(2 * _MT, 128)
    kvtab = kvt.reshape(2 * _MT, 128)

    row = edge_index[0].astype(jnp.int32)
    col = edge_index[1].astype(jnp.int32)
    pad = jnp.full((_EPAD - _E,), _N, jnp.int32)
    row_p = jnp.concatenate([row, pad])
    col_p = jnp.concatenate([col, pad])

    outn = _sc_attn(qtab, kvtab, row_p, col_p)
    return _out_project(outn, Wo.T, bo.reshape(1, _HID))

# --- scband reference (transcript-rebuilt; emitter-appended) ---
"""Pipeline reference for scband-dmgnn-10264971837836 (READ-ONLY COPY).

The authoritative reference and input builder live on the scoring server;
editing this copy changes nothing except your own understanding.
"""

import jax, jax.numpy as jnp
import numpy as np

N = 50000
E = 800000
HID = 64
NUM_HEADS = 4
HEAD_DIM = HID // NUM_HEADS


def setup_inputs(seed: int = 0) -> dict:
    key = jax.random.key(seed)
    ks = [jax.random.fold_in(key, i) for i in range(12)]
    h = jax.random.normal(ks[0], (N, HID), dtype=jnp.float32)
    edge_index = jax.random.randint(ks[1], (2, E), 0, N, dtype=jnp.int64)
    s = 0.05
    Wq = jax.random.normal(ks[2], (HID, HID), dtype=jnp.float32) * s
    bq = jax.random.normal(ks[3], (HID,), dtype=jnp.float32) * s
    Wk = jax.random.normal(ks[4], (HID, HID), dtype=jnp.float32) * s
    bk = jax.random.normal(ks[5], (HID,), dtype=jnp.float32) * s
    Wv = jax.random.normal(ks[6], (HID, HID), dtype=jnp.float32) * s
    bv = jax.random.normal(ks[7], (HID,), dtype=jnp.float32) * s
    Wo = jax.random.normal(ks[8], (HID, HID), dtype=jnp.float32) * s
    bo = jax.random.normal(ks[9], (HID,), dtype=jnp.float32) * s
    return {"h": h, "edge_index": edge_index, "Wq": Wq, "bq": bq, "Wk": Wk, "bk": bk, "Wv": Wv, "bv": bv, "Wo": Wo, "bo": bo}


def reference(h, edge_index, Wq, bq, Wk, bk, Wv, bv, Wo, bo):
    # Faithful translation of SparseMHA.forward(A, h):
    #   q/k/v projections, per-head SDDMM on sparse adjacency A,
    #   row-wise sparse softmax, sparse SpMM, output projection.
    n = h.shape[0]
    scaling = float(HEAD_DIM) ** (-0.5)
    q = (h @ Wq.T + bq).reshape(n, NUM_HEADS, HEAD_DIM) * scaling
    k = (h @ Wk.T + bk).reshape(n, NUM_HEADS, HEAD_DIM)
    v = (h @ Wv.T + bv).reshape(n, NUM_HEADS, HEAD_DIM)
    row = edge_index[0]  # dst (attention row)
    col = edge_index[1]  # src (attention col)
    # bsddmm: per nonzero (i, j): logits[e, h] = <q[i, h], k[j, h]>
    logits = jnp.sum(jnp.take(q, row, axis=0) * jnp.take(k, col, axis=0), axis=-1)  # [E, H]
    # row-wise sparse softmax per head
    row_max = jax.ops.segment_max(logits, row, num_segments=n)
    row_max = jnp.where(jnp.isfinite(row_max), row_max, 0.0)
    ex = jnp.exp(logits - jnp.take(row_max, row, axis=0))
    denom = jax.ops.segment_sum(ex, row, num_segments=n)
    attn = ex / (jnp.take(denom, row, axis=0) + 1e-9)  # [E, H]
    # bspmm: out[i, h, :] = sum_j attn[i,j,h] * v[j, h, :]
    out = jax.ops.segment_sum(attn[:, :, None] * jnp.take(v, col, axis=0), row, num_segments=n)  # [N, H, D]
    return out.reshape(n, HID) @ Wo.T + bo

if __name__ == "__main__":
    import jax
    _d = setup_inputs()
    print(jax.jit(kernel)(*tuple(_d.values())))

</pallas_src>

<mosaic_0001>
#map = affine_map<(d0, d1) -> (0, 0)>
#map1 = affine_map<(d0, d1) -> (0)>
#map2 = affine_map<(d0, d1) -> (0, 0, 0)>
module attributes {stable_mosaic.version = 14 : i64} {
  func.func @_sc_attn(%arg0: i32, %arg1: i32, %arg2: memref<102400x128xf32, #tpu.memory_space<hbm>>, %arg3: memref<102400x128xf32, #tpu.memory_space<hbm>>, %arg4: memref<802816xi32, #tpu.memory_space<hbm>>, %arg5: memref<802816xi32, #tpu.memory_space<hbm>>, %arg6: memref<2x50000x128xf32, #tpu.memory_space<hbm>>, %arg7: memref<25040x32xf32, #tpu.memory_space<vmem_shared>>, %arg8: memref<3136x16xf32, #tpu.memory_space<vmem_shared>>, %arg9: memref<112xi32, #tpu.memory_space<vmem>>, %arg10: memref<112xi32, #tpu.memory_space<vmem>>, %arg11: memref<112xi32, #tpu.memory_space<vmem>>, %arg12: memref<112xi32, #tpu.memory_space<vmem>>, %arg13: memref<112xi32, #tpu.memory_space<vmem>>, %arg14: memref<112xi32, #tpu.memory_space<vmem>>, %arg15: memref<112xi32, #tpu.memory_space<vmem>>, %arg16: memref<112xi32, #tpu.memory_space<vmem>>, %arg17: memref<112xi32, #tpu.memory_space<vmem>>, %arg18: memref<112xi32, #tpu.memory_space<vmem>>, %arg19: memref<112xi32, #tpu.memory_space<vmem>>, %arg20: memref<112xi32, #tpu.memory_space<vmem>>, %arg21: memref<112xi32, #tpu.memory_space<vmem>>, %arg22: memref<112xi32, #tpu.memory_space<vmem>>, %arg23: memref<112x128xf32, #tpu.memory_space<vmem>>, %arg24: memref<112x128xf32, #tpu.memory_space<vmem>>, %arg25: memref<112x128xf32, #tpu.memory_space<vmem>>, %arg26: memref<112x128xf32, #tpu.memory_space<vmem>>, %arg27: memref<112x32xf32, #tpu.memory_space<vmem>>, %arg28: memref<112x16xf32, #tpu.memory_space<vmem>>, %arg29: memref<40x32xf32, #tpu.memory_space<vmem>>, %arg30: memref<5x16xf32, #tpu.memory_space<vmem>>, %arg31: memref<28x16xf32, #tpu.memory_space<vmem>>, %arg32: memref<40x128xf32, #tpu.memory_space<vmem>>, %arg33: memref<!tpu.dma_semaphore, #tpu.memory_space<semaphore_mem>>, %arg34: memref<!tpu.dma_semaphore, #tpu.memory_space<semaphore_mem>>, %arg35: memref<!tpu.dma_semaphore, #tpu.memory_space<semaphore_mem>>, %arg36: memref<!tpu.dma_semaphore, #tpu.memory_space<semaphore_mem>>, %arg37: memref<!tpu.dma_semaphore, #tpu.memory_space<semaphore_mem>>, %arg38: memref<!tpu.dma_semaphore, #tpu.memory_space<semaphore_mem>>, %arg39: memref<!tpu.dma_semaphore, #tpu.memory_space<semaphore_mem>>, %arg40: memref<!tpu.dma_semaphore, #tpu.memory_space<semaphore_mem>>) attributes {dimension_semantics = [#tpu.dimension_semantics<core_parallel>, #tpu.dimension_semantics<subcore_parallel>], iteration_bounds = array<i64: 2, 16>, scalar_prefetch = 0 : i64, scratch_operands = 34 : i64, tpu.core_type = #tpu.core_type<sc_vector_subcore>, window_params = [{transform_indices = #map}, {transform_indices = #map}, {transform_indices = #map1}, {transform_indices = #map1}, {transform_indices = #map2}]} {
    %iota3A = tpu.iota {dimensions = array<i32: 0>} : vector<16xi32>
    %mul3A = arith.constant 51200 : i32
    %mul3A_0 = arith.muli %arg0, %mul3A : i32
    %broadcast_in_dim3A = vector.broadcast %mul3A_0 : i32 to vector<16xi32>
    %add3A = arith.constant 8 : i32
    %add3A_1 = vector.broadcast %add3A : i32 to vector<16xi32>
    %add3A_2 = arith.addi %iota3A, %add3A_1 : vector<16xi32>
    %and3A = arith.constant 15 : i32
    %and3A_3 = vector.broadcast %and3A : i32 to vector<16xi32>
    %and3A_4 = arith.andi %add3A_2, %and3A_3 : vector<16xi32>
    %add3A_5 = arith.constant 4 : i32
    %add3A_6 = vector.broadcast %add3A_5 : i32 to vector<16xi32>
    %add3A_7 = arith.addi %iota3A, %add3A_6 : vector<16xi32>
    %and3A_8 = arith.constant 15 : i32
    %and3A_9 = vector.broadcast %and3A_8 : i32 to vector<16xi32>
    %and3A_10 = arith.andi %add3A_7, %and3A_9 : vector<16xi32>
    %add3A_11 = arith.constant 2 : i32
    %add3A_12 = vector.broadcast %add3A_11 : i32 to vector<16xi32>
    %add3A_13 = arith.addi %iota3A, %add3A_12 : vector<16xi32>
    %and3A_14 = arith.constant 15 : i32
    %and3A_15 = vector.broadcast %and3A_14 : i32 to vector<16xi32>
    %and3A_16 = arith.andi %add3A_13, %and3A_15 : vector<16xi32>
    %add3A_17 = arith.constant 1 : i32
    %add3A_18 = vector.broadcast %add3A_17 : i32 to vector<16xi32>
    %add3A_19 = arith.addi %iota3A, %add3A_18 : vector<16xi32>
    %and3A_20 = arith.constant 15 : i32
    %and3A_21 = vector.broadcast %and3A_20 : i32 to vector<16xi32>
    %and3A_22 = arith.andi %add3A_19, %and3A_21 : vector<16xi32>
    %scan3A = arith.constant 0 : i32
    %scan3A_23 = arith.constant 0 : i32
    %scan3A_24 = arith.constant 2 : i32
    %scan3A_25 = arith.addi %scan3A_23, %scan3A_24 : i32
    %scan3A_26 = arith.constant 1 : i32
    scf.for %scan3A_28 = %scan3A_23 to %scan3A_25 step %scan3A_26  : i32 {
      %mul3A_29 = arith.constant 25000 : i32
      %mul3A_30 = arith.muli %scan3A_28, %mul3A_29 : i32
      %broadcast_in_dim3A_31 = arith.constant 0.000000e+00 : f32
      %broadcast_in_dim3A_32 = vector.broadcast %broadcast_in_dim3A_31 : f32 to vector<16xf32>
      %scan3A_33 = arith.constant 0 : i32
      %scan3A_34 = arith.constant 0 : i32
      %scan3A_35 = arith.constant 40 : i32
      %scan3A_36 = arith.addi %scan3A_34, %scan3A_35 : i32
      %scan3A_37 = arith.constant 1 : i32
      scf.for %scan3A_149 = %scan3A_34 to %scan3A_36 step %scan3A_37  : i32 {
        %swap3A = arith.index_cast %scan3A_149 : i32 to index
        %swap3A_150 = arith.constant 0 : index
        %swap3A_151 = tpu.vector_load %arg29[%swap3A, %swap3A_150] {strides = array<i32>} : memref<40x32xf32, #tpu.memory_space<vmem>>, vector<16xf32>,
        tpu.vector_store %arg29[%swap3A, %swap3A_150], %broadcast_in_dim3A_32 {strides = array<i32>} : memref<40x32xf32, #tpu.memory_space<vmem>>, vector<16xf32>,
        %swap3A_152 = arith.index_cast %scan3A_149 : i32 to index
        %swap3A_153 = arith.constant 16 : index
        %swap3A_154 = tpu.vector_load %arg29[%swap3A_152, %swap3A_153] {strides = array<i32>} : memref<40x32xf32, #tpu.memory_space<vmem>>, vector<16xf32>,
        tpu.vector_store %arg29[%swap3A_152, %swap3A_153], %broadcast_in_dim3A_32 {strides = array<i32>} : memref<40x32xf32, #tpu.memory_space<vmem>>, vector<16xf32>,
      }
      %scan3A_38 = arith.constant 40 : i32
      %scan3A_39 = arith.constant 0 : i32
      %scan3A_40 = arith.constant 0 : i32
      %scan3A_41 = arith.constant 28 : i32
      %scan3A_42 = arith.addi %scan3A_40, %scan3A_41 : i32
      %scan3A_43 = arith.constant 1 : i32
      scf.for %scan3A_149 = %scan3A_40 to %scan3A_42 step %scan3A_43  : i32 {
        %swap3A = arith.index_cast %scan3A_149 : i32 to index
        %swap3A_150 = arith.constant 0 : index
        %swap3A_151 = tpu.vector_load %arg31[%swap3A, %swap3A_150] {strides = array<i32>} : memref<28x16xf32, #tpu.memory_space<vmem>>, vector<16xf32>,
        tpu.vector_store %arg31[%swap3A, %swap3A_150], %broadcast_in_dim3A_32 {strides = array<i32>} : memref<28x16xf32, #tpu.memory_space<vmem>>, vector<16xf32>,
      }
      %scan3A_44 = arith.constant 28 : i32
      %mul3A_45 = arith.constant 1565 : i32
      %mul3A_46 = arith.muli %arg1, %mul3A_45 : i32
      %scan3A_47 = arith.constant 0 : i32
      %scan3A_48 = arith.constant 0 : i32
      %scan3A_49 = arith.constant 39 : i32
      %scan3A_50 = arith.addi %scan3A_48, %scan3A_49 : i32
      %scan3A_51 = arith.constant 1 : i32
      scf.for %scan3A_149 = %scan3A_48 to %scan3A_50 step %scan3A_51  : i32 {
        %mul3A_150 = arith.constant 40 : i32
        %mul3A_151 = arith.muli %scan3A_149, %mul3A_150 : i32
        %add3A_152 = arith.addi %mul3A_46, %mul3A_151 : i32
        "tpu.region"() ({
          %run_scoped3A = tpu.sem_alloc : memref<!tpu.dma_semaphore, #tpu.memory_space<semaphore_mem>>
          %dma_start3A_153 = arith.constant 0 : i32
          %dma_start3A_154 = tpu.memref_slice %arg7[%add3A_152, %dma_start3A_153] : memref<25040x32xf32, #tpu.memory_space<vmem_shared>> -> memref<40x32xf32, #tpu.memory_space<vmem_shared>>
          %dma_start3A_155 = arith.constant 0 : i32
          %dma_start3A_156 = tpu.memref_slice %arg7[%add3A_152, %dma_start3A_155] : memref<25040x32xf32, #tpu.memory_space<vmem_shared>> -> memref<40x32xf32, #tpu.memory_space<vmem_shared>>
          tpu.enqueue_dma source(%arg29 : memref<40x32xf32, #tpu.memory_space<vmem>>) target(%dma_start3A_156 : memref<40x32xf32, #tpu.memory_space<vmem_shared>>) target_semaphore(%run_scoped3A : memref<!tpu.dma_semaphore, #tpu.memory_space<semaphore_mem>>)
          %dma_wait3A_157 = arith.constant 0 : i32
          %dma_wait3A_158 = tpu.memref_slice %arg7[%add3A_152, %dma_wait3A_157] : memref<25040x32xf32, #tpu.memory_space<vmem_shared>> -> memref<40x32xf32, #tpu.memory_space<vmem_shared>>
          %dma_wait3A_159 = arith.constant 0 : i32
          %dma_wait3A_160 = tpu.memref_slice %arg7[%add3A_152, %dma_wait3A_159] : memref<25040x32xf32, #tpu.memory_space<vmem_shared>> -> memref<40x32xf32, #tpu.memory_space<vmem_shared>>
          tpu.wait_dma2 semaphore(%run_scoped3A : memref<!tpu.dma_semaphore, #tpu.memory_space<semaphore_mem>>) src(%arg29 : memref<40x32xf32, #tpu.memory_space<vmem>>) dst(%dma_wait3A_160 : memref<40x32xf32, #tpu.memory_space<vmem_shared>>)
          tpu.yield
        }) : () -> ()
      }
      %scan3A_52 = arith.constant 39 : i32
      %add3A_53 = arith.constant 1565 : i32
      %add3A_54 = arith.addi %mul3A_46, %add3A_53 : i32
      %sub3A = arith.constant 5 : i32
      %sub3A_55 = arith.subi %add3A_54, %sub3A : i32
      "tpu.region"() ({
        %run_scoped3A = tpu.sem_alloc : memref<!tpu.dma_semaphore, #tpu.memory_space<semaphore_mem>>
        %dma_start3A_149 = arith.constant 0 : i32
        %dma_start3A_150 = arith.constant 0 : i32
        %dma_start3A_151 = tpu.memref_slice %arg29[%dma_start3A_149, %dma_start3A_150] : memref<40x32xf32, #tpu.memory_space<vmem>> -> memref<5x32xf32, #tpu.memory_space<vmem>>
        %dma_start3A_152 = arith.constant 0 : i32
        %dma_start3A_153 = tpu.memref_slice %arg7[%sub3A_55, %dma_start3A_152] : memref<25040x32xf32, #tpu.memory_space<vmem_shared>> -> memref<5x32xf32, #tpu.memory_space<vmem_shared>>
        %dma_start3A_154 = arith.constant 0 : i32
        %dma_start3A_155 = tpu.memref_slice %arg7[%sub3A_55, %dma_start3A_154] : memref<25040x32xf32, #tpu.memory_space<vmem_shared>> -> memref<5x32xf32, #tpu.memory_space<vmem_shared>>
        %dma_start3A_156 = arith.constant 0 : i32
        %dma_start3A_157 = arith.constant 0 : i32
        %dma_start3A_158 = tpu.memref_slice %arg29[%dma_start3A_156, %dma_start3A_157] : memref<40x32xf32, #tpu.memory_space<vmem>> -> memref<5x32xf32, #tpu.memory_space<vmem>>
        tpu.enqueue_dma source(%dma_start3A_158 : memref<5x32xf32, #tpu.memory_space<vmem>>) target(%dma_start3A_155 : memref<5x32xf32, #tpu.memory_space<vmem_shared>>) target_semaphore(%run_scoped3A : memref<!tpu.dma_semaphore, #tpu.memory_space<semaphore_mem>>)
        %dma_wait3A_159 = arith.constant 0 : i32
        %dma_wait3A_160 = arith.constant 0 : i32
        %dma_wait3A_161 = tpu.memref_slice %arg29[%dma_wait3A_159, %dma_wait3A_160] : memref<40x32xf32, #tpu.memory_space<vmem>> -> memref<5x32xf32, #tpu.memory_space<vmem>>
        %dma_wait3A_162 = arith.constant 0 : i32
        %dma_wait3A_163 = tpu.memref_slice %arg7[%sub3A_55, %dma_wait3A_162] : memref<25040x32xf32, #tpu.memory_space<vmem_shared>> -> memref<5x32xf32, #tpu.memory_space<vmem_shared>>
        %dma_wait3A_164 = arith.constant 0 : i32
        %dma_wait3A_165 = tpu.memref_slice %arg7[%sub3A_55, %dma_wait3A_164] : memref<25040x32xf32, #tpu.memory_space<vmem_shared>> -> memref<5x32xf32, #tpu.memory_space<vmem_shared>>
        %dma_wait3A_166 = arith.constant 0 : i32
        %dma_wait3A_167 = arith.constant 0 : i32
        %dma_wait3A_168 = tpu.memref_slice %arg29[%dma_wait3A_166, %dma_wait3A_167] : memref<40x32xf32, #tpu.memory_space<vmem>> -> memref<5x32xf32, #tpu.memory_space<vmem>>
        tpu.wait_dma2 semaphore(%run_scoped3A : memref<!tpu.dma_semaphore, #tpu.memory_space<semaphore_mem>>) src(%dma_wait3A_168 : memref<5x32xf32, #tpu.memory_space<vmem>>) dst(%dma_wait3A_165 : memref<5x32xf32, #tpu.memory_space<vmem_shared>>)
        tpu.yield
      }) : () -> ()
      %mul3A_56 = arith.constant 196 : i32
      %mul3A_57 = arith.muli %arg1, %mul3A_56 : i32
      %scan3A_58 = arith.constant 0 : i32
      %scan3A_59 = arith.constant 0 : i32
      %scan3A_60 = arith.constant 7 : i32
      %scan3A_61 = arith.addi %scan3A_59, %scan3A_60 : i32
      %scan3A_62 = arith.constant 1 : i32
      scf.for %scan3A_149 = %scan3A_59 to %scan3A_61 step %scan3A_62  : i32 {
        %mul3A_150 = arith.constant 28 : i32
        %mul3A_151 = arith.muli %scan3A_149, %mul3A_150 : i32
        %add3A_152 = arith.addi %mul3A_57, %mul3A_151 : i32
        "tpu.region"() ({
          %run_scoped3A = tpu.sem_alloc : memref<!tpu.dma_semaphore, #tpu.memory_space<semaphore_mem>>
          %dma_start3A_153 = arith.constant 0 : i32
          %dma_start3A_154 = tpu.memref_slice %arg8[%add3A_152, %dma_start3A_153] : memref<3136x16xf32, #tpu.memory_space<vmem_shared>> -> memref<28x16xf32, #tpu.memory_space<vmem_shared>>
          %dma_start3A_155 = arith.constant 0 : i32
          %dma_start3A_156 = tpu.memref_slice %arg8[%add3A_152, %dma_start3A_155] : memref<3136x16xf32, #tpu.memory_space<vmem_shared>> -> memref<28x16xf32, #tpu.memory_space<vmem_shared>>
          tpu.enqueue_dma source(%arg31 : memref<28x16xf32, #tpu.memory_space<vmem>>) target(%dma_start3A_156 : memref<28x16xf32, #tpu.memory_space<vmem_shared>>) target_semaphore(%run_scoped3A : memref<!tpu.dma_semaphore, #tpu.memory_space<semaphore_mem>>)
          %dma_wait3A_157 = arith.constant 0 : i32
          %dma_wait3A_158 = tpu.memref_slice %arg8[%add3A_152, %dma_wait3A_157] : memref<3136x16xf32, #tpu.memory_space<vmem_shared>> -> memref<28x16xf32, #tpu.memory_space<vmem_shared>>
          %dma_wait3A_159 = arith.constant 0 : i32
          %dma_wait3A_160 = tpu.memref_slice %arg8[%add3A_152, %dma_wait3A_159] : memref<3136x16xf32, #tpu.memory_space<vmem_shared>> -> memref<28x16xf32, #tpu.memory_space<vmem_shared>>
          tpu.wait_dma2 semaphore(%run_scoped3A : memref<!tpu.dma_semaphore, #tpu.memory_space<semaphore_mem>>) src(%arg31 : memref<28x16xf32, #tpu.memory_space<vmem>>) dst(%dma_wait3A_160 : memref<28x16xf32, #tpu.memory_space<vmem_shared>>)
          tpu.yield
        }) : () -> ()
      }
      %scan3A_63 = arith.constant 7 : i32
      %barrier3A = arith.constant 0 : index
      tpu.barrier barrier_id(%barrier3A)
      %mul3A_64 = arith.constant 50176 : i32
      %mul3A_65 = arith.muli %arg1, %mul3A_64 : i32
      %add3A_66 = arith.constant 0 : i32
      %add3A_67 = arith.addi %mul3A_65, %add3A_66 : i32
      %dma_start3A = tpu.memref_slice %arg4[%add3A_67] : memref<802816xi32, #tpu.memory_space<hbm>> -> memref<112xi32, #tpu.memory_space<hbm>>
      %dma_start3A_68 = tpu.memref_slice %arg4[%add3A_67] : memref<802816xi32, #tpu.memory_space<hbm>> -> memref<112xi32, #tpu.memory_space<hbm>>
      tpu.enqueue_dma source(%dma_start3A_68 : memref<112xi32, #tpu.memory_space<hbm>>) target(%arg9 : memref<112xi32, #tpu.memory_space<vmem>>) target_semaphore(%arg33 : memref<!tpu.dma_semaphore, #tpu.memory_space<semaphore_mem>>)
      %dma_start3A_69 = tpu.memref_slice %arg5[%add3A_67] : memref<802816xi32, #tpu.memory_space<hbm>> -> memref<112xi32, #tpu.memory_space<hbm>>
      %dma_start3A_70 = tpu.memref_slice %arg5[%add3A_67] : memref<802816xi32, #tpu.memory_space<hbm>> -> memref<112xi32, #tpu.memory_space<hbm>>
      tpu.enqueue_dma source(%dma_start3A_70 : memref<112xi32, #tpu.memory_space<hbm>>) target(%arg10 : memref<112xi32, #tpu.memory_space<vmem>>) target_semaphore(%arg34 : memref<!tpu.dma_semaphore, #tpu.memory_space<semaphore_mem>>)
      %dma_wait3A = arith.constant 0 : i32
      %dma_wait3A_71 = tpu.memref_slice %arg4[%dma_wait3A] : memref<802816xi32, #tpu.memory_space<hbm>> -> memref<112xi32, #tpu.memory_space<hbm>>
      %dma_wait3A_72 = arith.constant 0 : i32
      %dma_wait3A_73 = tpu.memref_slice %arg4[%dma_wait3A_72] : memref<802816xi32, #tpu.memory_space<hbm>> -> memref<112xi32, #tpu.memory_space<hbm>>
      tpu.wait_dma2 semaphore(%arg33 : memref<!tpu.dma_semaphore, #tpu.memory_space<semaphore_mem>>) src(%dma_wait3A_73 : memref<112xi32, #tpu.memory_space<hbm>>) dst(%arg9 : memref<112xi32, #tpu.memory_space<vmem>>)
      %dma_wait3A_74 = arith.constant 0 : i32
      %dma_wait3A_75 = tpu.memref_slice %arg5[%dma_wait3A_74] : memref<802816xi32, #tpu.memory_space<hbm>> -> memref<112xi32, #tpu.memory_space<hbm>>
      %dma_wait3A_76 = arith.constant 0 : i32
      %dma_wait3A_77 = tpu.memref_slice %arg5[%dma_wait3A_76] : memref<802816xi32, #tpu.memory_space<hbm>> -> memref<112xi32, #tpu.memory_space<hbm>>
      tpu.wait_dma2 semaphore(%arg34 : memref<!tpu.dma_semaphore, #tpu.memory_space<semaphore_mem>>) src(%dma_wait3A_77 : memref<112xi32, #tpu.memory_space<hbm>>) dst(%arg10 : memref<112xi32, #tpu.memory_space<vmem>>)
      %scan3A_78 = arith.constant 0 : i32
      %scan3A_79 = arith.constant 0 : i32
      %scan3A_80 = arith.constant 7 : i32
      %scan3A_81 = arith.addi %scan3A_79, %scan3A_80 : i32
      %scan3A_82 = arith.constant 1 : i32
      scf.for %scan3A_149 = %scan3A_79 to %scan3A_81 step %scan3A_82  : i32 {
        %mul3A_150 = arith.constant 16 : i32
        %mul3A_151 = arith.muli %scan3A_149, %mul3A_150 : i32
        %get3A = arith.index_cast %mul3A_151 : i32 to index
        %get3A_152 = tpu.vector_load %arg9[%get3A] {strides = array<i32>} : memref<112xi32, #tpu.memory_space<vmem>>, vector<16xi32>,
        %add3A_153 = arith.addi %get3A_152, %broadcast_in_dim3A : vector<16xi32>
        %swap3A = arith.index_cast %mul3A_151 : i32 to index
        %swap3A_154 = tpu.vector_load %arg11[%swap3A] {strides = array<i32>} : memref<112xi32, #tpu.memory_space<vmem>>, vector<16xi32>,
        tpu.vector_store %arg11[%swap3A], %add3A_153 {strides = array<i32>} : memref<112xi32, #tpu.memory_space<vmem>>, vector<16xi32>,
        %get3A_155 = arith.index_cast %mul3A_151 : i32 to index
        %get3A_156 = tpu.vector_load %arg10[%get3A_155] {strides = array<i32>} : memref<112xi32, #tpu.memory_space<vmem>>, vector<16xi32>,
        %add3A_157 = arith.addi %get3A_156, %broadcast_in_dim3A : vector<16xi32>
        %swap3A_158 = arith.index_cast %mul3A_151 : i32 to index
        %swap3A_159 = tpu.vector_load %arg12[%swap3A_158] {strides = array<i32>} : memref<112xi32, #tpu.memory_space<vmem>>, vector<16xi32>,
        tpu.vector_store %arg12[%swap3A_158], %add3A_157 {strides = array<i32>} : memref<112xi32, #tpu.memory_space<vmem>>, vector<16xi32>,
        %broadcast_in_dim3A_160 = vector.broadcast %mul3A_30 : i32 to vector<16xi32>
        %sub3A_161 = arith.subi %get3A_152, %broadcast_in_dim3A_160 : vector<16xi32>
        %ge3A = arith.constant 0 : i32
        %ge3A_162 = vector.broadcast %ge3A : i32 to vector<16xi32>
        %ge3A_163 = arith.cmpi sge, %sub3A_161, %ge3A_162 : vector<16xi32>
        %lt3A = arith.constant 25000 : i32
        %lt3A_164 = vector.broadcast %lt3A : i32 to vector<16xi32>
        %lt3A_165 = arith.cmpi slt, %sub3A_161, %lt3A_164 : vector<16xi32>
        %and3A_166 = arith.andi %ge3A_163, %lt3A_165 : vector<16xi1>
        %jit3A_167 = arith.constant 25000 : i32
        %broadcast_in_dim3A_168 = vector.broadcast %jit3A_167 : i32 to vector<16xi32>
        %select_n3A_169 = arith.select %and3A_166, %sub3A_161, %broadcast_in_dim3A_168 : vector<16xi1>, vector<16xi32>
        %swap3A_170 = arith.index_cast %mul3A_151 : i32 to index
        %swap3A_171 = tpu.vector_load %arg15[%swap3A_170] {strides = array<i32>} : memref<112xi32, #tpu.memory_space<vmem>>, vector<16xi32>,
        tpu.vector_store %arg15[%swap3A_170], %select_n3A_169 {strides = array<i32>} : memref<112xi32, #tpu.memory_space<vmem>>, vector<16xi32>,
        %shift_right_logical3A = arith.constant 3 : i32
        %shift_right_logical3A_172 = vector.broadcast %shift_right_logical3A : i32 to vector<16xi32>
        %shift_right_logical3A_173 = arith.shrui %select_n3A_169, %shift_right_logical3A_172 : vector<16xi32>
        %swap3A_174 = arith.index_cast %mul3A_151 : i32 to index
        %swap3A_175 = tpu.vector_load %arg13[%swap3A_174] {strides = array<i32>} : memref<112xi32, #tpu.memory_space<vmem>>, vector<16xi32>,
        tpu.vector_store %arg13[%swap3A_174], %shift_right_logical3A_173 {strides = array<i32>} : memref<112xi32, #tpu.memory_space<vmem>>, vector<16xi32>,
        %and3A_176 = arith.constant 7 : i32
        %and3A_177 = vector.broadcast %and3A_176 : i32 to vector<16xi32>
        %and3A_178 = arith.andi %select_n3A_169, %and3A_177 : vector<16xi32>
        %mul3A_179 = arith.constant 2 : i32
        %mul3A_180 = vector.broadcast %mul3A_179 : i32 to vector<16xi32>
        %mul3A_181 = arith.muli %and3A_178, %mul3A_180 : vector<16xi32>
        %swap3A_182 = arith.index_cast %mul3A_151 : i32 to index
        %swap3A_183 = tpu.vector_load %arg14[%swap3A_182] {strides = array<i32>} : memref<112xi32, #tpu.memory_space<vmem>>, vector<16xi32>,
        tpu.vector_store %arg14[%swap3A_182], %mul3A_181 {strides = array<i32>} : memref<112xi32, #tpu.memory_space<vmem>>, vector<16xi32>,
      }
      %scan3A_83 = arith.constant 7 : i32
      %dma_start3A_84 = arith.constant 0 : i32
      %dma_start3A_85 = arith.constant 0 : i32
      %dma_start3A_86 = tpu.memref_slice %arg2[%dma_start3A_84, %dma_start3A_85] : memref<102400x128xf32, #tpu.memory_space<hbm>> -> memref<102400x128xf32, #tpu.memory_space<hbm>>
      tpu.enqueue_indirect_dma source(%dma_start3A_86 : memref<102400x128xf32, #tpu.memory_space<hbm>>) target(%arg23 : memref<112x128xf32, #tpu.memory_space<vmem>>) offsets(%arg11 : memref<112xi32, #tpu.memory_space<vmem>>) semaphore(%arg35 : memref<!tpu.dma_semaphore, #tpu.memory_space<semaphore_mem>>)
      %dma_start3A_87 = arith.constant 0 : i32
      %dma_start3A_88 = arith.constant 0 : i32
      %dma_start3A_89 = tpu.memref_slice %arg3[%dma_start3A_87, %dma_start3A_88] : memref<102400x128xf32, #tpu.memory_space<hbm>> -> memref<102400x128xf32, #tpu.memory_space<hbm>>
      tpu.enqueue_indirect_dma source(%dma_start3A_89 : memref<102400x128xf32, #tpu.memory_space<hbm>>) target(%arg24 : memref<112x128xf32, #tpu.memory_space<vmem>>) offsets(%arg12 : memref<112xi32, #tpu.memory_space<vmem>>) semaphore(%arg36 : memref<!tpu.dma_semaphore, #tpu.memory_space<semaphore_mem>>)
      %mul3A_90 = arith.constant 50176 : i32
      %mul3A_91 = arith.muli %arg1, %mul3A_90 : i32
      %add3A_92 = arith.constant 112 : i32
      %add3A_93 = arith.addi %mul3A_91, %add3A_92 : i32
      %dma_start3A_94 = tpu.memref_slice %arg4[%add3A_93] : memref<802816xi32, #tpu.memory_space<hbm>> -> memref<112xi32, #tpu.memory_space<hbm>>
      %dma_start3A_95 = tpu.memref_slice %arg4[%add3A_93] : memref<802816xi32, #tpu.memory_space<hbm>> -> memref<112xi32, #tpu.memory_space<hbm>>
      tpu.enqueue_dma source(%dma_start3A_95 : memref<112xi32, #tpu.memory_space<hbm>>) target(%arg16 : memref<112xi32, #tpu.memory_space<vmem>>) target_semaphore(%arg37 : memref<!tpu.dma_semaphore, #tpu.memory_space<semaphore_mem>>)
      %dma_start3A_96 = tpu.memref_slice %arg5[%add3A_93] : memref<802816xi32, #tpu.memory_space<hbm>> -> memref<112xi32, #tpu.memory_space<hbm>>
      %dma_start3A_97 = tpu.memref_slice %arg5[%add3A_93] : memref<802816xi32, #tpu.memory_space<hbm>> -> memref<112xi32, #tpu.memory_space<hbm>>
      tpu.enqueue_dma source(%dma_start3A_97 : memref<112xi32, #tpu.memory_space<hbm>>) target(%arg17 : memref<112xi32, #tpu.memory_space<vmem>>) target_semaphore(%arg38 : memref<!tpu.dma_semaphore, #tpu.memory_space<semaphore_mem>>)
      %scan3A_98 = arith.constant 0 : i32
      %scan3A_99 = arith.constant 0 : i32
      %scan3A_100 = arith.constant 224 : i32
      %scan3A_101 = arith.addi %scan3A_99, %scan3A_100 : i32
      %scan3A_102 = arith.constant 1 : i32
      scf.for %scan3A_149 = %scan3A_99 to %scan3A_101 step %scan3A_102  : i32 {
        %mul3A_150 = arith.constant 2 : i32
        %mul3A_151 = arith.muli %scan3A_149, %mul3A_150 : i32
        %add3A_152 = arith.constant 0 : i32
        %add3A_153 = arith.addi %mul3A_151, %add3A_152 : i32
        %add3A_154 = arith.constant 2 : i32
        %add3A_155 = arith.addi %add3A_153, %add3A_154 : i32
        %min3A = arith.constant 447 : i32
        %min3A_156 = arith.minsi %add3A_155, %min3A : i32
        %mul3A_157 = arith.constant 50176 : i32
        %mul3A_158 = arith.muli %arg1, %mul3A_157 : i32
        %mul3A_159 = arith.constant 112 : i32
        %mul3A_160 = arith.muli %min3A_156, %mul3A_159 : i32
        %add3A_161 = arith.addi %mul3A_158, %mul3A_160 : i32
        %dma_start3A_162 = tpu.memref_slice %arg4[%add3A_161] : memref<802816xi32, #tpu.memory_space<hbm>> -> memref<112xi32, #tpu.memory_space<hbm>>
        %dma_start3A_163 = tpu.memref_slice %arg4[%add3A_161] : memref<802816xi32, #tpu.memory_space<hbm>> -> memref<112xi32, #tpu.memory_space<hbm>>
        tpu.enqueue_dma source(%dma_start3A_163 : memref<112xi32, #tpu.memory_space<hbm>>) target(%arg9 : memref<112xi32, #tpu.memory_space<vmem>>) target_semaphore(%arg33 : memref<!tpu.dma_semaphore, #tpu.memory_space<semaphore_mem>>)
        %dma_start3A_164 = tpu.memref_slice %arg5[%add3A_161] : memref<802816xi32, #tpu.memory_space<hbm>> -> memref<112xi32, #tpu.memory_space<hbm>>
        %dma_start3A_165 = tpu.memref_slice %arg5[%add3A_161] : memref<802816xi32, #tpu.memory_space<hbm>> -> memref<112xi32, #tpu.memory_space<hbm>>
        tpu.enqueue_dma source(%dma_start3A_165 : memref<112xi32, #tpu.memory_space<hbm>>) target(%arg10 : memref<112xi32, #tpu.memory_space<vmem>>) target_semaphore(%arg34 : memref<!tpu.dma_semaphore, #tpu.memory_space<semaphore_mem>>)
        %dma_wait3A_166 = arith.constant 0 : i32
        %dma_wait3A_167 = tpu.memref_slice %arg4[%dma_wait3A_166] : memref<802816xi32, #tpu.memory_space<hbm>> -> memref<112xi32, #tpu.memory_space<hbm>>
        %dma_wait3A_168 = arith.constant 0 : i32
        %dma_wait3A_169 = tpu.memref_slice %arg4[%dma_wait3A_168] : memref<802816xi32, #tpu.memory_space<hbm>> -> memref<112xi32, #tpu.memory_space<hbm>>
        tpu.wait_dma2 semaphore(%arg37 : memref<!tpu.dma_semaphore, #tpu.memory_space<semaphore_mem>>) src(%dma_wait3A_169 : memref<112xi32, #tpu.memory_space<hbm>>) dst(%arg16 : memref<112xi32, #tpu.memory_space<vmem>>)
        %dma_wait3A_170 = arith.constant 0 : i32
        %dma_wait3A_171 = tpu.memref_slice %arg5[%dma_wait3A_170] : memref<802816xi32, #tpu.memory_space<hbm>> -> memref<112xi32, #tpu.memory_space<hbm>>
        %dma_wait3A_172 = arith.constant 0 : i32
        %dma_wait3A_173 = tpu.memref_slice %arg5[%dma_wait3A_172] : memref<802816xi32, #tpu.memory_space<hbm>> -> memref<112xi32, #tpu.memory_space<hbm>>
        tpu.wait_dma2 semaphore(%arg38 : memref<!tpu.dma_semaphore, #tpu.memory_space<semaphore_mem>>) src(%dma_wait3A_173 : memref<112xi32, #tpu.memory_space<hbm>>) dst(%arg17 : memref<112xi32, #tpu.memory_space<vmem>>)
        %scan3A_174 = arith.constant 0 : i32
        %scan3A_175 = arith.constant 0 : i32
        %scan3A_176 = arith.constant 7 : i32
        %scan3A_177 = arith.addi %scan3A_175, %scan3A_176 : i32
        %scan3A_178 = arith.constant 1 : i32
        scf.for %scan3A_245 = %scan3A_175 to %scan3A_177 step %scan3A_178  : i32 {
          %mul3A_246 = arith.constant 16 : i32
          %mul3A_247 = arith.muli %scan3A_245, %mul3A_246 : i32
          %get3A = arith.index_cast %mul3A_247 : i32 to index
          %get3A_248 = tpu.vector_load %arg16[%get3A] {strides = array<i32>} : memref<112xi32, #tpu.memory_space<vmem>>, vector<16xi32>,
          %add3A_249 = arith.addi %get3A_248, %broadcast_in_dim3A : vector<16xi32>
          %swap3A = arith.index_cast %mul3A_247 : i32 to index
          %swap3A_250 = tpu.vector_load %arg18[%swap3A] {strides = array<i32>} : memref<112xi32, #tpu.memory_space<vmem>>, vector<16xi32>,
          tpu.vector_store %arg18[%swap3A], %add3A_249 {strides = array<i32>} : memref<112xi32, #tpu.memory_space<vmem>>, vector<16xi32>,
          %get3A_251 = arith.index_cast %mul3A_247 : i32 to index
          %get3A_252 = tpu.vector_load %arg17[%get3A_251] {strides = array<i32>} : memref<112xi32, #tpu.memory_space<vmem>>, vector<16xi32>,
          %add3A_253 = arith.addi %get3A_252, %broadcast_in_dim3A : vector<16xi32>
          %swap3A_254 = arith.index_cast %mul3A_247 : i32 to index
          %swap3A_255 = tpu.vector_load %arg19[%swap3A_254] {strides = array<i32>} : memref<112xi32, #tpu.memory_space<vmem>>, vector<16xi32>,
          tpu.vector_store %arg19[%swap3A_254], %add3A_253 {strides = array<i32>} : memref<112xi32, #tpu.memory_space<vmem>>, vector<16xi32>,
          %broadcast_in_dim3A_256 = vector.broadcast %mul3A_30 : i32 to vector<16xi32>
          %sub3A_257 = arith.subi %get3A_248, %broadcast_in_dim3A_256 : vector<16xi32>
          %ge3A = arith.constant 0 : i32
          %ge3A_258 = vector.broadcast %ge3A : i32 to vector<16xi32>
          %ge3A_259 = arith.cmpi sge, %sub3A_257, %ge3A_258 : vector<16xi32>
          %lt3A = arith.constant 25000 : i32
          %lt3A_260 = vector.broadcast %lt3A : i32 to vector<16xi32>
          %lt3A_261 = arith.cmpi slt, %sub3A_257, %lt3A_260 : vector<16xi32>
          %and3A_262 = arith.andi %ge3A_259, %lt3A_261 : vector<16xi1>
          %jit3A_263 = arith.constant 25000 : i32
          %broadcast_in_dim3A_264 = vector.broadcast %jit3A_263 : i32 to vector<16xi32>
          %select_n3A_265 = arith.select %and3A_262, %sub3A_257, %broadcast_in_dim3A_264 : vector<16xi1>, vector<16xi32>
          %swap3A_266 = arith.index_cast %mul3A_247 : i32 to index
          %swap3A_267 = tpu.vector_load %arg22[%swap3A_266] {strides = array<i32>} : memref<112xi32, #tpu.memory_space<vmem>>, vector<16xi32>,
          tpu.vector_store %arg22[%swap3A_266], %select_n3A_265 {strides = array<i32>} : memref<112xi32, #tpu.memory_space<vmem>>, vector<16xi32>,
          %shift_right_logical3A = arith.constant 3 : i32
          %shift_right_logical3A_268 = vector.broadcast %shift_right_logical3A : i32 to vector<16xi32>
          %shift_right_logical3A_269 = arith.shrui %select_n3A_265, %shift_right_logical3A_268 : vector<16xi32>
          %swap3A_270 = arith.index_cast %mul3A_247 : i32 to index
          %swap3A_271 = tpu.vector_load %arg20[%swap3A_270] {strides = array<i32>} : memref<112xi32, #tpu.memory_space<vmem>>, vector<16xi32>,
          tpu.vector_store %arg20[%swap3A_270], %shift_right_logical3A_269 {strides = array<i32>} : memref<112xi32, #tpu.memory_space<vmem>>, vector<16xi32>,
          %and3A_272 = arith.constant 7 : i32
          %and3A_273 = vector.broadcast %and3A_272 : i32 to vector<16xi32>
          %and3A_274 = arith.andi %select_n3A_265, %and3A_273 : vector<16xi32>
          %mul3A_275 = arith.constant 2 : i32
          %mul3A_276 = vector.broadcast %mul3A_275 : i32 to vector<16xi32>
          %mul3A_277 = arith.muli %and3A_274, %mul3A_276 : vector<16xi32>
          %swap3A_278 = arith.index_cast %mul3A_247 : i32 to index
          %swap3A_279 = tpu.vector_load %arg21[%swap3A_278] {strides = array<i32>} : memref<112xi32, #tpu.memory_space<vmem>>, vector<16xi32>,
          tpu.vector_store %arg21[%swap3A_278], %mul3A_277 {strides = array<i32>} : memref<112xi32, #tpu.memory_space<vmem>>, vector<16xi32>,
        }
        %scan3A_179 = arith.constant 7 : i32
        %dma_start3A_180 = arith.constant 0 : i32
        %dma_start3A_181 = arith.constant 0 : i32
        %dma_start3A_182 = tpu.memref_slice %arg2[%dma_start3A_180, %dma_start3A_181] : memref<102400x128xf32, #tpu.memory_space<hbm>> -> memref<102400x128xf32, #tpu.memory_space<hbm>>
        tpu.enqueue_indirect_dma source(%dma_start3A_182 : memref<102400x128xf32, #tpu.memory_space<hbm>>) target(%arg25 : memref<112x128xf32, #tpu.memory_space<vmem>>) offsets(%arg18 : memref<112xi32, #tpu.memory_space<vmem>>) semaphore(%arg39 : memref<!tpu.dma_semaphore, #tpu.memory_space<semaphore_mem>>)
        %dma_start3A_183 = arith.constant 0 : i32
        %dma_start3A_184 = arith.constant 0 : i32
        %dma_start3A_185 = tpu.memref_slice %arg3[%dma_start3A_183, %dma_start3A_184] : memref<102400x128xf32, #tpu.memory_space<hbm>> -> memref<102400x128xf32, #tpu.memory_space<hbm>>
        tpu.enqueue_indirect_dma source(%dma_start3A_185 : memref<102400x128xf32, #tpu.memory_space<hbm>>) target(%arg26 : memref<112x128xf32, #tpu.memory_space<vmem>>) offsets(%arg19 : memref<112xi32, #tpu.memory_space<vmem>>) semaphore(%arg40 : memref<!tpu.dma_semaphore, #tpu.memory_space<semaphore_mem>>)
        %dma_wait3A_186 = arith.constant 0 : i32
        %dma_wait3A_187 = arith.constant 0 : i32
        %dma_wait3A_188 = tpu.memref_slice %arg2[%dma_wait3A_186, %dma_wait3A_187] : memref<102400x128xf32, #tpu.memory_space<hbm>> -> memref<102400x128xf32, #tpu.memory_space<hbm>>
        tpu.wait_indirect_dma semaphore(%arg35 : memref<!tpu.dma_semaphore, #tpu.memory_space<semaphore_mem>>) src(%dma_wait3A_188 : memref<102400x128xf32, #tpu.memory_space<hbm>>) dst(%arg23 : memref<112x128xf32, #tpu.memory_space<vmem>>)
        %dma_wait3A_189 = arith.constant 0 : i32
        %dma_wait3A_190 = arith.constant 0 : i32
        %dma_wait3A_191 = tpu.memref_slice %arg3[%dma_wait3A_189, %dma_wait3A_190] : memref<102400x128xf32, #tpu.memory_space<hbm>> -> memref<102400x128xf32, #tpu.memory_space<hbm>>
        tpu.wait_indirect_dma semaphore(%arg36 : memref<!tpu.dma_semaphore, #tpu.memory_space<semaphore_mem>>) src(%dma_wait3A_191 : memref<102400x128xf32, #tpu.memory_space<hbm>>) dst(%arg24 : memref<112x128xf32, #tpu.memory_space<vmem>>)
        %scan3A_192 = arith.constant 0 : i32
        %scan3A_193 = arith.constant 0 : i32
        %scan3A_194 = arith.constant 28 : i32
        %scan3A_195 = arith.addi %scan3A_193, %scan3A_194 : i32
        %scan3A_196 = arith.constant 1 : i32
        scf.for %scan3A_245 = %scan3A_193 to %scan3A_195 step %scan3A_196  : i32 {
          %mul3A_246 = arith.constant 4 : i32
          %mul3A_247 = arith.muli %scan3A_245, %mul3A_246 : i32
          %add3A_248 = arith.constant 0 : i32
          %add3A_249 = arith.addi %mul3A_247, %add3A_248 : i32
          %get3A = arith.index_cast %add3A_249 : i32 to index
          %get3A_250 = arith.constant 0 : index
          %get3A_251 = tpu.vector_load %arg23[%get3A, %get3A_250] {strides = array<i32>} : memref<112x128xf32, #tpu.memory_space<vmem>>, vector<16xf32>,
          %get3A_252 = arith.index_cast %add3A_249 : i32 to index
          %get3A_253 = arith.constant 16 : index
          %get3A_254 = tpu.vector_load %arg23[%get3A_252, %get3A_253] {strides = array<i32>} : memref<112x128xf32, #tpu.memory_space<vmem>>, vector<16xf32>,
          %get3A_255 = arith.index_cast %add3A_249 : i32 to index
          %get3A_256 = arith.constant 0 : index
          %get3A_257 = tpu.vector_load %arg24[%get3A_255, %get3A_256] {strides = array<i32>} : memref<112x128xf32, #tpu.memory_space<vmem>>, vector<16xf32>,
          %get3A_258 = arith.index_cast %add3A_249 : i32 to index
          %get3A_259 = arith.constant 16 : index
          %get3A_260 = tpu.vector_load %arg24[%get3A_258, %get3A_259] {strides = array<i32>} : memref<112x128xf32, #tpu.memory_space<vmem>>, vector<16xf32>,
          %mul3A_261 = arith.mulf %get3A_251, %get3A_257 : vector<16xf32>
          %lt3A = arith.constant 0 : i32
          %lt3A_262 = vector.broadcast %lt3A : i32 to vector<16xi32>
          %lt3A_263 = arith.cmpi slt, %and3A_4, %lt3A_262 : vector<16xi32>
          %add3A_264 = arith.constant 16 : i32
          %add3A_265 = vector.broadcast %add3A_264 : i32 to vector<16xi32>
          %add3A_266 = arith.addi %and3A_4, %add3A_265 : vector<16xi32>
          %select_n3A_267 = arith.select %lt3A_263, %add3A_266, %and3A_4 : vector<16xi1>, vector<16xi32>
          %broadcast_in_dim3A_268 = vector.shape_cast %select_n3A_267 : vector<16xi32> to vector<16x1xi32>
          %gather3A = vector.shape_cast %broadcast_in_dim3A_268 : vector<16x1xi32> to vector<16xi32>
          %gather3A_269 = tpu.dynamic_gather %mul3A_261[%gather3A] in [0] : vector<16xf32>, vector<16xi32> -> vector<16xf32>
          %add3A_270 = arith.addf %mul3A_261, %gather3A_269 : vector<16xf32>
          %lt3A_271 = arith.constant 0 : i32
          %lt3A_272 = vector.broadcast %lt3A_271 : i32 to vector<16xi32>
          %lt3A_273 = arith.cmpi slt, %and3A_10, %lt3A_272 : vector<16xi32>
          %add3A_274 = arith.constant 16 : i32
          %add3A_275 = vector.broadcast %add3A_274 : i32 to vector<16xi32>
          %add3A_276 = arith.addi %and3A_10, %add3A_275 : vector<16xi32>
          %select_n3A_277 = arith.select %lt3A_273, %add3A_276, %and3A_10 : vector<16xi1>, vector<16xi32>
          %broadcast_in_dim3A_278 = vector.shape_cast %select_n3A_277 : vector<16xi32> to vector<16x1xi32>
          %gather3A_279 = vector.shape_cast %broadcast_in_dim3A_278 : vector<16x1xi32> to vector<16xi32>
          %gather3A_280 = tpu.dynamic_gather %add3A_270[%gather3A_279] in [0] : vector<16xf32>, vector<16xi32> -> vector<16xf32>
          %add3A_281 = arith.addf %add3A_270, %gather3A_280 : vector<16xf32>
          %lt3A_282 = arith.constant 0 : i32
          %lt3A_283 = vector.broadcast %lt3A_282 : i32 to vector<16xi32>
          %lt3A_284 = arith.cmpi slt, %and3A_16, %lt3A_283 : vector<16xi32>
          %add3A_285 = arith.constant 16 : i32
          %add3A_286 = vector.broadcast %add3A_285 : i32 to vector<16xi32>
          %add3A_287 = arith.addi %and3A_16, %add3A_286 : vector<16xi32>
          %select_n3A_288 = arith.select %lt3A_284, %add3A_287, %and3A_16 : vector<16xi1>, vector<16xi32>
          %broadcast_in_dim3A_289 = vector.shape_cast %select_n3A_288 : vector<16xi32> to vector<16x1xi32>
          %gather3A_290 = vector.shape_cast %broadcast_in_dim3A_289 : vector<16x1xi32> to vector<16xi32>
          %gather3A_291 = tpu.dynamic_gather %add3A_281[%gather3A_290] in [0] : vector<16xf32>, vector<16xi32> -> vector<16xf32>
          %add3A_292 = arith.addf %add3A_281, %gather3A_291 : vector<16xf32>
          %lt3A_293 = arith.constant 0 : i32
          %lt3A_294 = vector.broadcast %lt3A_293 : i32 to vector<16xi32>
          %lt3A_295 = arith.cmpi slt, %and3A_22, %lt3A_294 : vector<16xi32>
          %add3A_296 = arith.constant 16 : i32
          %add3A_297 = vector.broadcast %add3A_296 : i32 to vector<16xi32>
          %add3A_298 = arith.addi %and3A_22, %add3A_297 : vector<16xi32>
          %select_n3A_299 = arith.select %lt3A_295, %add3A_298, %and3A_22 : vector<16xi1>, vector<16xi32>
          %broadcast_in_dim3A_300 = vector.shape_cast %select_n3A_299 : vector<16xi32> to vector<16x1xi32>
          %gather3A_301 = vector.shape_cast %broadcast_in_dim3A_300 : vector<16x1xi32> to vector<16xi32>
          %gather3A_302 = tpu.dynamic_gather %add3A_292[%gather3A_301] in [0] : vector<16xf32>, vector<16xi32> -> vector<16xf32>
          %add3A_303 = arith.addf %add3A_292, %gather3A_302 : vector<16xf32>
          %exp3A = math.exp %add3A_303 : vector<16xf32>
          %mul3A_304 = arith.mulf %get3A_254, %get3A_260 : vector<16xf32>
          %lt3A_305 = arith.constant 0 : i32
          %lt3A_306 = vector.broadcast %lt3A_305 : i32 to vector<16xi32>
          %lt3A_307 = arith.cmpi slt, %and3A_4, %lt3A_306 : vector<16xi32>
          %add3A_308 = arith.constant 16 : i32
          %add3A_309 = vector.broadcast %add3A_308 : i32 to vector<16xi32>
          %add3A_310 = arith.addi %and3A_4, %add3A_309 : vector<16xi32>
          %select_n3A_311 = arith.select %lt3A_307, %add3A_310, %and3A_4 : vector<16xi1>, vector<16xi32>
          %broadcast_in_dim3A_312 = vector.shape_cast %select_n3A_311 : vector<16xi32> to vector<16x1xi32>
          %gather3A_313 = vector.shape_cast %broadcast_in_dim3A_312 : vector<16x1xi32> to vector<16xi32>
          %gather3A_314 = tpu.dynamic_gather %mul3A_304[%gather3A_313] in [0] : vector<16xf32>, vector<16xi32> -> vector<16xf32>
          %add3A_315 = arith.addf %mul3A_304, %gather3A_314 : vector<16xf32>
          %lt3A_316 = arith.constant 0 : i32
          %lt3A_317 = vector.broadcast %lt3A_316 : i32 to vector<16xi32>
          %lt3A_318 = arith.cmpi slt, %and3A_10, %lt3A_317 : vector<16xi32>
          %add3A_319 = arith.constant 16 : i32
          %add3A_320 = vector.broadcast %add3A_319 : i32 to vector<16xi32>
          %add3A_321 = arith.addi %and3A_10, %add3A_320 : vector<16xi32>
          %select_n3A_322 = arith.select %lt3A_318, %add3A_321, %and3A_10 : vector<16xi1>, vector<16xi32>
          %broadcast_in_dim3A_323 = vector.shape_cast %select_n3A_322 : vector<16xi32> to vector<16x1xi32>
          %gather3A_324 = vector.shape_cast %broadcast_in_dim3A_323 : vector<16x1xi32> to vector<16xi32>
          %gather3A_325 = tpu.dynamic_gather %add3A_315[%gather3A_324] in [0] : vector<16xf32>, vector<16xi32> -> vector<16xf32>
          %add3A_326 = arith.addf %add3A_315, %gather3A_325 : vector<16xf32>
          %lt3A_327 = arith.constant 0 : i32
          %lt3A_328 = vector.broadcast %lt3A_327 : i32 to vector<16xi32>
          %lt3A_329 = arith.cmpi slt, %and3A_16, %lt3A_328 : vector<16xi32>
          %add3A_330 = arith.constant 16 : i32
          %add3A_331 = vector.broadcast %add3A_330 : i32 to vector<16xi32>
          %add3A_332 = arith.addi %and3A_16, %add3A_331 : vector<16xi32>
          %select_n3A_333 = arith.select %lt3A_329, %add3A_332, %and3A_16 : vector<16xi1>, vector<16xi32>
          %broadcast_in_dim3A_334 = vector.shape_cast %select_n3A_333 : vector<16xi32> to vector<16x1xi32>
          %gather3A_335 = vector.shape_cast %broadcast_in_dim3A_334 : vector<16x1xi32> to vector<16xi32>
          %gather3A_336 = tpu.dynamic_gather %add3A_326[%gather3A_335] in [0] : vector<16xf32>, vector<16xi32> -> vector<16xf32>
          %add3A_337 = arith.addf %add3A_326, %gather3A_336 : vector<16xf32>
          %lt3A_338 = arith.constant 0 : i32
          %lt3A_339 = vector.broadcast %lt3A_338 : i32 to vector<16xi32>
          %lt3A_340 = arith.cmpi slt, %and3A_22, %lt3A_339 : vector<16xi32>
          %add3A_341 = arith.constant 16 : i32
          %add3A_342 = vector.broadcast %add3A_341 : i32 to vector<16xi32>
          %add3A_343 = arith.addi %and3A_22, %add3A_342 : vector<16xi32>
          %select_n3A_344 = arith.select %lt3A_340, %add3A_343, %and3A_22 : vector<16xi1>, vector<16xi32>
          %broadcast_in_dim3A_345 = vector.shape_cast %select_n3A_344 : vector<16xi32> to vector<16x1xi32>
          %gather3A_346 = vector.shape_cast %broadcast_in_dim3A_345 : vector<16x1xi32> to vector<16xi32>
          %gather3A_347 = tpu.dynamic_gather %add3A_337[%gather3A_346] in [0] : vector<16xf32>, vector<16xi32> -> vector<16xf32>
          %add3A_348 = arith.addf %add3A_337, %gather3A_347 : vector<16xf32>
          %exp3A_349 = math.exp %add3A_348 : vector<16xf32>
          %get3A_350 = arith.index_cast %add3A_249 : i32 to index
          %get3A_351 = arith.constant 32 : index
          %get3A_352 = tpu.vector_load %arg24[%get3A_350, %get3A_351] {strides = array<i32>} : memref<112x128xf32, #tpu.memory_space<vmem>>, vector<16xf32>,
          %mul3A_353 = arith.mulf %get3A_352, %exp3A : vector<16xf32>
          %swap3A = arith.index_cast %add3A_249 : i32 to index
          %swap3A_354 = arith.constant 0 : index
          %swap3A_355 = tpu.vector_load %arg27[%swap3A, %swap3A_354] {strides = array<i32>} : memref<112x32xf32, #tpu.memory_space<vmem>>, vector<16xf32>,
          tpu.vector_store %arg27[%swap3A, %swap3A_354], %mul3A_353 {strides = array<i32>} : memref<112x32xf32, #tpu.memory_space<vmem>>, vector<16xf32>,
          %get3A_356 = arith.index_cast %add3A_249 : i32 to index
          %get3A_357 = arith.constant 48 : index
          %get3A_358 = tpu.vector_load %arg24[%get3A_356, %get3A_357] {strides = array<i32>} : memref<112x128xf32, #tpu.memory_space<vmem>>, vector<16xf32>,
          %mul3A_359 = arith.mulf %get3A_358, %exp3A_349 : vector<16xf32>
          %swap3A_360 = arith.index_cast %add3A_249 : i32 to index
          %swap3A_361 = arith.constant 16 : index
          %swap3A_362 = tpu.vector_load %arg27[%swap3A_360, %swap3A_361] {strides = array<i32>} : memref<112x32xf32, #tpu.memory_space<vmem>>, vector<16xf32>,
          tpu.vector_store %arg27[%swap3A_360, %swap3A_361], %mul3A_359 {strides = array<i32>} : memref<112x32xf32, #tpu.memory_space<vmem>>, vector<16xf32>,
          %broadcast_in_dim3A_363 = vector.broadcast %add3A_249 : i32 to vector<16xi32>
          %gather3A_364 = tpu.vector_load_idx %arg14[%broadcast_in_dim3A_363] : memref<112xi32, #tpu.memory_space<vmem>>[vector<16xi32>], vector<16xi32>,
          %eq3A = arith.cmpi eq, %iota3A, %gather3A_364 : vector<16xi32>
          %jit3A_365 = arith.constant 0.000000e+00 : f32
          %broadcast_in_dim3A_366 = vector.broadcast %jit3A_365 : f32 to vector<16xf32>
          %select_n3A_367 = arith.select %eq3A, %exp3A, %broadcast_in_dim3A_366 : vector<16xi1>, vector<16xf32>
          %add3A_368 = arith.constant 1 : i32
          %add3A_369 = vector.broadcast %add3A_368 : i32 to vector<16xi32>
          %add3A_370 = arith.addi %gather3A_364, %add3A_369 : vector<16xi32>
          %eq3A_371 = arith.cmpi eq, %iota3A, %add3A_370 : vector<16xi32>
          %jit3A_372 = arith.constant 0.000000e+00 : f32
          %broadcast_in_dim3A_373 = vector.broadcast %jit3A_372 : f32 to vector<16xf32>
          %select_n3A_374 = arith.select %eq3A_371, %exp3A_349, %broadcast_in_dim3A_373 : vector<16xi1>, vector<16xf32>
          %add3A_375 = arith.addf %select_n3A_367, %select_n3A_374 : vector<16xf32>
          %swap3A_376 = arith.index_cast %add3A_249 : i32 to index
          %swap3A_377 = arith.constant 0 : index
          %swap3A_378 = tpu.vector_load %arg28[%swap3A_376, %swap3A_377] {strides = array<i32>} : memref<112x16xf32, #tpu.memory_space<vmem>>, vector<16xf32>,
          tpu.vector_store %arg28[%swap3A_376, %swap3A_377], %add3A_375 {strides = array<i32>} : memref<112x16xf32, #tpu.memory_space<vmem>>, vector<16xf32>,
          %mul3A_379 = arith.constant 4 : i32
          %mul3A_380 = arith.muli %scan3A_245, %mul3A_379 : i32
          %add3A_381 = arith.constant 1 : i32
          %add3A_382 = arith.addi %mul3A_380, %add3A_381 : i32
          %get3A_383 = arith.index_cast %add3A_382 : i32 to index
          %get3A_384 = arith.constant 0 : index
          %get3A_385 = tpu.vector_load %arg23[%get3A_383, %get3A_384] {strides = array<i32>} : memref<112x128xf32, #tpu.memory_space<vmem>>, vector<16xf32>,
          %get3A_386 = arith.index_cast %add3A_382 : i32 to index
          %get3A_387 = arith.constant 16 : index
          %get3A_388 = tpu.vector_load %arg23[%get3A_386, %get3A_387] {strides = array<i32>} : memref<112x128xf32, #tpu.memory_space<vmem>>, vector<16xf32>,
          %get3A_389 = arith.index_cast %add3A_382 : i32 to index
          %get3A_390 = arith.constant 0 : index
          %get3A_391 = tpu.vector_load %arg24[%get3A_389, %get3A_390] {strides = array<i32>} : memref<112x128xf32, #tpu.memory_space<vmem>>, vector<16xf32>,
          %get3A_392 = arith.index_cast %add3A_382 : i32 to index
          %get3A_393 = arith.constant 16 : index
          %get3A_394 = tpu.vector_load %arg24[%get3A_392, %get3A_393] {strides = array<i32>} : memref<112x128xf32, #tpu.memory_space<vmem>>, vector<16xf32>,
          %mul3A_395 = arith.mulf %get3A_385, %get3A_391 : vector<16xf32>
          %lt3A_396 = arith.constant 0 : i32
          %lt3A_397 = vector.broadcast %lt3A_396 : i32 to vector<16xi32>
          %lt3A_398 = arith.cmpi slt, %and3A_4, %lt3A_397 : vector<16xi32>
          %add3A_399 = arith.constant 16 : i32
          %add3A_400 = vector.broadcast %add3A_399 : i32 to vector<16xi32>
          %add3A_401 = arith.addi %and3A_4, %add3A_400 : vector<16xi32>
          %select_n3A_402 = arith.select %lt3A_398, %add3A_401, %and3A_4 : vector<16xi1>, vector<16xi32>
          %broadcast_in_dim3A_403 = vector.shape_cast %select_n3A_402 : vector<16xi32> to vector<16x1xi32>
          %gather3A_404 = vector.shape_cast %broadcast_in_dim3A_403 : vector<16x1xi32> to vector<16xi32>
          %gather3A_405 = tpu.dynamic_gather %mul3A_395[%gather3A_404] in [0] : vector<16xf32>, vector<16xi32> -> vector<16xf32>
          %add3A_406 = arith.addf %mul3A_395, %gather3A_405 : vector<16xf32>
          %lt3A_407 = arith.constant 0 : i32
          %lt3A_408 = vector.broadcast %lt3A_407 : i32 to vector<16xi32>
          %lt3A_409 = arith.cmpi slt, %and3A_10, %lt3A_408 : vector<16xi32>
          %add3A_410 = arith.constant 16 : i32
          %add3A_411 = vector.broadcast %add3A_410 : i32 to vector<16xi32>
          %add3A_412 = arith.addi %and3A_10, %add3A_411 : vector<16xi32>
          %select_n3A_413 = arith.select %lt3A_409, %add3A_412, %and3A_10 : vector<16xi1>, vector<16xi32>
          %broadcast_in_dim3A_414 = vector.shape_cast %select_n3A_413 : vector<16xi32> to vector<16x1xi32>
          %gather3A_415 = vector.shape_cast %broadcast_in_dim3A_414 : vector<16x1xi32> to vector<16xi32>
          %gather3A_416 = tpu.dynamic_gather %add3A_406[%gather3A_415] in [0] : vector<16xf32>, vector<16xi32> -> vector<16xf32>
          %add3A_417 = arith.addf %add3A_406, %gather3A_416 : vector<16xf32>
          %lt3A_418 = arith.constant 0 : i32
          %lt3A_419 = vector.broadcast %lt3A_418 : i32 to vector<16xi32>
          %lt3A_420 = arith.cmpi slt, %and3A_16, %lt3A_419 : vector<16xi32>
          %add3A_421 = arith.constant 16 : i32
          %add3A_422 = vector.broadcast %add3A_421 : i32 to vector<16xi32>
          %add3A_423 = arith.addi %and3A_16, %add3A_422 : vector<16xi32>
          %select_n3A_424 = arith.select %lt3A_420, %add3A_423, %and3A_16 : vector<16xi1>, vector<16xi32>
          %broadcast_in_dim3A_425 = vector.shape_cast %select_n3A_424 : vector<16xi32> to vector<16x1xi32>
          %gather3A_426 = vector.shape_cast %broadcast_in_dim3A_425 : vector<16x1xi32> to vector<16xi32>
          %gather3A_427 = tpu.dynamic_gather %add3A_417[%gather3A_426] in [0] : vector<16xf32>, vector<16xi32> -> vector<16xf32>
          %add3A_428 = arith.addf %add3A_417, %gather3A_427 : vector<16xf32>
          %lt3A_429 = arith.constant 0 : i32
          %lt3A_430 = vector.broadcast %lt3A_429 : i32 to vector<16xi32>
          %lt3A_431 = arith.cmpi slt, %and3A_22, %lt3A_430 : vector<16xi32>
          %add3A_432 = arith.constant 16 : i32
          %add3A_433 = vector.broadcast %add3A_432 : i32 to vector<16xi32>
          %add3A_434 = arith.addi %and3A_22, %add3A_433 : vector<16xi32>
          %select_n3A_435 = arith.select %lt3A_431, %add3A_434, %and3A_22 : vector<16xi1>, vector<16xi32>
          %broadcast_in_dim3A_436 = vector.shape_cast %select_n3A_435 : vector<16xi32> to vector<16x1xi32>
          %gather3A_437 = vector.shape_cast %broadcast_in_dim3A_436 : vector<16x1xi32> to vector<16xi32>
          %gather3A_438 = tpu.dynamic_gather %add3A_428[%gather3A_437] in [0] : vector<16xf32>, vector<16xi32> -> vector<16xf32>
          %add3A_439 = arith.addf %add3A_428, %gather3A_438 : vector<16xf32>
          %exp3A_440 = math.exp %add3A_439 : vector<16xf32>
          %mul3A_441 = arith.mulf %get3A_388, %get3A_394 : vector<16xf32>
          %lt3A_442 = arith.constant 0 : i32
          %lt3A_443 = vector.broadcast %lt3A_442 : i32 to vector<16xi32>
          %lt3A_444 = arith.cmpi slt, %and3A_4, %lt3A_443 : vector<16xi32>
          %add3A_445 = arith.constant 16 : i32
          %add3A_446 = vector.broadcast %add3A_445 : i32 to vector<16xi32>
          %add3A_447 = arith.addi %and3A_4, %add3A_446 : vector<16xi32>
          %select_n3A_448 = arith.select %lt3A_444, %add3A_447, %and3A_4 : vector<16xi1>, vector<16xi32>
          %broadcast_in_dim3A_449 = vector.shape_cast %select_n3A_448 : vector<16xi32> to vector<16x1xi32>
          %gather3A_450 = vector.shape_cast %broadcast_in_dim3A_449 : vector<16x1xi32> to vector<16xi32>
          %gather3A_451 = tpu.dynamic_gather %mul3A_441[%gather3A_450] in [0] : vector<16xf32>, vector<16xi32> -> vector<16xf32>
          %add3A_452 = arith.addf %mul3A_441, %gather3A_451 : vector<16xf32>
          %lt3A_453 = arith.constant 0 : i32
          %lt3A_454 = vector.broadcast %lt3A_453 : i32 to vector<16xi32>
          %lt3A_455 = arith.cmpi slt, %and3A_10, %lt3A_454 : vector<16xi32>
          %add3A_456 = arith.constant 16 : i32
          %add3A_457 = vector.broadcast %add3A_456 : i32 to vector<16xi32>
          %add3A_458 = arith.addi %and3A_10, %add3A_457 : vector<16xi32>
          %select_n3A_459 = arith.select %lt3A_455, %add3A_458, %and3A_10 : vector<16xi1>, vector<16xi32>
          %broadcast_in_dim3A_460 = vector.shape_cast %select_n3A_459 : vector<16xi32> to vector<16x1xi32>
          %gather3A_461 = vector.shape_cast %broadcast_in_dim3A_460 : vector<16x1xi32> to vector<16xi32>
          %gather3A_462 = tpu.dynamic_gather %add3A_452[%gather3A_461] in [0] : vector<16xf32>, vector<16xi32> -> vector<16xf32>
          %add3A_463 = arith.addf %add3A_452, %gather3A_462 : vector<16xf32>
          %lt3A_464 = arith.constant 0 : i32
          %lt3A_465 = vector.broadcast %lt3A_464 : i32 to vector<16xi32>
          %lt3A_466 = arith.cmpi slt, %and3A_16, %lt3A_465 : vector<16xi32>
          %add3A_467 = arith.constant 16 : i32
          %add3A_468 = vector.broadcast %add3A_467 : i32 to vector<16xi32>
          %add3A_469 = arith.addi %and3A_16, %add3A_468 : vector<16xi32>
          %select_n3A_470 = arith.select %lt3A_466, %add3A_469, %and3A_16 : vector<16xi1>, vector<16xi32>
          %broadcast_in_dim3A_471 = vector.shape_cast %select_n3A_470 : vector<16xi32> to vector<16x1xi32>
          %gather3A_472 = vector.shape_cast %broadcast_in_dim3A_471 : vector<16x1xi32> to vector<16xi32>
          %gather3A_473 = tpu.dynamic_gather %add3A_463[%gather3A_472] in [0] : vector<16xf32>, vector<16xi32> -> vector<16xf32>
          %add3A_474 = arith.addf %add3A_463, %gather3A_473 : vector<16xf32>
          %lt3A_475 = arith.constant 0 : i32
          %lt3A_476 = vector.broadcast %lt3A_475 : i32 to vector<16xi32>
          %lt3A_477 = arith.cmpi slt, %and3A_22, %lt3A_476 : vector<16xi32>
          %add3A_478 = arith.constant 16 : i32
          %add3A_479 = vector.broadcast %add3A_478 : i32 to vector<16xi32>
          %add3A_480 = arith.addi %and3A_22, %add3A_479 : vector<16xi32>
          %select_n3A_481 = arith.select %lt3A_477, %add3A_480, %and3A_22 : vector<16xi1>, vector<16xi32>
          %broadcast_in_dim3A_482 = vector.shape_cast %select_n3A_481 : vector<16xi32> to vector<16x1xi32>
          %gather3A_483 = vector.shape_cast %broadcast_in_dim3A_482 : vector<16x1xi32> to vector<16xi32>
          %gather3A_484 = tpu.dynamic_gather %add3A_474[%gather3A_483] in [0] : vector<16xf32>, vector<16xi32> -> vector<16xf32>
          %add3A_485 = arith.addf %add3A_474, %gather3A_484 : vector<16xf32>
          %exp3A_486 = math.exp %add3A_485 : vector<16xf32>
          %get3A_487 = arith.index_cast %add3A_382 : i32 to index
          %get3A_488 = arith.constant 32 : index
          %get3A_489 = tpu.vector_load %arg24[%get3A_487, %get3A_488] {strides = array<i32>} : memref<112x128xf32, #tpu.memory_space<vmem>>, vector<16xf32>,
          %mul3A_490 = arith.mulf %get3A_489, %exp3A_440 : vector<16xf32>
          %swap3A_491 = arith.index_cast %add3A_382 : i32 to index
          %swap3A_492 = arith.constant 0 : index
          %swap3A_493 = tpu.vector_load %arg27[%swap3A_491, %swap3A_492] {strides = array<i32>} : memref<112x32xf32, #tpu.memory_space<vmem>>, vector<16xf32>,
          tpu.vector_store %arg27[%swap3A_491, %swap3A_492], %mul3A_490 {strides = array<i32>} : memref<112x32xf32, #tpu.memory_space<vmem>>, vector<16xf32>,
          %get3A_494 = arith.index_cast %add3A_382 : i32 to index
          %get3A_495 = arith.constant 48 : index
          %get3A_496 = tpu.vector_load %arg24[%get3A_494, %get3A_495] {strides = array<i32>} : memref<112x128xf32, #tpu.memory_space<vmem>>, vector<16xf32>,
          %mul3A_497 = arith.mulf %get3A_496, %exp3A_486 : vector<16xf32>
          %swap3A_498 = arith.index_cast %add3A_382 : i32 to index
          %swap3A_499 = arith.constant 16 : index
          %swap3A_500 = tpu.vector_load %arg27[%swap3A_498, %swap3A_499] {strides = array<i32>} : memref<112x32xf32, #tpu.memory_space<vmem>>, vector<16xf32>,
          tpu.vector_store %arg27[%swap3A_498, %swap3A_499], %mul3A_497 {strides = array<i32>} : memref<112x32xf32, #tpu.memory_space<vmem>>, vector<16xf32>,
          %broadcast_in_dim3A_501 = vector.broadcast %add3A_382 : i32 to vector<16xi32>
          %gather3A_502 = tpu.vector_load_idx %arg14[%broadcast_in_dim3A_501] : memref<112xi32, #tpu.memory_space<vmem>>[vector<16xi32>], vector<16xi32>,
          %eq3A_503 = arith.cmpi eq, %iota3A, %gather3A_502 : vector<16xi32>
          %jit3A_504 = arith.constant 0.000000e+00 : f32
          %broadcast_in_dim3A_505 = vector.broadcast %jit3A_504 : f32 to vector<16xf32>
          %select_n3A_506 = arith.select %eq3A_503, %exp3A_440, %broadcast_in_dim3A_505 : vector<16xi1>, vector<16xf32>
          %add3A_507 = arith.constant 1 : i32
          %add3A_508 = vector.broadcast %add3A_507 : i32 to vector<16xi32>
          %add3A_509 = arith.addi %gather3A_502, %add3A_508 : vector<16xi32>
          %eq3A_510 = arith.cmpi eq, %iota3A, %add3A_509 : vector<16xi32>
          %jit3A_511 = arith.constant 0.000000e+00 : f32
          %broadcast_in_dim3A_512 = vector.broadcast %jit3A_511 : f32 to vector<16xf32>
          %select_n3A_513 = arith.select %eq3A_510, %exp3A_486, %broadcast_in_dim3A_512 : vector<16xi1>, vector<16xf32>
          %add3A_514 = arith.addf %select_n3A_506, %select_n3A_513 : vector<16xf32>
          %swap3A_515 = arith.index_cast %add3A_382 : i32 to index
          %swap3A_516 = arith.constant 0 : index
          %swap3A_517 = tpu.vector_load %arg28[%swap3A_515, %swap3A_516] {strides = array<i32>} : memref<112x16xf32, #tpu.memory_space<vmem>>, vector<16xf32>,
          tpu.vector_store %arg28[%swap3A_515, %swap3A_516], %add3A_514 {strides = array<i32>} : memref<112x16xf32, #tpu.memory_space<vmem>>, vector<16xf32>,
          %mul3A_518 = arith.constant 4 : i32
          %mul3A_519 = arith.muli %scan3A_245, %mul3A_518 : i32
          %add3A_520 = arith.constant 2 : i32
          %add3A_521 = arith.addi %mul3A_519, %add3A_520 : i32
          %get3A_522 = arith.index_cast %add3A_521 : i32 to index
          %get3A_523 = arith.constant 0 : index
          %get3A_524 = tpu.vector_load %arg23[%get3A_522, %get3A_523] {strides = array<i32>} : memref<112x128xf32, #tpu.memory_space<vmem>>, vector<16xf32>,
          %get3A_525 = arith.index_cast %add3A_521 : i32 to index
          %get3A_526 = arith.constant 16 : index
          %get3A_527 = tpu.vector_load %arg23[%get3A_525, %get3A_526] {strides = array<i32>} : memref<112x128xf32, #tpu.memory_space<vmem>>, vector<16xf32>,
          %get3A_528 = arith.index_cast %add3A_521 : i32 to index
          %get3A_529 = arith.constant 0 : index
          %get3A_530 = tpu.vector_load %arg24[%get3A_528, %get3A_529] {strides = array<i32>} : memref<112x128xf32, #tpu.memory_space<vmem>>, vector<16xf32>,
          %get3A_531 = arith.index_cast %add3A_521 : i32 to index
          %get3A_532 = arith.constant 16 : index
          %get3A_533 = tpu.vector_load %arg24[%get3A_531, %get3A_532] {strides = array<i32>} : memref<112x128xf32, #tpu.memory_space<vmem>>, vector<16xf32>,
          %mul3A_534 = arith.mulf %get3A_524, %get3A_530 : vector<16xf32>
          %lt3A_535 = arith.constant 0 : i32
          %lt3A_536 = vector.broadcast %lt3A_535 : i32 to vector<16xi32>
          %lt3A_537 = arith.cmpi slt, %and3A_4, %lt3A_536 : vector<16xi32>
          %add3A_538 = arith.constant 16 : i32
          %add3A_539 = vector.broadcast %add3A_538 : i32 to vector<16xi32>
          %add3A_540 = arith.addi %and3A_4, %add3A_539 : vector<16xi32>
          %select_n3A_541 = arith.select %lt3A_537, %add3A_540, %and3A_4 : vector<16xi1>, vector<16xi32>
          %broadcast_in_dim3A_542 = vector.shape_cast %select_n3A_541 : vector<16xi32> to vector<16x1xi32>
          %gather3A_543 = vector.shape_cast %broadcast_in_dim3A_542 : vector<16x1xi32> to vector<16xi32>
          %gather3A_544 = tpu.dynamic_gather %mul3A_534[%gather3A_543] in [0] : vector<16xf32>, vector<16xi32> -> vector<16xf32>
          %add3A_545 = arith.addf %mul3A_534, %gather3A_544 : vector<16xf32>
          %lt3A_546 = arith.constant 0 : i32
          %lt3A_547 = vector.broadcast %lt3A_546 : i32 to vector<16xi32>
          %lt3A_548 = arith.cmpi slt, %and3A_10, %lt3A_547 : vector<16xi32>
          %add3A_549 = arith.constant 16 : i32
          %add3A_550 = vector.broadcast %add3A_549 : i32 to vector<16xi32>
          %add3A_551 = arith.addi %and3A_10, %add3A_550 : vector<16xi32>
          %select_n3A_552 = arith.select %lt3A_548, %add3A_551, %and3A_10 : vector<16xi1>, vector<16xi32>
          %broadcast_in_dim3A_553 = vector.shape_cast %select_n3A_552 : vector<16xi32> to vector<16x1xi32>
          %gather3A_554 = vector.shape_cast %broadcast_in_dim3A_553 : vector<16x1xi32> to vector<16xi32>
          %gather3A_555 = tpu.dynamic_gather %add3A_545[%gather3A_554] in [0] : vector<16xf32>, vector<16xi32> -> vector<16xf32>
          %add3A_556 = arith.addf %add3A_545, %gather3A_555 : vector<16xf32>
          %lt3A_557 = arith.constant 0 : i32
          %lt3A_558 = vector.broadcast %lt3A_557 : i32 to vector<16xi32>
          %lt3A_559 = arith.cmpi slt, %and3A_16, %lt3A_558 : vector<16xi32>
          %add3A_560 = arith.constant 16 : i32
          %add3A_561 = vector.broadcast %add3A_560 : i32 to vector<16xi32>
          %add3A_562 = arith.addi %and3A_16, %add3A_561 : vector<16xi32>
          %select_n3A_563 = arith.select %lt3A_559, %add3A_562, %and3A_16 : vector<16xi1>, vector<16xi32>
          %broadcast_in_dim3A_564 = vector.shape_cast %select_n3A_563 : vector<16xi32> to vector<16x1xi32>
          %gather3A_565 = vector.shape_cast %broadcast_in_dim3A_564 : vector<16x1xi32> to vector<16xi32>
          %gather3A_566 = tpu.dynamic_gather %add3A_556[%gather3A_565] in [0] : vector<16xf32>, vector<16xi32> -> vector<16xf32>
          %add3A_567 = arith.addf %add3A_556, %gather3A_566 : vector<16xf32>
          %lt3A_568 = arith.constant 0 : i32
          %lt3A_569 = vector.broadcast %lt3A_568 : i32 to vector<16xi32>
          %lt3A_570 = arith.cmpi slt, %and3A_22, %lt3A_569 : vector<16xi32>
          %add3A_571 = arith.constant 16 : i32
          %add3A_572 = vector.broadcast %add3A_571 : i32 to vector<16xi32>
          %add3A_573 = arith.addi %and3A_22, %add3A_572 : vector<16xi32>
          %select_n3A_574 = arith.select %lt3A_570, %add3A_573, %and3A_22 : vector<16xi1>, vector<16xi32>
          %broadcast_in_dim3A_575 = vector.shape_cast %select_n3A_574 : vector<16xi32> to vector<16x1xi32>
          %gather3A_576 = vector.shape_cast %broadcast_in_dim3A_575 : vector<16x1xi32> to vector<16xi32>
          %gather3A_577 = tpu.dynamic_gather %add3A_567[%gather3A_576] in [0] : vector<16xf32>, vector<16xi32> -> vector<16xf32>
          %add3A_578 = arith.addf %add3A_567, %gather3A_577 : vector<16xf32>
          %exp3A_579 = math.exp %add3A_578 : vector<16xf32>
          %mul3A_580 = arith.mulf %get3A_527, %get3A_533 : vector<16xf32>
          %lt3A_581 = arith.constant 0 : i32
          %lt3A_582 = vector.broadcast %lt3A_581 : i32 to vector<16xi32>
          %lt3A_583 = arith.cmpi slt, %and3A_4, %lt3A_582 : vector<16xi32>
          %add3A_584 = arith.constant 16 : i32
          %add3A_585 = vector.broadcast %add3A_584 : i32 to vector<16xi32>
          %add3A_586 = arith.addi %and3A_4, %add3A_585 : vector<16xi32>
          %select_n3A_587 = arith.select %lt3A_583, %add3A_586, %and3A_4 : vector<16xi1>, vector<16xi32>
          %broadcast_in_dim3A_588 = vector.shape_cast %select_n3A_587 : vector<16xi32> to vector<16x1xi32>
          %gather3A_589 = vector.shape_cast %broadcast_in_dim3A_588 : vector<16x1xi32> to vector<16xi32>
          %gather3A_590 = tpu.dynamic_gather %mul3A_580[%gather3A_589] in [0] : vector<16xf32>, vector<16xi32> -> vector<16xf32>
          %add3A_591 = arith.addf %mul3A_580, %gather3A_590 : vector<16xf32>
          %lt3A_592 = arith.constant 0 : i32
          %lt3A_593 = vector.broadcast %lt3A_592 : i32 to vector<16xi32>
          %lt3A_594 = arith.cmpi slt, %and3A_10, %lt3A_593 : vector<16xi32>
          %add3A_595 = arith.constant 16 : i32
          %add3A_596 = vector.broadcast %add3A_595 : i32 to vector<16xi32>
          %add3A_597 = arith.addi %and3A_10, %add3A_596 : vector<16xi32>
          %select_n3A_598 = arith.select %lt3A_594, %add3A_597, %and3A_10 : vector<16xi1>, vector<16xi32>
          %broadcast_in_dim3A_599 = vector.shape_cast %select_n3A_598 : vector<16xi32> to vector<16x1xi32>
          %gather3A_600 = vector.shape_cast %broadcast_in_dim3A_599 : vector<16x1xi32> to vector<16xi32>
          %gather3A_601 = tpu.dynamic_gather %add3A_591[%gather3A_600] in [0] : vector<16xf32>, vector<16xi32> -> vector<16xf32>
          %add3A_602 = arith.addf %add3A_591, %gather3A_601 : vector<16xf32>
          %lt3A_603 = arith.constant 0 : i32
          %lt3A_604 = vector.broadcast %lt3A_603 : i32 to vector<16xi32>
          %lt3A_605 = arith.cmpi slt, %and3A_16, %lt3A_604 : vector<16xi32>
          %add3A_606 = arith.constant 16 : i32
          %add3A_607 = vector.broadcast %add3A_606 : i32 to vector<16xi32>
          %add3A_608 = arith.addi %and3A_16, %add3A_607 : vector<16xi32>
          %select_n3A_609 = arith.select %lt3A_605, %add3A_608, %and3A_16 : vector<16xi1>, vector<16xi32>
          %broadcast_in_dim3A_610 = vector.shape_cast %select_n3A_609 : vector<16xi32> to vector<16x1xi32>
          %gather3A_611 = vector.shape_cast %broadcast_in_dim3A_610 : vector<16x1xi32> to vector<16xi32>
          %gather3A_612 = tpu.dynamic_gather %add3A_602[%gather3A_611] in [0] : vector<16xf32>, vector<16xi32> -> vector<16xf32>
          %add3A_613 = arith.addf %add3A_602, %gather3A_612 : vector<16xf32>
          %lt3A_614 = arith.constant 0 : i32
          %lt3A_615 = vector.broadcast %lt3A_614 : i32 to vector<16xi32>
          %lt3A_616 = arith.cmpi slt, %and3A_22, %lt3A_615 : vector<16xi32>
          %add3A_617 = arith.constant 16 : i32
          %add3A_618 = vector.broadcast %add3A_617 : i32 to vector<16xi32>
          %add3A_619 = arith.addi %and3A_22, %add3A_618 : vector<16xi32>
          %select_n3A_620 = arith.select %lt3A_616, %add3A_619, %and3A_22 : vector<16xi1>, vector<16xi32>
          %broadcast_in_dim3A_621 = vector.shape_cast %select_n3A_620 : vector<16xi32> to vector<16x1xi32>
          %gather3A_622 = vector.shape_cast %broadcast_in_dim3A_621 : vector<16x1xi32> to vector<16xi32>
          %gather3A_623 = tpu.dynamic_gather %add3A_613[%gather3A_622] in [0] : vector<16xf32>, vector<16xi32> -> vector<16xf32>
          %add3A_624 = arith.addf %add3A_613, %gather3A_623 : vector<16xf32>
          %exp3A_625 = math.exp %add3A_624 : vector<16xf32>
          %get3A_626 = arith.index_cast %add3A_521 : i32 to index
          %get3A_627 = arith.constant 32 : index
          %get3A_628 = tpu.vector_load %arg24[%get3A_626, %get3A_627] {strides = array<i32>} : memref<112x128xf32, #tpu.memory_space<vmem>>, vector<16xf32>,
          %mul3A_629 = arith.mulf %get3A_628, %exp3A_579 : vector<16xf32>
          %swap3A_630 = arith.index_cast %add3A_521 : i32 to index
          %swap3A_631 = arith.constant 0 : index
          %swap3A_632 = tpu.vector_load %arg27[%swap3A_630, %swap3A_631] {strides = array<i32>} : memref<112x32xf32, #tpu.memory_space<vmem>>, vector<16xf32>,
          tpu.vector_store %arg27[%swap3A_630, %swap3A_631], %mul3A_629 {strides = array<i32>} : memref<112x32xf32, #tpu.memory_space<vmem>>, vector<16xf32>,
          %get3A_633 = arith.index_cast %add3A_521 : i32 to index
          %get3A_634 = arith.constant 48 : index
          %get3A_635 = tpu.vector_load %arg24[%get3A_633, %get3A_634] {strides = array<i32>} : memref<112x128xf32, #tpu.memory_space<vmem>>, vector<16xf32>,
          %mul3A_636 = arith.mulf %get3A_635, %exp3A_625 : vector<16xf32>
          %swap3A_637 = arith.index_cast %add3A_521 : i32 to index
          %swap3A_638 = arith.constant 16 : index
          %swap3A_639 = tpu.vector_load %arg27[%swap3A_637, %swap3A_638] {strides = array<i32>} : memref<112x32xf32, #tpu.memory_space<vmem>>, vector<16xf32>,
          tpu.vector_store %arg27[%swap3A_637, %swap3A_638], %mul3A_636 {strides = array<i32>} : memref<112x32xf32, #tpu.memory_space<vmem>>, vector<16xf32>,
          %broadcast_in_dim3A_640 = vector.broadcast %add3A_521 : i32 to vector<16xi32>
          %gather3A_641 = tpu.vector_load_idx %arg14[%broadcast_in_dim3A_640] : memref<112xi32, #tpu.memory_space<vmem>>[vector<16xi32>], vector<16xi32>,
          %eq3A_642 = arith.cmpi eq, %iota3A, %gather3A_641 : vector<16xi32>
          %jit3A_643 = arith.constant 0.000000e+00 : f32
          %broadcast_in_dim3A_644 = vector.broadcast %jit3A_643 : f32 to vector<16xf32>
          %select_n3A_645 = arith.select %eq3A_642, %exp3A_579, %broadcast_in_dim3A_644 : vector<16xi1>, vector<16xf32>
          %add3A_646 = arith.constant 1 : i32
          %add3A_647 = vector.broadcast %add3A_646 : i32 to vector<16xi32>
          %add3A_648 = arith.addi %gather3A_641, %add3A_647 : vector<16xi32>
          %eq3A_649 = arith.cmpi eq, %iota3A, %add3A_648 : vector<16xi32>
          %jit3A_650 = arith.constant 0.000000e+00 : f32
          %broadcast_in_dim3A_651 = vector.broadcast %jit3A_650 : f32 to vector<16xf32>
          %select_n3A_652 = arith.select %eq3A_649, %exp3A_625, %broadcast_in_dim3A_651 : vector<16xi1>, vector<16xf32>
          %add3A_653 = arith.addf %select_n3A_645, %select_n3A_652 : vector<16xf32>
          %swap3A_654 = arith.index_cast %add3A_521 : i32 to index
          %swap3A_655 = arith.constant 0 : index
          %swap3A_656 = tpu.vector_load %arg28[%swap3A_654, %swap3A_655] {strides = array<i32>} : memref<112x16xf32, #tpu.memory_space<vmem>>, vector<16xf32>,
          tpu.vector_store %arg28[%swap3A_654, %swap3A_655], %add3A_653 {strides = array<i32>} : memref<112x16xf32, #tpu.memory_space<vmem>>, vector<16xf32>,
          %mul3A_657 = arith.constant 4 : i32
          %mul3A_658 = arith.muli %scan3A_245, %mul3A_657 : i32
          %add3A_659 = arith.constant 3 : i32
          %add3A_660 = arith.addi %mul3A_658, %add3A_659 : i32
          %get3A_661 = arith.index_cast %add3A_660 : i32 to index
          %get3A_662 = arith.constant 0 : index
          %get3A_663 = tpu.vector_load %arg23[%get3A_661, %get3A_662] {strides = array<i32>} : memref<112x128xf32, #tpu.memory_space<vmem>>, vector<16xf32>,
          %get3A_664 = arith.index_cast %add3A_660 : i32 to index
          %get3A_665 = arith.constant 16 : index
          %get3A_666 = tpu.vector_load %arg23[%get3A_664, %get3A_665] {strides = array<i32>} : memref<112x128xf32, #tpu.memory_space<vmem>>, vector<16xf32>,
          %get3A_667 = arith.index_cast %add3A_660 : i32 to index
          %get3A_668 = arith.constant 0 : index
          %get3A_669 = tpu.vector_load %arg24[%get3A_667, %get3A_668] {strides = array<i32>} : memref<112x128xf32, #tpu.memory_space<vmem>>, vector<16xf32>,
          %get3A_670 = arith.index_cast %add3A_660 : i32 to index
          %get3A_671 = arith.constant 16 : index
          %get3A_672 = tpu.vector_load %arg24[%get3A_670, %get3A_671] {strides = array<i32>} : memref<112x128xf32, #tpu.memory_space<vmem>>, vector<16xf32>,
          %mul3A_673 = arith.mulf %get3A_663, %get3A_669 : vector<16xf32>
          %lt3A_674 = arith.constant 0 : i32
          %lt3A_675 = vector.broadcast %lt3A_674 : i32 to vector<16xi32>
          %lt3A_676 = arith.cmpi slt, %and3A_4, %lt3A_675 : vector<16xi32>
          %add3A_677 = arith.constant 16 : i32
          %add3A_678 = vector.broadcast %add3A_677 : i32 to vector<16xi32>
          %add3A_679 = arith.addi %and3A_4, %add3A_678 : vector<16xi32>
          %select_n3A_680 = arith.select %lt3A_676, %add3A_679, %and3A_4 : vector<16xi1>, vector<16xi32>
          %broadcast_in_dim3A_681 = vector.shape_cast %select_n3A_680 : vector<16xi32> to vector<16x1xi32>
          %gather3A_682 = vector.shape_cast %broadcast_in_dim3A_681 : vector<16x1xi32> to vector<16xi32>
          %gather3A_683 = tpu.dynamic_gather %mul3A_673[%gather3A_682] in [0] : vector<16xf32>, vector<16xi32> -> vector<16xf32>
          %add3A_684 = arith.addf %mul3A_673, %gather3A_683 : vector<16xf32>
          %lt3A_685 = arith.constant 0 : i32
          %lt3A_686 = vector.broadcast %lt3A_685 : i32 to vector<16xi32>
          %lt3A_687 = arith.cmpi slt, %and3A_10, %lt3A_686 : vector<16xi32>
          %add3A_688 = arith.constant 16 : i32
          %add3A_689 = vector.broadcast %add3A_688 : i32 to vector<16xi32>
          %add3A_690 = arith.addi %and3A_10, %add3A_689 : vector<16xi32>
          %select_n3A_691 = arith.select %lt3A_687, %add3A_690, %and3A_10 : vector<16xi1>, vector<16xi32>
          %broadcast_in_dim3A_692 = vector.shape_cast %select_n3A_691 : vector<16xi32> to vector<16x1xi32>
          %gather3A_693 = vector.shape_cast %broadcast_in_dim3A_692 : vector<16x1xi32> to vector<16xi32>
          %gather3A_694 = tpu.dynamic_gather %add3A_684[%gather3A_693] in [0] : vector<16xf32>, vector<16xi32> -> vector<16xf32>
          %add3A_695 = arith.addf %add3A_684, %gather3A_694 : vector<16xf32>
          %lt3A_696 = arith.constant 0 : i32
          %lt3A_697 = vector.broadcast %lt3A_696 : i32 to vector<16xi32>
          %lt3A_698 = arith.cmpi slt, %and3A_16, %lt3A_697 : vector<16xi32>
          %add3A_699 = arith.constant 16 : i32
          %add3A_700 = vector.broadcast %add3A_699 : i32 to vector<16xi32>
          %add3A_701 = arith.addi %and3A_16, %add3A_700 : vector<16xi32>
          %select_n3A_702 = arith.select %lt3A_698, %add3A_701, %and3A_16 : vector<16xi1>, vector<16xi32>
          %broadcast_in_dim3A_703 = vector.shape_cast %select_n3A_702 : vector<16xi32> to vector<16x1xi32>
          %gather3A_704 = vector.shape_cast %broadcast_in_dim3A_703 : vector<16x1xi32> to vector<16xi32>
          %gather3A_705 = tpu.dynamic_gather %add3A_695[%gather3A_704] in [0] : vector<16xf32>, vector<16xi32> -> vector<16xf32>
          %add3A_706 = arith.addf %add3A_695, %gather3A_705 : vector<16xf32>
          %lt3A_707 = arith.constant 0 : i32
          %lt3A_708 = vector.broadcast %lt3A_707 : i32 to vector<16xi32>
          %lt3A_709 = arith.cmpi slt, %and3A_22, %lt3A_708 : vector<16xi32>
          %add3A_710 = arith.constant 16 : i32
          %add3A_711 = vector.broadcast %add3A_710 : i32 to vector<16xi32>
          %add3A_712 = arith.addi %and3A_22, %add3A_711 : vector<16xi32>
          %select_n3A_713 = arith.select %lt3A_709, %add3A_712, %and3A_22 : vector<16xi1>, vector<16xi32>
          %broadcast_in_dim3A_714 = vector.shape_cast %select_n3A_713 : vector<16xi32> to vector<16x1xi32>
          %gather3A_715 = vector.shape_cast %broadcast_in_dim3A_714 : vector<16x1xi32> to vector<16xi32>
          %gather3A_716 = tpu.dynamic_gather %add3A_706[%gather3A_715] in [0] : vector<16xf32>, vector<16xi32> -> vector<16xf32>
          %add3A_717 = arith.addf %add3A_706, %gather3A_716 : vector<16xf32>
          %exp3A_718 = math.exp %add3A_717 : vector<16xf32>
          %mul3A_719 = arith.mulf %get3A_666, %get3A_672 : vector<16xf32>
          %lt3A_720 = arith.constant 0 : i32
          %lt3A_721 = vector.broadcast %lt3A_720 : i32 to vector<16xi32>
          %lt3A_722 = arith.cmpi slt, %and3A_4, %lt3A_721 : vector<16xi32>
          %add3A_723 = arith.constant 16 : i32
          %add3A_724 = vector.broadcast %add3A_723 : i32 to vector<16xi32>
          %add3A_725 = arith.addi %and3A_4, %add3A_724 : vector<16xi32>
          %select_n3A_726 = arith.select %lt3A_722, %add3A_725, %and3A_4 : vector<16xi1>, vector<16xi32>
          %broadcast_in_dim3A_727 = vector.shape_cast %select_n3A_726 : vector<16xi32> to vector<16x1xi32>
          %gather3A_728 = vector.shape_cast %broadcast_in_dim3A_727 : vector<16x1xi32> to vector<16xi32>
          %gather3A_729 = tpu.dynamic_gather %mul3A_719[%gather3A_728] in [0] : vector<16xf32>, vector<16xi32> -> vector<16xf32>
          %add3A_730 = arith.addf %mul3A_719, %gather3A_729 : vector<16xf32>
          %lt3A_731 = arith.constant 0 : i32
          %lt3A_732 = vector.broadcast %lt3A_731 : i32 to vector<16xi32>
          %lt3A_733 = arith.cmpi slt, %and3A_10, %lt3A_732 : vector<16xi32>
          %add3A_734 = arith.constant 16 : i32
          %add3A_735 = vector.broadcast %add3A_734 : i32 to vector<16xi32>
          %add3A_736 = arith.addi %and3A_10, %add3A_735 : vector<16xi32>
          %select_n3A_737 = arith.select %lt3A_733, %add3A_736, %and3A_10 : vector<16xi1>, vector<16xi32>
          %broadcast_in_dim3A_738 = vector.shape_cast %select_n3A_737 : vector<16xi32> to vector<16x1xi32>
          %gather3A_739 = vector.shape_cast %broadcast_in_dim3A_738 : vector<16x1xi32> to vector<16xi32>
          %gather3A_740 = tpu.dynamic_gather %add3A_730[%gather3A_739] in [0] : vector<16xf32>, vector<16xi32> -> vector<16xf32>
          %add3A_741 = arith.addf %add3A_730, %gather3A_740 : vector<16xf32>
          %lt3A_742 = arith.constant 0 : i32
          %lt3A_743 = vector.broadcast %lt3A_742 : i32 to vector<16xi32>
          %lt3A_744 = arith.cmpi slt, %and3A_16, %lt3A_743 : vector<16xi32>
          %add3A_745 = arith.constant 16 : i32
          %add3A_746 = vector.broadcast %add3A_745 : i32 to vector<16xi32>
          %add3A_747 = arith.addi %and3A_16, %add3A_746 : vector<16xi32>
          %select_n3A_748 = arith.select %lt3A_744, %add3A_747, %and3A_16 : vector<16xi1>, vector<16xi32>
          %broadcast_in_dim3A_749 = vector.shape_cast %select_n3A_748 : vector<16xi32> to vector<16x1xi32>
          %gather3A_750 = vector.shape_cast %broadcast_in_dim3A_749 : vector<16x1xi32> to vector<16xi32>
          %gather3A_751 = tpu.dynamic_gather %add3A_741[%gather3A_750] in [0] : vector<16xf32>, vector<16xi32> -> vector<16xf32>
          %add3A_752 = arith.addf %add3A_741, %gather3A_751 : vector<16xf32>
          %lt3A_753 = arith.constant 0 : i32
          %lt3A_754 = vector.broadcast %lt3A_753 : i32 to vector<16xi32>
          %lt3A_755 = arith.cmpi slt, %and3A_22, %lt3A_754 : vector<16xi32>
          %add3A_756 = arith.constant 16 : i32
          %add3A_757 = vector.broadcast %add3A_756 : i32 to vector<16xi32>
          %add3A_758 = arith.addi %and3A_22, %add3A_757 : vector<16xi32>
          %select_n3A_759 = arith.select %lt3A_755, %add3A_758, %and3A_22 : vector<16xi1>, vector<16xi32>
          %broadcast_in_dim3A_760 = vector.shape_cast %select_n3A_759 : vector<16xi32> to vector<16x1xi32>
          %gather3A_761 = vector.shape_cast %broadcast_in_dim3A_760 : vector<16x1xi32> to vector<16xi32>
          %gather3A_762 = tpu.dynamic_gather %add3A_752[%gather3A_761] in [0] : vector<16xf32>, vector<16xi32> -> vector<16xf32>
          %add3A_763 = arith.addf %add3A_752, %gather3A_762 : vector<16xf32>
          %exp3A_764 = math.exp %add3A_763 : vector<16xf32>
          %get3A_765 = arith.index_cast %add3A_660 : i32 to index
          %get3A_766 = arith.constant 32 : index
          %get3A_767 = tpu.vector_load %arg24[%get3A_765, %get3A_766] {strides = array<i32>} : memref<112x128xf32, #tpu.memory_space<vmem>>, vector<16xf32>,
          %mul3A_768 = arith.mulf %get3A_767, %exp3A_718 : vector<16xf32>
          %swap3A_769 = arith.index_cast %add3A_660 : i32 to index
          %swap3A_770 = arith.constant 0 : index
          %swap3A_771 = tpu.vector_load %arg27[%swap3A_769, %swap3A_770] {strides = array<i32>} : memref<112x32xf32, #tpu.memory_space<vmem>>, vector<16xf32>,
          tpu.vector_store %arg27[%swap3A_769, %swap3A_770], %mul3A_768 {strides = array<i32>} : memref<112x32xf32, #tpu.memory_space<vmem>>, vector<16xf32>,
          %get3A_772 = arith.index_cast %add3A_660 : i32 to index
          %get3A_773 = arith.constant 48 : index
          %get3A_774 = tpu.vector_load %arg24[%get3A_772, %get3A_773] {strides = array<i32>} : memref<112x128xf32, #tpu.memory_space<vmem>>, vector<16xf32>,
          %mul3A_775 = arith.mulf %get3A_774, %exp3A_764 : vector<16xf32>
          %swap3A_776 = arith.index_cast %add3A_660 : i32 to index
          %swap3A_777 = arith.constant 16 : index
          %swap3A_778 = tpu.vector_load %arg27[%swap3A_776, %swap3A_777] {strides = array<i32>} : memref<112x32xf32, #tpu.memory_space<vmem>>, vector<16xf32>,
          tpu.vector_store %arg27[%swap3A_776, %swap3A_777], %mul3A_775 {strides = array<i32>} : memref<112x32xf32, #tpu.memory_space<vmem>>, vector<16xf32>,
          %broadcast_in_dim3A_779 = vector.broadcast %add3A_660 : i32 to vector<16xi32>
          %gather3A_780 = tpu.vector_load_idx %arg14[%broadcast_in_dim3A_779] : memref<112xi32, #tpu.memory_space<vmem>>[vector<16xi32>], vector<16xi32>,
          %eq3A_781 = arith.cmpi eq, %iota3A, %gather3A_780 : vector<16xi32>
          %jit3A_782 = arith.constant 0.000000e+00 : f32
          %broadcast_in_dim3A_783 = vector.broadcast %jit3A_782 : f32 to vector<16xf32>
          %select_n3A_784 = arith.select %eq3A_781, %exp3A_718, %broadcast_in_dim3A_783 : vector<16xi1>, vector<16xf32>
          %add3A_785 = arith.constant 1 : i32
          %add3A_786 = vector.broadcast %add3A_785 : i32 to vector<16xi32>
          %add3A_787 = arith.addi %gather3A_780, %add3A_786 : vector<16xi32>
          %eq3A_788 = arith.cmpi eq, %iota3A, %add3A_787 : vector<16xi32>
          %jit3A_789 = arith.constant 0.000000e+00 : f32
          %broadcast_in_dim3A_790 = vector.broadcast %jit3A_789 : f32 to vector<16xf32>
          %select_n3A_791 = arith.select %eq3A_788, %exp3A_764, %broadcast_in_dim3A_790 : vector<16xi1>, vector<16xf32>
          %add3A_792 = arith.addf %select_n3A_784, %select_n3A_791 : vector<16xf32>
          %swap3A_793 = arith.index_cast %add3A_660 : i32 to index
          %swap3A_794 = arith.constant 0 : index
          %swap3A_795 = tpu.vector_load %arg28[%swap3A_793, %swap3A_794] {strides = array<i32>} : memref<112x16xf32, #tpu.memory_space<vmem>>, vector<16xf32>,
          tpu.vector_store %arg28[%swap3A_793, %swap3A_794], %add3A_792 {strides = array<i32>} : memref<112x16xf32, #tpu.memory_space<vmem>>, vector<16xf32>,
        }
        %scan3A_197 = arith.constant 28 : i32
        "tpu.region"() ({
          %run_scoped3A = tpu.sem_alloc : memref<!tpu.dma_semaphore, #tpu.memory_space<semaphore_mem>>
          %dma_start3A_245 = arith.constant 0 : i32
          %dma_start3A_246 = arith.constant 0 : i32
          %dma_start3A_247 = tpu.memref_slice %arg7[%dma_start3A_245, %dma_start3A_246] : memref<25040x32xf32, #tpu.memory_space<vmem_shared>> -> memref<25040x32xf32, #tpu.memory_space<vmem_shared>>
          tpu.enqueue_indirect_dma source(%arg27 : memref<112x32xf32, #tpu.memory_space<vmem>>) target(%dma_start3A_247 : memref<25040x32xf32, #tpu.memory_space<vmem_shared>>) offsets(%arg15 : memref<112xi32, #tpu.memory_space<vmem>>) semaphore(%run_scoped3A : memref<!tpu.dma_semaphore, #tpu.memory_space<semaphore_mem>>) {add = true}
          %dma_wait3A_248 = arith.constant 0 : i32
          %dma_wait3A_249 = arith.constant 0 : i32
          %dma_wait3A_250 = tpu.memref_slice %arg7[%dma_wait3A_248, %dma_wait3A_249] : memref<25040x32xf32, #tpu.memory_space<vmem_shared>> -> memref<25040x32xf32, #tpu.memory_space<vmem_shared>>
          tpu.wait_indirect_dma semaphore(%run_scoped3A : memref<!tpu.dma_semaphore, #tpu.memory_space<semaphore_mem>>) src(%arg27 : memref<112x32xf32, #tpu.memory_space<vmem>>) dst(%dma_wait3A_250 : memref<25040x32xf32, #tpu.memory_space<vmem_shared>>)
          tpu.yield
        }) : () -> ()
        "tpu.region"() ({
          %run_scoped3A = tpu.sem_alloc : memref<!tpu.dma_semaphore, #tpu.memory_space<semaphore_mem>>
          %dma_start3A_245 = arith.constant 0 : i32
          %dma_start3A_246 = arith.constant 0 : i32
          %dma_start3A_247 = tpu.memref_slice %arg8[%dma_start3A_245, %dma_start3A_246] : memref<3136x16xf32, #tpu.memory_space<vmem_shared>> -> memref<3136x16xf32, #tpu.memory_space<vmem_shared>>
          tpu.enqueue_indirect_dma source(%arg28 : memref<112x16xf32, #tpu.memory_space<vmem>>) target(%dma_start3A_247 : memref<3136x16xf32, #tpu.memory_space<vmem_shared>>) offsets(%arg13 : memref<112xi32, #tpu.memory_space<vmem>>) semaphore(%run_scoped3A : memref<!tpu.dma_semaphore, #tpu.memory_space<semaphore_mem>>) {add = true}
          %dma_wait3A_248 = arith.constant 0 : i32
          %dma_wait3A_249 = arith.constant 0 : i32
          %dma_wait3A_250 = tpu.memref_slice %arg8[%dma_wait3A_248, %dma_wait3A_249] : memref<3136x16xf32, #tpu.memory_space<vmem_shared>> -> memref<3136x16xf32, #tpu.memory_space<vmem_shared>>
          tpu.wait_indirect_dma semaphore(%run_scoped3A : memref<!tpu.dma_semaphore, #tpu.memory_space<semaphore_mem>>) src(%arg28 : memref<112x16xf32, #tpu.memory_space<vmem>>) dst(%dma_wait3A_250 : memref<3136x16xf32, #tpu.memory_space<vmem_shared>>)
          tpu.yield
        }) : () -> ()
        %add3A_198 = arith.constant 1 : i32
        %add3A_199 = arith.addi %mul3A_151, %add3A_198 : i32
        %add3A_200 = arith.constant 2 : i32
        %add3A_201 = arith.addi %add3A_199, %add3A_200 : i32
        %min3A_202 = arith.constant 447 : i32
        %min3A_203 = arith.minsi %add3A_201, %min3A_202 : i32
        %mul3A_204 = arith.constant 50176 : i32
        %mul3A_205 = arith.muli %arg1, %mul3A_204 : i32
        %mul3A_206 = arith.constant 112 : i32
        %mul3A_207 = arith.muli %min3A_203, %mul3A_206 : i32
        %add3A_208 = arith.addi %mul3A_205, %mul3A_207 : i32
        %dma_start3A_209 = tpu.memref_slice %arg4[%add3A_208] : memref<802816xi32, #tpu.memory_space<hbm>> -> memref<112xi32, #tpu.memory_space<hbm>>
        %dma_start3A_210 = tpu.memref_slice %arg4[%add3A_208] : memref<802816xi32, #tpu.memory_space<hbm>> -> memref<112xi32, #tpu.memory_space<hbm>>
        tpu.enqueue_dma source(%dma_start3A_210 : memref<112xi32, #tpu.memory_space<hbm>>) target(%arg16 : memref<112xi32, #tpu.memory_space<vmem>>) target_semaphore(%arg37 : memref<!tpu.dma_semaphore, #tpu.memory_space<semaphore_mem>>)
        %dma_start3A_211 = tpu.memref_slice %arg5[%add3A_208] : memref<802816xi32, #tpu.memory_space<hbm>> -> memref<112xi32, #tpu.memory_space<hbm>>
        %dma_start3A_212 = tpu.memref_slice %arg5[%add3A_208] : memref<802816xi32, #tpu.memory_space<hbm>> -> memref<112xi32, #tpu.memory_space<hbm>>
        tpu.enqueue_dma source(%dma_start3A_212 : memref<112xi32, #tpu.memory_space<hbm>>) target(%arg17 : memref<112xi32, #tpu.memory_space<vmem>>) target_semaphore(%arg38 : memref<!tpu.dma_semaphore, #tpu.memory_space<semaphore_mem>>)
        %dma_wait3A_213 = arith.constant 0 : i32
        %dma_wait3A_214 = tpu.memref_slice %arg4[%dma_wait3A_213] : memref<802816xi32, #tpu.memory_space<hbm>> -> memref<112xi32, #tpu.memory_space<hbm>>
        %dma_wait3A_215 = arith.constant 0 : i32
        %dma_wait3A_216 = tpu.memref_slice %arg4[%dma_wait3A_215] : memref<802816xi32, #tpu.memory_space<hbm>> -> memref<112xi32, #tpu.memory_space<hbm>>
        tpu.wait_dma2 semaphore(%arg33 : memref<!tpu.dma_semaphore, #tpu.memory_space<semaphore_mem>>) src(%dma_wait3A_216 : memref<112xi32, #tpu.memory_space<hbm>>) dst(%arg9 : memref<112xi32, #tpu.memory_space<vmem>>)
        %dma_wait3A_217 = arith.constant 0 : i32
        %dma_wait3A_218 = tpu.memref_slice %arg5[%dma_wait3A_217] : memref<802816xi32, #tpu.memory_space<hbm>> -> memref<112xi32, #tpu.memory_space<hbm>>
        %dma_wait3A_219 = arith.constant 0 : i32
        %dma_wait3A_220 = tpu.memref_slice %arg5[%dma_wait3A_219] : memref<802816xi32, #tpu.memory_space<hbm>> -> memref<112xi32, #tpu.memory_space<hbm>>
        tpu.wait_dma2 semaphore(%arg34 : memref<!tpu.dma_semaphore, #tpu.memory_space<semaphore_mem>>) src(%dma_wait3A_220 : memref<112xi32, #tpu.memory_space<hbm>>) dst(%arg10 : memref<112xi32, #tpu.memory_space<vmem>>)
        %scan3A_221 = arith.constant 0 : i32
        %scan3A_222 = arith.constant 0 : i32
        %scan3A_223 = arith.constant 7 : i32
        %scan3A_224 = arith.addi %scan3A_222, %scan3A_223 : i32
        %scan3A_225 = arith.constant 1 : i32
        scf.for %scan3A_245 = %scan3A_222 to %scan3A_224 step %scan3A_225  : i32 {
          %mul3A_246 = arith.constant 16 : i32
          %mul3A_247 = arith.muli %scan3A_245, %mul3A_246 : i32
          %get3A = arith.index_cast %mul3A_247 : i32 to index
          %get3A_248 = tpu.vector_load %arg9[%get3A] {strides = array<i32>} : memref<112xi32, #tpu.memory_space<vmem>>, vector<16xi32>,
          %add3A_249 = arith.addi %get3A_248, %broadcast_in_dim3A : vector<16xi32>
          %swap3A = arith.index_cast %mul3A_247 : i32 to index
          %swap3A_250 = tpu.vector_load %arg11[%swap3A] {strides = array<i32>} : memref<112xi32, #tpu.memory_space<vmem>>, vector<16xi32>,
          tpu.vector_store %arg11[%swap3A], %add3A_249 {strides = array<i32>} : memref<112xi32, #tpu.memory_space<vmem>>, vector<16xi32>,
          %get3A_251 = arith.index_cast %mul3A_247 : i32 to index
          %get3A_252 = tpu.vector_load %arg10[%get3A_251] {strides = array<i32>} : memref<112xi32, #tpu.memory_space<vmem>>, vector<16xi32>,
          %add3A_253 = arith.addi %get3A_252, %broadcast_in_dim3A : vector<16xi32>
          %swap3A_254 = arith.index_cast %mul3A_247 : i32 to index
          %swap3A_255 = tpu.vector_load %arg12[%swap3A_254] {strides = array<i32>} : memref<112xi32, #tpu.memory_space<vmem>>, vector<16xi32>,
          tpu.vector_store %arg12[%swap3A_254], %add3A_253 {strides = array<i32>} : memref<112xi32, #tpu.memory_space<vmem>>, vector<16xi32>,
          %broadcast_in_dim3A_256 = vector.broadcast %mul3A_30 : i32 to vector<16xi32>
          %sub3A_257 = arith.subi %get3A_248, %broadcast_in_dim3A_256 : vector<16xi32>
          %ge3A = arith.constant 0 : i32
          %ge3A_258 = vector.broadcast %ge3A : i32 to vector<16xi32>
          %ge3A_259 = arith.cmpi sge, %sub3A_257, %ge3A_258 : vector<16xi32>
          %lt3A = arith.constant 25000 : i32
          %lt3A_260 = vector.broadcast %lt3A : i32 to vector<16xi32>
          %lt3A_261 = arith.cmpi slt, %sub3A_257, %lt3A_260 : vector<16xi32>
          %and3A_262 = arith.andi %ge3A_259, %lt3A_261 : vector<16xi1>
          %jit3A_263 = arith.constant 25000 : i32
          %broadcast_in_dim3A_264 = vector.broadcast %jit3A_263 : i32 to vector<16xi32>
          %select_n3A_265 = arith.select %and3A_262, %sub3A_257, %broadcast_in_dim3A_264 : vector<16xi1>, vector<16xi32>
          %swap3A_266 = arith.index_cast %mul3A_247 : i32 to index
          %swap3A_267 = tpu.vector_load %arg15[%swap3A_266] {strides = array<i32>} : memref<112xi32, #tpu.memory_space<vmem>>, vector<16xi32>,
          tpu.vector_store %arg15[%swap3A_266], %select_n3A_265 {strides = array<i32>} : memref<112xi32, #tpu.memory_space<vmem>>, vector<16xi32>,
          %shift_right_logical3A = arith.constant 3 : i32
          %shift_right_logical3A_268 = vector.broadcast %shift_right_logical3A : i32 to vector<16xi32>
          %shift_right_logical3A_269 = arith.shrui %select_n3A_265, %shift_right_logical3A_268 : vector<16xi32>
          %swap3A_270 = arith.index_cast %mul3A_247 : i32 to index
          %swap3A_271 = tpu.vector_load %arg13[%swap3A_270] {strides = array<i32>} : memref<112xi32, #tpu.memory_space<vmem>>, vector<16xi32>,
          tpu.vector_store %arg13[%swap3A_270], %shift_right_logical3A_269 {strides = array<i32>} : memref<112xi32, #tpu.memory_space<vmem>>, vector<16xi32>,
          %and3A_272 = arith.constant 7 : i32
          %and3A_273 = vector.broadcast %and3A_272 : i32 to vector<16xi32>
          %and3A_274 = arith.andi %select_n3A_265, %and3A_273 : vector<16xi32>
          %mul3A_275 = arith.constant 2 : i32
          %mul3A_276 = vector.broadcast %mul3A_275 : i32 to vector<16xi32>
          %mul3A_277 = arith.muli %and3A_274, %mul3A_276 : vector<16xi32>
          %swap3A_278 = arith.index_cast %mul3A_247 : i32 to index
          %swap3A_279 = tpu.vector_load %arg14[%swap3A_278] {strides = array<i32>} : memref<112xi32, #tpu.memory_space<vmem>>, vector<16xi32>,
          tpu.vector_store %arg14[%swap3A_278], %mul3A_277 {strides = array<i32>} : memref<112xi32, #tpu.memory_space<vmem>>, vector<16xi32>,
        }
        %scan3A_226 = arith.constant 7 : i32
        %dma_start3A_227 = arith.constant 0 : i32
        %dma_start3A_228 = arith.constant 0 : i32
        %dma_start3A_229 = tpu.memref_slice %arg2[%dma_start3A_227, %dma_start3A_228] : memref<102400x128xf32, #tpu.memory_space<hbm>> -> memref<102400x128xf32, #tpu.memory_space<hbm>>
        tpu.enqueue_indirect_dma source(%dma_start3A_229 : memref<102400x128xf32, #tpu.memory_space<hbm>>) target(%arg23 : memref<112x128xf32, #tpu.memory_space<vmem>>) offsets(%arg11 : memref<112xi32, #tpu.memory_space<vmem>>) semaphore(%arg35 : memref<!tpu.dma_semaphore, #tpu.memory_space<semaphore_mem>>)
        %dma_start3A_230 = arith.constant 0 : i32
        %dma_start3A_231 = arith.constant 0 : i32
        %dma_start3A_232 = tpu.memref_slice %arg3[%dma_start3A_230, %dma_start3A_231] : memref<102400x128xf32, #tpu.memory_space<hbm>> -> memref<102400x128xf32, #tpu.memory_space<hbm>>
        tpu.enqueue_indirect_dma source(%dma_start3A_232 : memref<102400x128xf32, #tpu.memory_space<hbm>>) target(%arg24 : memref<112x128xf32, #tpu.memory_space<vmem>>) offsets(%arg12 : memref<112xi32, #tpu.memory_space<vmem>>) semaphore(%arg36 : memref<!tpu.dma_semaphore, #tpu.memory_space<semaphore_mem>>)
        %dma_wait3A_233 = arith.constant 0 : i32
        %dma_wait3A_234 = arith.constant 0 : i32
        %dma_wait3A_235 = tpu.memref_slice %arg2[%dma_wait3A_233, %dma_wait3A_234] : memref<102400x128xf32, #tpu.memory_space<hbm>> -> memref<102400x128xf32, #tpu.memory_space<hbm>>
        tpu.wait_indirect_dma semaphore(%arg39 : memref<!tpu.dma_semaphore, #tpu.memory_space<semaphore_mem>>) src(%dma_wait3A_235 : memref<102400x128xf32, #tpu.memory_space<hbm>>) dst(%arg25 : memref<112x128xf32, #tpu.memory_space<vmem>>)
        %dma_wait3A_236 = arith.constant 0 : i32
        %dma_wait3A_237 = arith.constant 0 : i32
        %dma_wait3A_238 = tpu.memref_slice %arg3[%dma_wait3A_236, %dma_wait3A_237] : memref<102400x128xf32, #tpu.memory_space<hbm>> -> memref<102400x128xf32, #tpu.memory_space<hbm>>
        tpu.wait_indirect_dma semaphore(%arg40 : memref<!tpu.dma_semaphore, #tpu.memory_space<semaphore_mem>>) src(%dma_wait3A_238 : memref<102400x128xf32, #tpu.memory_space<hbm>>) dst(%arg26 : memref<112x128xf32, #tpu.memory_space<vmem>>)
        %scan3A_239 = arith.constant 0 : i32
        %scan3A_240 = arith.constant 0 : i32
        %scan3A_241 = arith.constant 28 : i32
        %scan3A_242 = arith.addi %scan3A_240, %scan3A_241 : i32
        %scan3A_243 = arith.constant 1 : i32
        scf.for %scan3A_245 = %scan3A_240 to %scan3A_242 step %scan3A_243  : i32 {
          %mul3A_246 = arith.constant 4 : i32
          %mul3A_247 = arith.muli %scan3A_245, %mul3A_246 : i32
          %add3A_248 = arith.constant 0 : i32
          %add3A_249 = arith.addi %mul3A_247, %add3A_248 : i32
          %get3A = arith.index_cast %add3A_249 : i32 to index
          %get3A_250 = arith.constant 0 : index
          %get3A_251 = tpu.vector_load %arg25[%get3A, %get3A_250] {strides = array<i32>} : memref<112x128xf32, #tpu.memory_space<vmem>>, vector<16xf32>,
          %get3A_252 = arith.index_cast %add3A_249 : i32 to index
          %get3A_253 = arith.constant 16 : index
          %get3A_254 = tpu.vector_load %arg25[%get3A_252, %get3A_253] {strides = array<i32>} : memref<112x128xf32, #tpu.memory_space<vmem>>, vector<16xf32>,
          %get3A_255 = arith.index_cast %add3A_249 : i32 to index
          %get3A_256 = arith.constant 0 : index
          %get3A_257 = tpu.vector_load %arg26[%get3A_255, %get3A_256] {strides = array<i32>} : memref<112x128xf32, #tpu.memory_space<vmem>>, vector<16xf32>,
          %get3A_258 = arith.index_cast %add3A_249 : i32 to index
          %get3A_259 = arith.constant 16 : index
          %get3A_260 = tpu.vector_load %arg26[%get3A_258, %get3A_259] {strides = array<i32>} : memref<112x128xf32, #tpu.memory_space<vmem>>, vector<16xf32>,
          %mul3A_261 = arith.mulf %get3A_251, %get3A_257 : vector<16xf32>
          %lt3A = arith.constant 0 : i32
          %lt3A_262 = vector.broadcast %lt3A : i32 to vector<16xi32>
          %lt3A_263 = arith.cmpi slt, %and3A_4, %lt3A_262 : vector<16xi32>
          %add3A_264 = arith.constant 16 : i32
          %add3A_265 = vector.broadcast %add3A_264 : i32 to vector<16xi32>
          %add3A_266 = arith.addi %and3A_4, %add3A_265 : vector<16xi32>
          %select_n3A_267 = arith.select %lt3A_263, %add3A_266, %and3A_4 : vector<16xi1>, vector<16xi32>
          %broadcast_in_dim3A_268 = vector.shape_cast %select_n3A_267 : vector<16xi32> to vector<16x1xi32>
          %gather3A = vector.shape_cast %broadcast_in_dim3A_268 : vector<16x1xi32> to vector<16xi32>
          %gather3A_269 = tpu.dynamic_gather %mul3A_261[%gather3A] in [0] : vector<16xf32>, vector<16xi32> -> vector<16xf32>
          %add3A_270 = arith.addf %mul3A_261, %gather3A_269 : vector<16xf32>
          %lt3A_271 = arith.constant 0 : i32
          %lt3A_272 = vector.broadcast %lt3A_271 : i32 to vector<16xi32>
          %lt3A_273 = arith.cmpi slt, %and3A_10, %lt3A_272 : vector<16xi32>
          %add3A_274 = arith.constant 16 : i32
          %add3A_275 = vector.broadcast %add3A_274 : i32 to vector<16xi32>
          %add3A_276 = arith.addi %and3A_10, %add3A_275 : vector<16xi32>
          %select_n3A_277 = arith.select %lt3A_273, %add3A_276, %and3A_10 : vector<16xi1>, vector<16xi32>
          %broadcast_in_dim3A_278 = vector.shape_cast %select_n3A_277 : vector<16xi32> to vector<16x1xi32>
          %gather3A_279 = vector.shape_cast %broadcast_in_dim3A_278 : vector<16x1xi32> to vector<16xi32>
          %gather3A_280 = tpu.dynamic_gather %add3A_270[%gather3A_279] in [0] : vector<16xf32>, vector<16xi32> -> vector<16xf32>
          %add3A_281 = arith.addf %add3A_270, %gather3A_280 : vector<16xf32>
          %lt3A_282 = arith.constant 0 : i32
          %lt3A_283 = vector.broadcast %lt3A_282 : i32 to vector<16xi32>
          %lt3A_284 = arith.cmpi slt, %and3A_16, %lt3A_283 : vector<16xi32>
          %add3A_285 = arith.constant 16 : i32
          %add3A_286 = vector.broadcast %add3A_285 : i32 to vector<16xi32>
          %add3A_287 = arith.addi %and3A_16, %add3A_286 : vector<16xi32>
          %select_n3A_288 = arith.select %lt3A_284, %add3A_287, %and3A_16 : vector<16xi1>, vector<16xi32>
          %broadcast_in_dim3A_289 = vector.shape_cast %select_n3A_288 : vector<16xi32> to vector<16x1xi32>
          %gather3A_290 = vector.shape_cast %broadcast_in_dim3A_289 : vector<16x1xi32> to vector<16xi32>
          %gather3A_291 = tpu.dynamic_gather %add3A_281[%gather3A_290] in [0] : vector<16xf32>, vector<16xi32> -> vector<16xf32>
          %add3A_292 = arith.addf %add3A_281, %gather3A_291 : vector<16xf32>
          %lt3A_293 = arith.constant 0 : i32
          %lt3A_294 = vector.broadcast %lt3A_293 : i32 to vector<16xi32>
          %lt3A_295 = arith.cmpi slt, %and3A_22, %lt3A_294 : vector<16xi32>
          %add3A_296 = arith.constant 16 : i32
          %add3A_297 = vector.broadcast %add3A_296 : i32 to vector<16xi32>
          %add3A_298 = arith.addi %and3A_22, %add3A_297 : vector<16xi32>
          %select_n3A_299 = arith.select %lt3A_295, %add3A_298, %and3A_22 : vector<16xi1>, vector<16xi32>
          %broadcast_in_dim3A_300 = vector.shape_cast %select_n3A_299 : vector<16xi32> to vector<16x1xi32>
          %gather3A_301 = vector.shape_cast %broadcast_in_dim3A_300 : vector<16x1xi32> to vector<16xi32>
          %gather3A_302 = tpu.dynamic_gather %add3A_292[%gather3A_301] in [0] : vector<16xf32>, vector<16xi32> -> vector<16xf32>
          %add3A_303 = arith.addf %add3A_292, %gather3A_302 : vector<16xf32>
          %exp3A = math.exp %add3A_303 : vector<16xf32>
          %mul3A_304 = arith.mulf %get3A_254, %get3A_260 : vector<16xf32>
          %lt3A_305 = arith.constant 0 : i32
          %lt3A_306 = vector.broadcast %lt3A_305 : i32 to vector<16xi32>
          %lt3A_307 = arith.cmpi slt, %and3A_4, %lt3A_306 : vector<16xi32>
          %add3A_308 = arith.constant 16 : i32
          %add3A_309 = vector.broadcast %add3A_308 : i32 to vector<16xi32>
          %add3A_310 = arith.addi %and3A_4, %add3A_309 : vector<16xi32>
          %select_n3A_311 = arith.select %lt3A_307, %add3A_310, %and3A_4 : vector<16xi1>, vector<16xi32>
          %broadcast_in_dim3A_312 = vector.shape_cast %select_n3A_311 : vector<16xi32> to vector<16x1xi32>
          %gather3A_313 = vector.shape_cast %broadcast_in_dim3A_312 : vector<16x1xi32> to vector<16xi32>
          %gather3A_314 = tpu.dynamic_gather %mul3A_304[%gather3A_313] in [0] : vector<16xf32>, vector<16xi32> -> vector<16xf32>
          %add3A_315 = arith.addf %mul3A_304, %gather3A_314 : vector<16xf32>
          %lt3A_316 = arith.constant 0 : i32
          %lt3A_317 = vector.broadcast %lt3A_316 : i32 to vector<16xi32>
          %lt3A_318 = arith.cmpi slt, %and3A_10, %lt3A_317 : vector<16xi32>
          %add3A_319 = arith.constant 16 : i32
          %add3A_320 = vector.broadcast %add3A_319 : i32 to vector<16xi32>
          %add3A_321 = arith.addi %and3A_10, %add3A_320 : vector<16xi32>
          %select_n3A_322 = arith.select %lt3A_318, %add3A_321, %and3A_10 : vector<16xi1>, vector<16xi32>
          %broadcast_in_dim3A_323 = vector.shape_cast %select_n3A_322 : vector<16xi32> to vector<16x1xi32>
          %gather3A_324 = vector.shape_cast %broadcast_in_dim3A_323 : vector<16x1xi32> to vector<16xi32>
          %gather3A_325 = tpu.dynamic_gather %add3A_315[%gather3A_324] in [0] : vector<16xf32>, vector<16xi32> -> vector<16xf32>
          %add3A_326 = arith.addf %add3A_315, %gather3A_325 : vector<16xf32>
          %lt3A_327 = arith.constant 0 : i32
          %lt3A_328 = vector.broadcast %lt3A_327 : i32 to vector<16xi32>
          %lt3A_329 = arith.cmpi slt, %and3A_16, %lt3A_328 : vector<16xi32>
          %add3A_330 = arith.constant 16 : i32
          %add3A_331 = vector.broadcast %add3A_330 : i32 to vector<16xi32>
          %add3A_332 = arith.addi %and3A_16, %add3A_331 : vector<16xi32>
          %select_n3A_333 = arith.select %lt3A_329, %add3A_332, %and3A_16 : vector<16xi1>, vector<16xi32>
          %broadcast_in_dim3A_334 = vector.shape_cast %select_n3A_333 : vector<16xi32> to vector<16x1xi32>
          %gather3A_335 = vector.shape_cast %broadcast_in_dim3A_334 : vector<16x1xi32> to vector<16xi32>
          %gather3A_336 = tpu.dynamic_gather %add3A_326[%gather3A_335] in [0] : vector<16xf32>, vector<16xi32> -> vector<16xf32>
          %add3A_337 = arith.addf %add3A_326, %gather3A_336 : vector<16xf32>
          %lt3A_338 = arith.constant 0 : i32
          %lt3A_339 = vector.broadcast %lt3A_338 : i32 to vector<16xi32>
          %lt3A_340 = arith.cmpi slt, %and3A_22, %lt3A_339 : vector<16xi32>
          %add3A_341 = arith.constant 16 : i32
          %add3A_342 = vector.broadcast %add3A_341 : i32 to vector<16xi32>
          %add3A_343 = arith.addi %and3A_22, %add3A_342 : vector<16xi32>
          %select_n3A_344 = arith.select %lt3A_340, %add3A_343, %and3A_22 : vector<16xi1>, vector<16xi32>
          %broadcast_in_dim3A_345 = vector.shape_cast %select_n3A_344 : vector<16xi32> to vector<16x1xi32>
          %gather3A_346 = vector.shape_cast %broadcast_in_dim3A_345 : vector<16x1xi32> to vector<16xi32>
          %gather3A_347 = tpu.dynamic_gather %add3A_337[%gather3A_346] in [0] : vector<16xf32>, vector<16xi32> -> vector<16xf32>
          %add3A_348 = arith.addf %add3A_337, %gather3A_347 : vector<16xf32>
          %exp3A_349 = math.exp %add3A_348 : vector<16xf32>
          %get3A_350 = arith.index_cast %add3A_249 : i32 to index
          %get3A_351 = arith.constant 32 : index
          %get3A_352 = tpu.vector_load %arg26[%get3A_350, %get3A_351] {strides = array<i32>} : memref<112x128xf32, #tpu.memory_space<vmem>>, vector<16xf32>,
          %mul3A_353 = arith.mulf %get3A_352, %exp3A : vector<16xf32>
          %swap3A = arith.index_cast %add3A_249 : i32 to index
          %swap3A_354 = arith.constant 0 : index
          %swap3A_355 = tpu.vector_load %arg27[%swap3A, %swap3A_354] {strides = array<i32>} : memref<112x32xf32, #tpu.memory_space<vmem>>, vector<16xf32>,
          tpu.vector_store %arg27[%swap3A, %swap3A_354], %mul3A_353 {strides = array<i32>} : memref<112x32xf32, #tpu.memory_space<vmem>>, vector<16xf32>,
          %get3A_356 = arith.index_cast %add3A_249 : i32 to index
          %get3A_357 = arith.constant 48 : index
          %get3A_358 = tpu.vector_load %arg26[%get3A_356, %get3A_357] {strides = array<i32>} : memref<112x128xf32, #tpu.memory_space<vmem>>, vector<16xf32>,
          %mul3A_359 = arith.mulf %get3A_358, %exp3A_349 : vector<16xf32>
          %swap3A_360 = arith.index_cast %add3A_249 : i32 to index
          %swap3A_361 = arith.constant 16 : index
          %swap3A_362 = tpu.vector_load %arg27[%swap3A_360, %swap3A_361] {strides = array<i32>} : memref<112x32xf32, #tpu.memory_space<vmem>>, vector<16xf32>,
          tpu.vector_store %arg27[%swap3A_360, %swap3A_361], %mul3A_359 {strides = array<i32>} : memref<112x32xf32, #tpu.memory_space<vmem>>, vector<16xf32>,
          %broadcast_in_dim3A_363 = vector.broadcast %add3A_249 : i32 to vector<16xi32>
          %gather3A_364 = tpu.vector_load_idx %arg21[%broadcast_in_dim3A_363] : memref<112xi32, #tpu.memory_space<vmem>>[vector<16xi32>], vector<16xi32>,
          %eq3A = arith.cmpi eq, %iota3A, %gather3A_364 : vector<16xi32>
          %jit3A_365 = arith.constant 0.000000e+00 : f32
          %broadcast_in_dim3A_366 = vector.broadcast %jit3A_365 : f32 to vector<16xf32>
          %select_n3A_367 = arith.select %eq3A, %exp3A, %broadcast_in_dim3A_366 : vector<16xi1>, vector<16xf32>
          %add3A_368 = arith.constant 1 : i32
          %add3A_369 = vector.broadcast %add3A_368 : i32 to vector<16xi32>
          %add3A_370 = arith.addi %gather3A_364, %add3A_369 : vector<16xi32>
          %eq3A_371 = arith.cmpi eq, %iota3A, %add3A_370 : vector<16xi32>
          %jit3A_372 = arith.constant 0.000000e+00 : f32
          %broadcast_in_dim3A_373 = vector.broadcast %jit3A_372 : f32 to vector<16xf32>
          %select_n3A_374 = arith.select %eq3A_371, %exp3A_349, %broadcast_in_dim3A_373 : vector<16xi1>, vector<16xf32>
          %add3A_375 = arith.addf %select_n3A_367, %select_n3A_374 : vector<16xf32>
          %swap3A_376 = arith.index_cast %add3A_249 : i32 to index
          %swap3A_377 = arith.constant 0 : index
          %swap3A_378 = tpu.vector_load %arg28[%swap3A_376, %swap3A_377] {strides = array<i32>} : memref<112x16xf32, #tpu.memory_space<vmem>>, vector<16xf32>,
          tpu.vector_store %arg28[%swap3A_376, %swap3A_377], %add3A_375 {strides = array<i32>} : memref<112x16xf32, #tpu.memory_space<vmem>>, vector<16xf32>,
          %mul3A_379 = arith.constant 4 : i32
          %mul3A_380 = arith.muli %scan3A_245, %mul3A_379 : i32
          %add3A_381 = arith.constant 1 : i32
          %add3A_382 = arith.addi %mul3A_380, %add3A_381 : i32
          %get3A_383 = arith.index_cast %add3A_382 : i32 to index
          %get3A_384 = arith.constant 0 : index
          %get3A_385 = tpu.vector_load %arg25[%get3A_383, %get3A_384] {strides = array<i32>} : memref<112x128xf32, #tpu.memory_space<vmem>>, vector<16xf32>,
          %get3A_386 = arith.index_cast %add3A_382 : i32 to index
          %get3A_387 = arith.constant 16 : index
          %get3A_388 = tpu.vector_load %arg25[%get3A_386, %get3A_387] {strides = array<i32>} : memref<112x128xf32, #tpu.memory_space<vmem>>, vector<16xf32>,
          %get3A_389 = arith.index_cast %add3A_382 : i32 to index
          %get3A_390 = arith.constant 0 : index
          %get3A_391 = tpu.vector_load %arg26[%get3A_389, %get3A_390] {strides = array<i32>} : memref<112x128xf32, #tpu.memory_space<vmem>>, vector<16xf32>,
          %get3A_392 = arith.index_cast %add3A_382 : i32 to index
          %get3A_393 = arith.constant 16 : index
          %get3A_394 = tpu.vector_load %arg26[%get3A_392, %get3A_393] {strides = array<i32>} : memref<112x128xf32, #tpu.memory_space<vmem>>, vector<16xf32>,
          %mul3A_395 = arith.mulf %get3A_385, %get3A_391 : vector<16xf32>
          %lt3A_396 = arith.constant 0 : i32
          %lt3A_397 = vector.broadcast %lt3A_396 : i32 to vector<16xi32>
          %lt3A_398 = arith.cmpi slt, %and3A_4, %lt3A_397 : vector<16xi32>
          %add3A_399 = arith.constant 16 : i32
          %add3A_400 = vector.broadcast %add3A_399 : i32 to vector<16xi32>
          %add3A_401 = arith.addi %and3A_4, %add3A_400 : vector<16xi32>
          %select_n3A_402 = arith.select %lt3A_398, %add3A_401, %and3A_4 : vector<16xi1>, vector<16xi32>
          %broadcast_in_dim3A_403 = vector.shape_cast %select_n3A_402 : vector<16xi32> to vector<16x1xi32>
          %gather3A_404 = vector.shape_cast %broadcast_in_dim3A_403 : vector<16x1xi32> to vector<16xi32>
          %gather3A_405 = tpu.dynamic_gather %mul3A_395[%gather3A_404] in [0] : vector<16xf32>, vector<16xi32> -> vector<16xf32>
          %add3A_406 = arith.addf %mul3A_395, %gather3A_405 : vector<16xf32>
          %lt3A_407 = arith.constant 0 : i32
          %lt3A_408 = vector.broadcast %lt3A_407 : i32 to vector<16xi32>
          %lt3A_409 = arith.cmpi slt, %and3A_10, %lt3A_408 : vector<16xi32>
          %add3A_410 = arith.constant 16 : i32
          %add3A_411 = vector.broadcast %add3A_410 : i32 to vector<16xi32>
          %add3A_412 = arith.addi %and3A_10, %add3A_411 : vector<16xi32>
          %select_n3A_413 = arith.select %lt3A_409, %add3A_412, %and3A_10 : vector<16xi1>, vector<16xi32>
          %broadcast_in_dim3A_414 = vector.shape_cast %select_n3A_413 : vector<16xi32> to vector<16x1xi32>
          %gather3A_415 = vector.shape_cast %broadcast_in_dim3A_414 : vector<16x1xi32> to vector<16xi32>
          %gather3A_416 = tpu.dynamic_gather %add3A_406[%gather3A_415] in [0] : vector<16xf32>, vector<16xi32> -> vector<16xf32>
          %add3A_417 = arith.addf %add3A_406, %gather3A_416 : vector<16xf32>
          %lt3A_418 = arith.constant 0 : i32
          %lt3A_419 = vector.broadcast %lt3A_418 : i32 to vector<16xi32>
          %lt3A_420 = arith.cmpi slt, %and3A_16, %lt3A_419 : vector<16xi32>
          %add3A_421 = arith.constant 16 : i32
          %add3A_422 = vector.broadcast %add3A_421 : i32 to vector<16xi32>
          %add3A_423 = arith.addi %and3A_16, %add3A_422 : vector<16xi32>
          %select_n3A_424 = arith.select %lt3A_420, %add3A_423, %and3A_16 : vector<16xi1>, vector<16xi32>
          %broadcast_in_dim3A_425 = vector.shape_cast %select_n3A_424 : vector<16xi32> to vector<16x1xi32>
          %gather3A_426 = vector.shape_cast %broadcast_in_dim3A_425 : vector<16x1xi32> to vector<16xi32>
          %gather3A_427 = tpu.dynamic_gather %add3A_417[%gather3A_426] in [0] : vector<16xf32>, vector<16xi32> -> vector<16xf32>
          %add3A_428 = arith.addf %add3A_417, %gather3A_427 : vector<16xf32>
          %lt3A_429 = arith.constant 0 : i32
          %lt3A_430 = vector.broadcast %lt3A_429 : i32 to vector<16xi32>
          %lt3A_431 = arith.cmpi slt, %and3A_22, %lt3A_430 : vector<16xi32>
          %add3A_432 = arith.constant 16 : i32
          %add3A_433 = vector.broadcast %add3A_432 : i32 to vector<16xi32>
          %add3A_434 = arith.addi %and3A_22, %add3A_433 : vector<16xi32>
          %select_n3A_435 = arith.select %lt3A_431, %add3A_434, %and3A_22 : vector<16xi1>, vector<16xi32>
          %broadcast_in_dim3A_436 = vector.shape_cast %select_n3A_435 : vector<16xi32> to vector<16x1xi32>
          %gather3A_437 = vector.shape_cast %broadcast_in_dim3A_436 : vector<16x1xi32> to vector<16xi32>
          %gather3A_438 = tpu.dynamic_gather %add3A_428[%gather3A_437] in [0] : vector<16xf32>, vector<16xi32> -> vector<16xf32>
          %add3A_439 = arith.addf %add3A_428, %gather3A_438 : vector<16xf32>
          %exp3A_440 = math.exp %add3A_439 : vector<16xf32>
          %mul3A_441 = arith.mulf %get3A_388, %get3A_394 : vector<16xf32>
          %lt3A_442 = arith.constant 0 : i32
          %lt3A_443 = vector.broadcast %lt3A_442 : i32 to vector<16xi32>
          %lt3A_444 = arith.cmpi slt, %and3A_4, %lt3A_443 : vector<16xi32>
          %add3A_445 = arith.constant 16 : i32
          %add3A_446 = vector.broadcast %add3A_445 : i32 to vector<16xi32>
          %add3A_447 = arith.addi %and3A_4, %add3A_446 : vector<16xi32>
          %select_n3A_448 = arith.select %lt3A_444, %add3A_447, %and3A_4 : vector<16xi1>, vector<16xi32>
          %broadcast_in_dim3A_449 = vector.shape_cast %select_n3A_448 : vector<16xi32> to vector<16x1xi32>
          %gather3A_450 = vector.shape_cast %broadcast_in_dim3A_449 : vector<16x1xi32> to vector<16xi32>
          %gather3A_451 = tpu.dynamic_gather %mul3A_441[%gather3A_450] in [0] : vector<16xf32>, vector<16xi32> -> vector<16xf32>
          %add3A_452 = arith.addf %mul3A_441, %gather3A_451 : vector<16xf32>
          %lt3A_453 = arith.constant 0 : i32
          %lt3A_454 = vector.broadcast %lt3A_453 : i32 to vector<16xi32>
          %lt3A_455 = arith.cmpi slt, %and3A_10, %lt3A_454 : vector<16xi32>
          %add3A_456 = arith.constant 16 : i32
          %add3A_457 = vector.broadcast %add3A_456 : i32 to vector<16xi32>
          %add3A_458 = arith.addi %and3A_10, %add3A_457 : vector<16xi32>
          %select_n3A_459 = arith.select %lt3A_455, %add3A_458, %and3A_10 : vector<16xi1>, vector<16xi32>
          %broadcast_in_dim3A_460 = vector.shape_cast %select_n3A_459 : vector<16xi32> to vector<16x1xi32>
          %gather3A_461 = vector.shape_cast %broadcast_in_dim3A_460 : vector<16x1xi32> to vector<16xi32>
          %gather3A_462 = tpu.dynamic_gather %add3A_452[%gather3A_461] in [0] : vector<16xf32>, vector<16xi32> -> vector<16xf32>
          %add3A_463 = arith.addf %add3A_452, %gather3A_462 : vector<16xf32>
          %lt3A_464 = arith.constant 0 : i32
          %lt3A_465 = vector.broadcast %lt3A_464 : i32 to vector<16xi32>
          %lt3A_466 = arith.cmpi slt, %and3A_16, %lt3A_465 : vector<16xi32>
          %add3A_467 = arith.constant 16 : i32
          %add3A_468 = vector.broadcast %add3A_467 : i32 to vector<16xi32>
          %add3A_469 = arith.addi %and3A_16, %add3A_468 : vector<16xi32>
          %select_n3A_470 = arith.select %lt3A_466, %add3A_469, %and3A_16 : vector<16xi1>, vector<16xi32>
          %broadcast_in_dim3A_471 = vector.shape_cast %select_n3A_470 : vector<16xi32> to vector<16x1xi32>
          %gather3A_472 = vector.shape_cast %broadcast_in_dim3A_471 : vector<16x1xi32> to vector<16xi32>
          %gather3A_473 = tpu.dynamic_gather %add3A_463[%gather3A_472] in [0] : vector<16xf32>, vector<16xi32> -> vector<16xf32>
          %add3A_474 = arith.addf %add3A_463, %gather3A_473 : vector<16xf32>
          %lt3A_475 = arith.constant 0 : i32
          %lt3A_476 = vector.broadcast %lt3A_475 : i32 to vector<16xi32>
          %lt3A_477 = arith.cmpi slt, %and3A_22, %lt3A_476 : vector<16xi32>
          %add3A_478 = arith.constant 16 : i32
          %add3A_479 = vector.broadcast %add3A_478 : i32 to vector<16xi32>
          %add3A_480 = arith.addi %and3A_22, %add3A_479 : vector<16xi32>
          %select_n3A_481 = arith.select %lt3A_477, %add3A_480, %and3A_22 : vector<16xi1>, vector<16xi32>
          %broadcast_in_dim3A_482 = vector.shape_cast %select_n3A_481 : vector<16xi32> to vector<16x1xi32>
          %gather3A_483 = vector.shape_cast %broadcast_in_dim3A_482 : vector<16x1xi32> to vector<16xi32>
          %gather3A_484 = tpu.dynamic_gather %add3A_474[%gather3A_483] in [0] : vector<16xf32>, vector<16xi32> -> vector<16xf32>
          %add3A_485 = arith.addf %add3A_474, %gather3A_484 : vector<16xf32>
          %exp3A_486 = math.exp %add3A_485 : vector<16xf32>
          %get3A_487 = arith.index_cast %add3A_382 : i32 to index
          %get3A_488 = arith.constant 32 : index
          %get3A_489 = tpu.vector_load %arg26[%get3A_487, %get3A_488] {strides = array<i32>} : memref<112x128xf32, #tpu.memory_space<vmem>>, vector<16xf32>,
          %mul3A_490 = arith.mulf %get3A_489, %exp3A_440 : vector<16xf32>
          %swap3A_491 = arith.index_cast %add3A_382 : i32 to index
          %swap3A_492 = arith.constant 0 : index
          %swap3A_493 = tpu.vector_load %arg27[%swap3A_491, %swap3A_492] {strides = array<i32>} : memref<112x32xf32, #tpu.memory_space<vmem>>, vector<16xf32>,
          tpu.vector_store %arg27[%swap3A_491, %swap3A_492], %mul3A_490 {strides = array<i32>} : memref<112x32xf32, #tpu.memory_space<vmem>>, vector<16xf32>,
          %get3A_494 = arith.index_cast %add3A_382 : i32 to index
          %get3A_495 = arith.constant 48 : index
          %get3A_496 = tpu.vector_load %arg26[%get3A_494, %get3A_495] {strides = array<i32>} : memref<112x128xf32, #tpu.memory_space<vmem>>, vector<16xf32>,
          %mul3A_497 = arith.mulf %get3A_496, %exp3A_486 : vector<16xf32>
          %swap3A_498 = arith.index_cast %add3A_382 : i32 to index
          %swap3A_499 = arith.constant 16 : index
          %swap3A_500 = tpu.vector_load %arg27[%swap3A_498, %swap3A_499] {strides = array<i32>} : memref<112x32xf32, #tpu.memory_space<vmem>>, vector<16xf32>,
          tpu.vector_store %arg27[%swap3A_498, %swap3A_499], %mul3A_497 {strides = array<i32>} : memref<112x32xf32, #tpu.memory_space<vmem>>, vector<16xf32>,
          %broadcast_in_dim3A_501 = vector.broadcast %add3A_382 : i32 to vector<16xi32>
          %gather3A_502 = tpu.vector_load_idx %arg21[%broadcast_in_dim3A_501] : memref<112xi32, #tpu.memory_space<vmem>>[vector<16xi32>], vector<16xi32>,
          %eq3A_503 = arith.cmpi eq, %iota3A, %gather3A_502 : vector<16xi32>
          %jit3A_504 = arith.constant 0.000000e+00 : f32
          %broadcast_in_dim3A_505 = vector.broadcast %jit3A_504 : f32 to vector<16xf32>
          %select_n3A_506 = arith.select %eq3A_503, %exp3A_440, %broadcast_in_dim3A_505 : vector<16xi1>, vector<16xf32>
          %add3A_507 = arith.constant 1 : i32
          %add3A_508 = vector.broadcast %add3A_507 : i32 to vector<16xi32>
          %add3A_509 = arith.addi %gather3A_502, %add3A_508 : vector<16xi32>
          %eq3A_510 = arith.cmpi eq, %iota3A, %add3A_509 : vector<16xi32>
          %jit3A_511 = arith.constant 0.000000e+00 : f32
          %broadcast_in_dim3A_512 = vector.broadcast %jit3A_511 : f32 to vector<16xf32>
          %select_n3A_513 = arith.select %eq3A_510, %exp3A_486, %broadcast_in_dim3A_512 : vector<16xi1>, vector<16xf32>
          %add3A_514 = arith.addf %select_n3A_506, %select_n3A_513 : vector<16xf32>
          %swap3A_515 = arith.index_cast %add3A_382 : i32 to index
          %swap3A_516 = arith.constant 0 : index
          %swap3A_517 = tpu.vector_load %arg28[%swap3A_515, %swap3A_516] {strides = array<i32>} : memref<112x16xf32, #tpu.memory_space<vmem>>, vector<16xf32>,
          tpu.vector_store %arg28[%swap3A_515, %swap3A_516], %add3A_514 {strides = array<i32>} : memref<112x16xf32, #tpu.memory_space<vmem>>, vector<16xf32>,
          %mul3A_518 = arith.constant 4 : i32
          %mul3A_519 = arith.muli %scan3A_245, %mul3A_518 : i32
          %add3A_520 = arith.constant 2 : i32
          %add3A_521 = arith.addi %mul3A_519, %add3A_520 : i32
          %get3A_522 = arith.index_cast %add3A_521 : i32 to index
          %get3A_523 = arith.constant 0 : index
          %get3A_524 = tpu.vector_load %arg25[%get3A_522, %get3A_523] {strides = array<i32>} : memref<112x128xf32, #tpu.memory_space<vmem>>, vector<16xf32>,
          %get3A_525 = arith.index_cast %add3A_521 : i32 to index
          %get3A_526 = arith.constant 16 : index
          %get3A_527 = tpu.vector_load %arg25[%get3A_525, %get3A_526] {strides = array<i32>} : memref<112x128xf32, #tpu.memory_space<vmem>>, vector<16xf32>,
          %get3A_528 = arith.index_cast %add3A_521 : i32 to index
          %get3A_529 = arith.constant 0 : index
          %get3A_530 = tpu.vector_load %arg26[%get3A_528, %get3A_529] {strides = array<i32>} : memref<112x128xf32, #tpu.memory_space<vmem>>, vector<16xf32>,
          %get3A_531 = arith.index_cast %add3A_521 : i32 to index
          %get3A_532 = arith.constant 16 : index
          %get3A_533 = tpu.vector_load %arg26[%get3A_531, %get3A_532] {strides = array<i32>} : memref<112x128xf32, #tpu.memory_space<vmem>>, vector<16xf32>,
          %mul3A_534 = arith.mulf %get3A_524, %get3A_530 : vector<16xf32>
          %lt3A_535 = arith.constant 0 : i32
          %lt3A_536 = vector.broadcast %lt3A_535 : i32 to vector<16xi32>
          %lt3A_537 = arith.cmpi slt, %and3A_4, %lt3A_536 : vector<16xi32>
          %add3A_538 = arith.constant 16 : i32
          %add3A_539 = vector.broadcast %add3A_538 : i32 to vector<16xi32>
          %add3A_540 = arith.addi %and3A_4, %add3A_539 : vector<16xi32>
          %select_n3A_541 = arith.select %lt3A_537, %add3A_540, %and3A_4 : vector<16xi1>, vector<16xi32>
          %broadcast_in_dim3A_542 = vector.shape_cast %select_n3A_541 : vector<16xi32> to vector<16x1xi32>
          %gather3A_543 = vector.shape_cast %broadcast_in_dim3A_542 : vector<16x1xi32> to vector<16xi32>
          %gather3A_544 = tpu.dynamic_gather %mul3A_534[%gather3A_543] in [0] : vector<16xf32>, vector<16xi32> -> vector<16xf32>
          %add3A_545 = arith.addf %mul3A_534, %gather3A_544 : vector<16xf32>
          %lt3A_546 = arith.constant 0 : i32
          %lt3A_547 = vector.broadcast %lt3A_546 : i32 to vector<16xi32>
          %lt3A_548 = arith.cmpi slt, %and3A_10, %lt3A_547 : vector<16xi32>
          %add3A_549 = arith.constant 16 : i32
          %add3A_550 = vector.broadcast %add3A_549 : i32 to vector<16xi32>
          %add3A_551 = arith.addi %and3A_10, %add3A_550 : vector<16xi32>
          %select_n3A_552 = arith.select %lt3A_548, %add3A_551, %and3A_10 : vector<16xi1>, vector<16xi32>
          %broadcast_in_dim3A_553 = vector.shape_cast %select_n3A_552 : vector<16xi32> to vector<16x1xi32>
          %gather3A_554 = vector.shape_cast %broadcast_in_dim3A_553 : vector<16x1xi32> to vector<16xi32>
          %gather3A_555 = tpu.dynamic_gather %add3A_545[%gather3A_554] in [0] : vector<16xf32>, vector<16xi32> -> vector<16xf32>
          %add3A_556 = arith.addf %add3A_545, %gather3A_555 : vector<16xf32>
          %lt3A_557 = arith.constant 0 : i32
          %lt3A_558 = vector.broadcast %lt3A_557 : i32 to vector<16xi32>
          %lt3A_559 = arith.cmpi slt, %and3A_16, %lt3A_558 : vector<16xi32>
          %add3A_560 = arith.constant 16 : i32
          %add3A_561 = vector.broadcast %add3A_560 : i32 to vector<16xi32>
          %add3A_562 = arith.addi %and3A_16, %add3A_561 : vector<16xi32>
          %select_n3A_563 = arith.select %lt3A_559, %add3A_562, %and3A_16 : vector<16xi1>, vector<16xi32>
          %broadcast_in_dim3A_564 = vector.shape_cast %select_n3A_563 : vector<16xi32> to vector<16x1xi32>
          %gather3A_565 = vector.shape_cast %broadcast_in_dim3A_564 : vector<16x1xi32> to vector<16xi32>
          %gather3A_566 = tpu.dynamic_gather %add3A_556[%gather3A_565] in [0] : vector<16xf32>, vector<16xi32> -> vector<16xf32>
          %add3A_567 = arith.addf %add3A_556, %gather3A_566 : vector<16xf32>
          %lt3A_568 = arith.constant 0 : i32
          %lt3A_569 = vector.broadcast %lt3A_568 : i32 to vector<16xi32>
          %lt3A_570 = arith.cmpi slt, %and3A_22, %lt3A_569 : vector<16xi32>
          %add3A_571 = arith.constant 16 : i32
          %add3A_572 = vector.broadcast %add3A_571 : i32 to vector<16xi32>
          %add3A_573 = arith.addi %and3A_22, %add3A_572 : vector<16xi32>
          %select_n3A_574 = arith.select %lt3A_570, %add3A_573, %and3A_22 : vector<16xi1>, vector<16xi32>
          %broadcast_in_dim3A_575 = vector.shape_cast %select_n3A_574 : vector<16xi32> to vector<16x1xi32>
          %gather3A_576 = vector.shape_cast %broadcast_in_dim3A_575 : vector<16x1xi32> to vector<16xi32>
          %gather3A_577 = tpu.dynamic_gather %add3A_567[%gather3A_576] in [0] : vector<16xf32>, vector<16xi32> -> vector<16xf32>
          %add3A_578 = arith.addf %add3A_567, %gather3A_577 : vector<16xf32>
          %exp3A_579 = math.exp %add3A_578 : vector<16xf32>
          %mul3A_580 = arith.mulf %get3A_527, %get3A_533 : vector<16xf32>
          %lt3A_581 = arith.constant 0 : i32
          %lt3A_582 = vector.broadcast %lt3A_581 : i32 to vector<16xi32>
          %lt3A_583 = arith.cmpi slt, %and3A_4, %lt3A_582 : vector<16xi32>
          %add3A_584 = arith.constant 16 : i32
          %add3A_585 = vector.broadcast %add3A_584 : i32 to vector<16xi32>
          %add3A_586 = arith.addi %and3A_4, %add3A_585 : vector<16xi32>
          %select_n3A_587 = arith.select %lt3A_583, %add3A_586, %and3A_4 : vector<16xi1>, vector<16xi32>
          %broadcast_in_dim3A_588 = vector.shape_cast %select_n3A_587 : vector<16xi32> to vector<16x1xi32>
          %gather3A_589 = vector.shape_cast %broadcast_in_dim3A_588 : vector<16x1xi32> to vector<16xi32>
          %gather3A_590 = tpu.dynamic_gather %mul3A_580[%gather3A_589] in [0] : vector<16xf32>, vector<16xi32> -> vector<16xf32>
          %add3A_591 = arith.addf %mul3A_580, %gather3A_590 : vector<16xf32>
          %lt3A_592 = arith.constant 0 : i32
          %lt3A_593 = vector.broadcast %lt3A_592 : i32 to vector<16xi32>
          %lt3A_594 = arith.cmpi slt, %and3A_10, %lt3A_593 : vector<16xi32>
          %add3A_595 = arith.constant 16 : i32
          %add3A_596 = vector.broadcast %add3A_595 : i32 to vector<16xi32>
          %add3A_597 = arith.addi %and3A_10, %add3A_596 : vector<16xi32>
          %select_n3A_598 = arith.select %lt3A_594, %add3A_597, %and3A_10 : vector<16xi1>, vector<16xi32>
          %broadcast_in_dim3A_599 = vector.shape_cast %select_n3A_598 : vector<16xi32> to vector<16x1xi32>
          %gather3A_600 = vector.shape_cast %broadcast_in_dim3A_599 : vector<16x1xi32> to vector<16xi32>
          %gather3A_601 = tpu.dynamic_gather %add3A_591[%gather3A_600] in [0] : vector<16xf32>, vector<16xi32> -> vector<16xf32>
          %add3A_602 = arith.addf %add3A_591, %gather3A_601 : vector<16xf32>
          %lt3A_603 = arith.constant 0 : i32
          %lt3A_604 = vector.broadcast %lt3A_603 : i32 to vector<16xi32>
          %lt3A_605 = arith.cmpi slt, %and3A_16, %lt3A_604 : vector<16xi32>
          %add3A_606 = arith.constant 16 : i32
          %add3A_607 = vector.broadcast %add3A_606 : i32 to vector<16xi32>
          %add3A_608 = arith.addi %and3A_16, %add3A_607 : vector<16xi32>
          %select_n3A_609 = arith.select %lt3A_605, %add3A_608, %and3A_16 : vector<16xi1>, vector<16xi32>
          %broadcast_in_dim3A_610 = vector.shape_cast %select_n3A_609 : vector<16xi32> to vector<16x1xi32>
          %gather3A_611 = vector.shape_cast %broadcast_in_dim3A_610 : vector<16x1xi32> to vector<16xi32>
          %gather3A_612 = tpu.dynamic_gather %add3A_602[%gather3A_611] in [0] : vector<16xf32>, vector<16xi32> -> vector<16xf32>
          %add3A_613 = arith.addf %add3A_602, %gather3A_612 : vector<16xf32>
          %lt3A_614 = arith.constant 0 : i32
          %lt3A_615 = vector.broadcast %lt3A_614 : i32 to vector<16xi32>
          %lt3A_616 = arith.cmpi slt, %and3A_22, %lt3A_615 : vector<16xi32>
          %add3A_617 = arith.constant 16 : i32
          %add3A_618 = vector.broadcast %add3A_617 : i32 to vector<16xi32>
          %add3A_619 = arith.addi %and3A_22, %add3A_618 : vector<16xi32>
          %select_n3A_620 = arith.select %lt3A_616, %add3A_619, %and3A_22 : vector<16xi1>, vector<16xi32>
          %broadcast_in_dim3A_621 = vector.shape_cast %select_n3A_620 : vector<16xi32> to vector<16x1xi32>
          %gather3A_622 = vector.shape_cast %broadcast_in_dim3A_621 : vector<16x1xi32> to vector<16xi32>
          %gather3A_623 = tpu.dynamic_gather %add3A_613[%gather3A_622] in [0] : vector<16xf32>, vector<16xi32> -> vector<16xf32>
          %add3A_624 = arith.addf %add3A_613, %gather3A_623 : vector<16xf32>
          %exp3A_625 = math.exp %add3A_624 : vector<16xf32>
          %get3A_626 = arith.index_cast %add3A_521 : i32 to index
          %get3A_627 = arith.constant 32 : index
          %get3A_628 = tpu.vector_load %arg26[%get3A_626, %get3A_627] {strides = array<i32>} : memref<112x128xf32, #tpu.memory_space<vmem>>, vector<16xf32>,
          %mul3A_629 = arith.mulf %get3A_628, %exp3A_579 : vector<16xf32>
          %swap3A_630 = arith.index_cast %add3A_521 : i32 to index
          %swap3A_631 = arith.constant 0 : index
          %swap3A_632 = tpu.vector_load %arg27[%swap3A_630, %swap3A_631] {strides = array<i32>} : memref<112x32xf32, #tpu.memory_space<vmem>>, vector<16xf32>,
          tpu.vector_store %arg27[%swap3A_630, %swap3A_631], %mul3A_629 {strides = array<i32>} : memref<112x32xf32, #tpu.memory_space<vmem>>, vector<16xf32>,
          %get3A_633 = arith.index_cast %add3A_521 : i32 to index
          %get3A_634 = arith.constant 48 : index
          %get3A_635 = tpu.vector_load %arg26[%get3A_633, %get3A_634] {strides = array<i32>} : memref<112x128xf32, #tpu.memory_space<vmem>>, vector<16xf32>,
          %mul3A_636 = arith.mulf %get3A_635, %exp3A_625 : vector<16xf32>
          %swap3A_637 = arith.index_cast %add3A_521 : i32 to index
          %swap3A_638 = arith.constant 16 : index
          %swap3A_639 = tpu.vector_load %arg27[%swap3A_637, %swap3A_638] {strides = array<i32>} : memref<112x32xf32, #tpu.memory_space<vmem>>, vector<16xf32>,
          tpu.vector_store %arg27[%swap3A_637, %swap3A_638], %mul3A_636 {strides = array<i32>} : memref<112x32xf32, #tpu.memory_space<vmem>>, vector<16xf32>,
          %broadcast_in_dim3A_640 = vector.broadcast %add3A_521 : i32 to vector<16xi32>
          %gather3A_641 = tpu.vector_load_idx %arg21[%broadcast_in_dim3A_640] : memref<112xi32, #tpu.memory_space<vmem>>[vector<16xi32>], vector<16xi32>,
          %eq3A_642 = arith.cmpi eq, %iota3A, %gather3A_641 : vector<16xi32>
          %jit3A_643 = arith.constant 0.000000e+00 : f32
          %broadcast_in_dim3A_644 = vector.broadcast %jit3A_643 : f32 to vector<16xf32>
          %select_n3A_645 = arith.select %eq3A_642, %exp3A_579, %broadcast_in_dim3A_644 : vector<16xi1>, vector<16xf32>
          %add3A_646 = arith.constant 1 : i32
          %add3A_647 = vector.broadcast %add3A_646 : i32 to vector<16xi32>
          %add3A_648 = arith.addi %gather3A_641, %add3A_647 : vector<16xi32>
          %eq3A_649 = arith.cmpi eq, %iota3A, %add3A_648 : vector<16xi32>
          %jit3A_650 = arith.constant 0.000000e+00 : f32
          %broadcast_in_dim3A_651 = vector.broadcast %jit3A_650 : f32 to vector<16xf32>
          %select_n3A_652 = arith.select %eq3A_649, %exp3A_625, %broadcast_in_dim3A_651 : vector<16xi1>, vector<16xf32>
          %add3A_653 = arith.addf %select_n3A_645, %select_n3A_652 : vector<16xf32>
          %swap3A_654 = arith.index_cast %add3A_521 : i32 to index
          %swap3A_655 = arith.constant 0 : index
          %swap3A_656 = tpu.vector_load %arg28[%swap3A_654, %swap3A_655] {strides = array<i32>} : memref<112x16xf32, #tpu.memory_space<vmem>>, vector<16xf32>,
          tpu.vector_store %arg28[%swap3A_654, %swap3A_655], %add3A_653 {strides = array<i32>} : memref<112x16xf32, #tpu.memory_space<vmem>>, vector<16xf32>,
          %mul3A_657 = arith.constant 4 : i32
          %mul3A_658 = arith.muli %scan3A_245, %mul3A_657 : i32
          %add3A_659 = arith.constant 3 : i32
          %add3A_660 = arith.addi %mul3A_658, %add3A_659 : i32
          %get3A_661 = arith.index_cast %add3A_660 : i32 to index
          %get3A_662 = arith.constant 0 : index
          %get3A_663 = tpu.vector_load %arg25[%get3A_661, %get3A_662] {strides = array<i32>} : memref<112x128xf32, #tpu.memory_space<vmem>>, vector<16xf32>,
          %get3A_664 = arith.index_cast %add3A_660 : i32 to index
          %get3A_665 = arith.constant 16 : index
          %get3A_666 = tpu.vector_load %arg25[%get3A_664, %get3A_665] {strides = array<i32>} : memref<112x128xf32, #tpu.memory_space<vmem>>, vector<16xf32>,
          %get3A_667 = arith.index_cast %add3A_660 : i32 to index
          %get3A_668 = arith.constant 0 : index
          %get3A_669 = tpu.vector_load %arg26[%get3A_667, %get3A_668] {strides = array<i32>} : memref<112x128xf32, #tpu.memory_space<vmem>>, vector<16xf32>,
          %get3A_670 = arith.index_cast %add3A_660 : i32 to index
          %get3A_671 = arith.constant 16 : index
          %get3A_672 = tpu.vector_load %arg26[%get3A_670, %get3A_671] {strides = array<i32>} : memref<112x128xf32, #tpu.memory_space<vmem>>, vector<16xf32>,
          %mul3A_673 = arith.mulf %get3A_663, %get3A_669 : vector<16xf32>
          %lt3A_674 = arith.constant 0 : i32
          %lt3A_675 = vector.broadcast %lt3A_674 : i32 to vector<16xi32>
          %lt3A_676 = arith.cmpi slt, %and3A_4, %lt3A_675 : vector<16xi32>
          %add3A_677 = arith.constant 16 : i32
          %add3A_678 = vector.broadcast %add3A_677 : i32 to vector<16xi32>
          %add3A_679 = arith.addi %and3A_4, %add3A_678 : vector<16xi32>
          %select_n3A_680 = arith.select %lt3A_676, %add3A_679, %and3A_4 : vector<16xi1>, vector<16xi32>
          %broadcast_in_dim3A_681 = vector.shape_cast %select_n3A_680 : vector<16xi32> to vector<16x1xi32>
          %gather3A_682 = vector.shape_cast %broadcast_in_dim3A_681 : vector<16x1xi32> to vector<16xi32>
          %gather3A_683 = tpu.dynamic_gather %mul3A_673[%gather3A_682] in [0] : vector<16xf32>, vector<16xi32> -> vector<16xf32>
          %add3A_684 = arith.addf %mul3A_673, %gather3A_683 : vector<16xf32>
          %lt3A_685 = arith.constant 0 : i32
          %lt3A_686 = vector.broadcast %lt3A_685 : i32 to vector<16xi32>
          %lt3A_687 = arith.cmpi slt, %and3A_10, %lt3A_686 : vector<16xi32>
          %add3A_688 = arith.constant 16 : i32
          %add3A_689 = vector.broadcast %add3A_688 : i32 to vector<16xi32>
          %add3A_690 = arith.addi %and3A_10, %add3A_689 : vector<16xi32>
          %select_n3A_691 = arith.select %lt3A_687, %add3A_690, %and3A_10 : vector<16xi1>, vector<16xi32>
          %broadcast_in_dim3A_692 = vector.shape_cast %select_n3A_691 : vector<16xi32> to vector<16x1xi32>
          %gather3A_693 = vector.shape_cast %broadcast_in_dim3A_692 : vector<16x1xi32> to vector<16xi32>
          %gather3A_694 = tpu.dynamic_gather %add3A_684[%gather3A_693] in [0] : vector<16xf32>, vector<16xi32> -> vector<16xf32>
          %add3A_695 = arith.addf %add3A_684, %gather3A_694 : vector<16xf32>
          %lt3A_696 = arith.constant 0 : i32
          %lt3A_697 = vector.broadcast %lt3A_696 : i32 to vector<16xi32>
          %lt3A_698 = arith.cmpi slt, %and3A_16, %lt3A_697 : vector<16xi32>
          %add3A_699 = arith.constant 16 : i32
          %add3A_700 = vector.broadcast %add3A_699 : i32 to vector<16xi32>
          %add3A_701 = arith.addi %and3A_16, %add3A_700 : vector<16xi32>
          %select_n3A_702 = arith.select %lt3A_698, %add3A_701, %and3A_16 : vector<16xi1>, vector<16xi32>
          %broadcast_in_dim3A_703 = vector.shape_cast %select_n3A_702 : vector<16xi32> to vector<16x1xi32>
          %gather3A_704 = vector.shape_cast %broadcast_in_dim3A_703 : vector<16x1xi32> to vector<16xi32>
          %gather3A_705 = tpu.dynamic_gather %add3A_695[%gather3A_704] in [0] : vector<16xf32>, vector<16xi32> -> vector<16xf32>
          %add3A_706 = arith.addf %add3A_695, %gather3A_705 : vector<16xf32>
          %lt3A_707 = arith.constant 0 : i32
          %lt3A_708 = vector.broadcast %lt3A_707 : i32 to vector<16xi32>
          %lt3A_709 = arith.cmpi slt, %and3A_22, %lt3A_708 : vector<16xi32>
          %add3A_710 = arith.constant 16 : i32
          %add3A_711 = vector.broadcast %add3A_710 : i32 to vector<16xi32>
          %add3A_712 = arith.addi %and3A_22, %add3A_711 : vector<16xi32>
          %select_n3A_713 = arith.select %lt3A_709, %add3A_712, %and3A_22 : vector<16xi1>, vector<16xi32>
          %broadcast_in_dim3A_714 = vector.shape_cast %select_n3A_713 : vector<16xi32> to vector<16x1xi32>
          %gather3A_715 = vector.shape_cast %broadcast_in_dim3A_714 : vector<16x1xi32> to vector<16xi32>
          %gather3A_716 = tpu.dynamic_gather %add3A_706[%gather3A_715] in [0] : vector<16xf32>, vector<16xi32> -> vector<16xf32>
          %add3A_717 = arith.addf %add3A_706, %gather3A_716 : vector<16xf32>
          %exp3A_718 = math.exp %add3A_717 : vector<16xf32>
          %mul3A_719 = arith.mulf %get3A_666, %get3A_672 : vector<16xf32>
          %lt3A_720 = arith.constant 0 : i32
          %lt3A_721 = vector.broadcast %lt3A_720 : i32 to vector<16xi32>
          %lt3A_722 = arith.cmpi slt, %and3A_4, %lt3A_721 : vector<16xi32>
          %add3A_723 = arith.constant 16 : i32
          %add3A_724 = vector.broadcast %add3A_723 : i32 to vector<16xi32>
          %add3A_725 = arith.addi %and3A_4, %add3A_724 : vector<16xi32>
          %select_n3A_726 = arith.select %lt3A_722, %add3A_725, %and3A_4 : vector<16xi1>, vector<16xi32>
          %broadcast_in_dim3A_727 = vector.shape_cast %select_n3A_726 : vector<16xi32> to vector<16x1xi32>
          %gather3A_728 = vector.shape_cast %broadcast_in_dim3A_727 : vector<16x1xi32> to vector<16xi32>
          %gather3A_729 = tpu.dynamic_gather %mul3A_719[%gather3A_728] in [0] : vector<16xf32>, vector<16xi32> -> vector<16xf32>
          %add3A_730 = arith.addf %mul3A_719, %gather3A_729 : vector<16xf32>
          %lt3A_731 = arith.constant 0 : i32
          %lt3A_732 = vector.broadcast %lt3A_731 : i32 to vector<16xi32>
          %lt3A_733 = arith.cmpi slt, %and3A_10, %lt3A_732 : vector<16xi32>
          %add3A_734 = arith.constant 16 : i32
          %add3A_735 = vector.broadcast %add3A_734 : i32 to vector<16xi32>
          %add3A_736 = arith.addi %and3A_10, %add3A_735 : vector<16xi32>
          %select_n3A_737 = arith.select %lt3A_733, %add3A_736, %and3A_10 : vector<16xi1>, vector<16xi32>
          %broadcast_in_dim3A_738 = vector.shape_cast %select_n3A_737 : vector<16xi32> to vector<16x1xi32>
          %gather3A_739 = vector.shape_cast %broadcast_in_dim3A_738 : vector<16x1xi32> to vector<16xi32>
          %gather3A_740 = tpu.dynamic_gather %add3A_730[%gather3A_739] in [0] : vector<16xf32>, vector<16xi32> -> vector<16xf32>
          %add3A_741 = arith.addf %add3A_730, %gather3A_740 : vector<16xf32>
          %lt3A_742 = arith.constant 0 : i32
          %lt3A_743 = vector.broadcast %lt3A_742 : i32 to vector<16xi32>
          %lt3A_744 = arith.cmpi slt, %and3A_16, %lt3A_743 : vector<16xi32>
          %add3A_745 = arith.constant 16 : i32
          %add3A_746 = vector.broadcast %add3A_745 : i32 to vector<16xi32>
          %add3A_747 = arith.addi %and3A_16, %add3A_746 : vector<16xi32>
          %select_n3A_748 = arith.select %lt3A_744, %add3A_747, %and3A_16 : vector<16xi1>, vector<16xi32>
          %broadcast_in_dim3A_749 = vector.shape_cast %select_n3A_748 : vector<16xi32> to vector<16x1xi32>
          %gather3A_750 = vector.shape_cast %broadcast_in_dim3A_749 : vector<16x1xi32> to vector<16xi32>
          %gather3A_751 = tpu.dynamic_gather %add3A_741[%gather3A_750] in [0] : vector<16xf32>, vector<16xi32> -> vector<16xf32>
          %add3A_752 = arith.addf %add3A_741, %gather3A_751 : vector<16xf32>
          %lt3A_753 = arith.constant 0 : i32
          %lt3A_754 = vector.broadcast %lt3A_753 : i32 to vector<16xi32>
          %lt3A_755 = arith.cmpi slt, %and3A_22, %lt3A_754 : vector<16xi32>
          %add3A_756 = arith.constant 16 : i32
          %add3A_757 = vector.broadcast %add3A_756 : i32 to vector<16xi32>
          %add3A_758 = arith.addi %and3A_22, %add3A_757 : vector<16xi32>
          %select_n3A_759 = arith.select %lt3A_755, %add3A_758, %and3A_22 : vector<16xi1>, vector<16xi32>
          %broadcast_in_dim3A_760 = vector.shape_cast %select_n3A_759 : vector<16xi32> to vector<16x1xi32>
          %gather3A_761 = vector.shape_cast %broadcast_in_dim3A_760 : vector<16x1xi32> to vector<16xi32>
          %gather3A_762 = tpu.dynamic_gather %add3A_752[%gather3A_761] in [0] : vector<16xf32>, vector<16xi32> -> vector<16xf32>
          %add3A_763 = arith.addf %add3A_752, %gather3A_762 : vector<16xf32>
          %exp3A_764 = math.exp %add3A_763 : vector<16xf32>
          %get3A_765 = arith.index_cast %add3A_660 : i32 to index
          %get3A_766 = arith.constant 32 : index
          %get3A_767 = tpu.vector_load %arg26[%get3A_765, %get3A_766] {strides = array<i32>} : memref<112x128xf32, #tpu.memory_space<vmem>>, vector<16xf32>,
          %mul3A_768 = arith.mulf %get3A_767, %exp3A_718 : vector<16xf32>
          %swap3A_769 = arith.index_cast %add3A_660 : i32 to index
          %swap3A_770 = arith.constant 0 : index
          %swap3A_771 = tpu.vector_load %arg27[%swap3A_769, %swap3A_770] {strides = array<i32>} : memref<112x32xf32, #tpu.memory_space<vmem>>, vector<16xf32>,
          tpu.vector_store %arg27[%swap3A_769, %swap3A_770], %mul3A_768 {strides = array<i32>} : memref<112x32xf32, #tpu.memory_space<vmem>>, vector<16xf32>,
          %get3A_772 = arith.index_cast %add3A_660 : i32 to index
          %get3A_773 = arith.constant 48 : index
          %get3A_774 = tpu.vector_load %arg26[%get3A_772, %get3A_773] {strides = array<i32>} : memref<112x128xf32, #tpu.memory_space<vmem>>, vector<16xf32>,
          %mul3A_775 = arith.mulf %get3A_774, %exp3A_764 : vector<16xf32>
          %swap3A_776 = arith.index_cast %add3A_660 : i32 to index
          %swap3A_777 = arith.constant 16 : index
          %swap3A_778 = tpu.vector_load %arg27[%swap3A_776, %swap3A_777] {strides = array<i32>} : memref<112x32xf32, #tpu.memory_space<vmem>>, vector<16xf32>,
          tpu.vector_store %arg27[%swap3A_776, %swap3A_777], %mul3A_775 {strides = array<i32>} : memref<112x32xf32, #tpu.memory_space<vmem>>, vector<16xf32>,
          %broadcast_in_dim3A_779 = vector.broadcast %add3A_660 : i32 to vector<16xi32>
          %gather3A_780 = tpu.vector_load_idx %arg21[%broadcast_in_dim3A_779] : memref<112xi32, #tpu.memory_space<vmem>>[vector<16xi32>], vector<16xi32>,
          %eq3A_781 = arith.cmpi eq, %iota3A, %gather3A_780 : vector<16xi32>
          %jit3A_782 = arith.constant 0.000000e+00 : f32
          %broadcast_in_dim3A_783 = vector.broadcast %jit3A_782 : f32 to vector<16xf32>
          %select_n3A_784 = arith.select %eq3A_781, %exp3A_718, %broadcast_in_dim3A_783 : vector<16xi1>, vector<16xf32>
          %add3A_785 = arith.constant 1 : i32
          %add3A_786 = vector.broadcast %add3A_785 : i32 to vector<16xi32>
          %add3A_787 = arith.addi %gather3A_780, %add3A_786 : vector<16xi32>
          %eq3A_788 = arith.cmpi eq, %iota3A, %add3A_787 : vector<16xi32>
          %jit3A_789 = arith.constant 0.000000e+00 : f32
          %broadcast_in_dim3A_790 = vector.broadcast %jit3A_789 : f32 to vector<16xf32>
          %select_n3A_791 = arith.select %eq3A_788, %exp3A_764, %broadcast_in_dim3A_790 : vector<16xi1>, vector<16xf32>
          %add3A_792 = arith.addf %select_n3A_784, %select_n3A_791 : vector<16xf32>
          %swap3A_793 = arith.index_cast %add3A_660 : i32 to index
          %swap3A_794 = arith.constant 0 : index
          %swap3A_795 = tpu.vector_load %arg28[%swap3A_793, %swap3A_794] {strides = array<i32>} : memref<112x16xf32, #tpu.memory_space<vmem>>, vector<16xf32>,
          tpu.vector_store %arg28[%swap3A_793, %swap3A_794], %add3A_792 {strides = array<i32>} : memref<112x16xf32, #tpu.memory_space<vmem>>, vector<16xf32>,
        }
        %scan3A_244 = arith.constant 28 : i32
        "tpu.region"() ({
          %run_scoped3A = tpu.sem_alloc : memref<!tpu.dma_semaphore, #tpu.memory_space<semaphore_mem>>
          %dma_start3A_245 = arith.constant 0 : i32
          %dma_start3A_246 = arith.constant 0 : i32
          %dma_start3A_247 = tpu.memref_slice %arg7[%dma_start3A_245, %dma_start3A_246] : memref<25040x32xf32, #tpu.memory_space<vmem_shared>> -> memref<25040x32xf32, #tpu.memory_space<vmem_shared>>
          tpu.enqueue_indirect_dma source(%arg27 : memref<112x32xf32, #tpu.memory_space<vmem>>) target(%dma_start3A_247 : memref<25040x32xf32, #tpu.memory_space<vmem_shared>>) offsets(%arg22 : memref<112xi32, #tpu.memory_space<vmem>>) semaphore(%run_scoped3A : memref<!tpu.dma_semaphore, #tpu.memory_space<semaphore_mem>>) {add = true}
          %dma_wait3A_248 = arith.constant 0 : i32
          %dma_wait3A_249 = arith.constant 0 : i32
          %dma_wait3A_250 = tpu.memref_slice %arg7[%dma_wait3A_248, %dma_wait3A_249] : memref<25040x32xf32, #tpu.memory_space<vmem_shared>> -> memref<25040x32xf32, #tpu.memory_space<vmem_shared>>
          tpu.wait_indirect_dma semaphore(%run_scoped3A : memref<!tpu.dma_semaphore, #tpu.memory_space<semaphore_mem>>) src(%arg27 : memref<112x32xf32, #tpu.memory_space<vmem>>) dst(%dma_wait3A_250 : memref<25040x32xf32, #tpu.memory_space<vmem_shared>>)
          tpu.yield
        }) : () -> ()
        "tpu.region"() ({
          %run_scoped3A = tpu.sem_alloc : memref<!tpu.dma_semaphore, #tpu.memory_space<semaphore_mem>>
          %dma_start3A_245 = arith.constant 0 : i32
          %dma_start3A_246 = arith.constant 0 : i32
          %dma_start3A_247 = tpu.memref_slice %arg8[%dma_start3A_245, %dma_start3A_246] : memref<3136x16xf32, #tpu.memory_space<vmem_shared>> -> memref<3136x16xf32, #tpu.memory_space<vmem_shared>>
          tpu.enqueue_indirect_dma source(%arg28 : memref<112x16xf32, #tpu.memory_space<vmem>>) target(%dma_start3A_247 : memref<3136x16xf32, #tpu.memory_space<vmem_shared>>) offsets(%arg20 : memref<112xi32, #tpu.memory_space<vmem>>) semaphore(%run_scoped3A : memref<!tpu.dma_semaphore, #tpu.memory_space<semaphore_mem>>) {add = true}
          %dma_wait3A_248 = arith.constant 0 : i32
          %dma_wait3A_249 = arith.constant 0 : i32
          %dma_wait3A_250 = tpu.memref_slice %arg8[%dma_wait3A_248, %dma_wait3A_249] : memref<3136x16xf32, #tpu.memory_space<vmem_shared>> -> memref<3136x16xf32, #tpu.memory_space<vmem_shared>>
          tpu.wait_indirect_dma semaphore(%run_scoped3A : memref<!tpu.dma_semaphore, #tpu.memory_space<semaphore_mem>>) src(%arg28 : memref<112x16xf32, #tpu.memory_space<vmem>>) dst(%dma_wait3A_250 : memref<3136x16xf32, #tpu.memory_space<vmem_shared>>)
          tpu.yield
        }) : () -> ()
      }
      %scan3A_103 = arith.constant 224 : i32
      %dma_wait3A_104 = arith.constant 0 : i32
      %dma_wait3A_105 = arith.constant 0 : i32
      %dma_wait3A_106 = tpu.memref_slice %arg2[%dma_wait3A_104, %dma_wait3A_105] : memref<102400x128xf32, #tpu.memory_space<hbm>> -> memref<102400x128xf32, #tpu.memory_space<hbm>>
      tpu.wait_indirect_dma semaphore(%arg35 : memref<!tpu.dma_semaphore, #tpu.memory_space<semaphore_mem>>) src(%dma_wait3A_106 : memref<102400x128xf32, #tpu.memory_space<hbm>>) dst(%arg23 : memref<112x128xf32, #tpu.memory_space<vmem>>)
      %dma_wait3A_107 = arith.constant 0 : i32
      %dma_wait3A_108 = arith.constant 0 : i32
      %dma_wait3A_109 = tpu.memref_slice %arg3[%dma_wait3A_107, %dma_wait3A_108] : memref<102400x128xf32, #tpu.memory_space<hbm>> -> memref<102400x128xf32, #tpu.memory_space<hbm>>
      tpu.wait_indirect_dma semaphore(%arg36 : memref<!tpu.dma_semaphore, #tpu.memory_space<semaphore_mem>>) src(%dma_wait3A_109 : memref<102400x128xf32, #tpu.memory_space<hbm>>) dst(%arg24 : memref<112x128xf32, #tpu.memory_space<vmem>>)
      %dma_wait3A_110 = arith.constant 0 : i32
      %dma_wait3A_111 = tpu.memref_slice %arg4[%dma_wait3A_110] : memref<802816xi32, #tpu.memory_space<hbm>> -> memref<112xi32, #tpu.memory_space<hbm>>
      %dma_wait3A_112 = arith.constant 0 : i32
      %dma_wait3A_113 = tpu.memref_slice %arg4[%dma_wait3A_112] : memref<802816xi32, #tpu.memory_space<hbm>> -> memref<112xi32, #tpu.memory_space<hbm>>
      tpu.wait_dma2 semaphore(%arg37 : memref<!tpu.dma_semaphore, #tpu.memory_space<semaphore_mem>>) src(%dma_wait3A_113 : memref<112xi32, #tpu.memory_space<hbm>>) dst(%arg16 : memref<112xi32, #tpu.memory_space<vmem>>)
      %dma_wait3A_114 = arith.constant 0 : i32
      %dma_wait3A_115 = tpu.memref_slice %arg5[%dma_wait3A_114] : memref<802816xi32, #tpu.memory_space<hbm>> -> memref<112xi32, #tpu.memory_space<hbm>>
      %dma_wait3A_116 = arith.constant 0 : i32
      %dma_wait3A_117 = tpu.memref_slice %arg5[%dma_wait3A_116] : memref<802816xi32, #tpu.memory_space<hbm>> -> memref<112xi32, #tpu.memory_space<hbm>>
      tpu.wait_dma2 semaphore(%arg38 : memref<!tpu.dma_semaphore, #tpu.memory_space<semaphore_mem>>) src(%dma_wait3A_117 : memref<112xi32, #tpu.memory_space<hbm>>) dst(%arg17 : memref<112xi32, #tpu.memory_space<vmem>>)
      %barrier3A_118 = arith.constant 0 : index
      tpu.barrier barrier_id(%barrier3A_118)
      %sub3A_119 = arith.constant 640 : i32
      %sub3A_120 = arith.subi %sub3A_119, %arg1 : i32
      %jit3A = arith.constant 16 : i32
      %div3A = arith.divsi %sub3A_120, %jit3A : i32
      %sign3A = arith.constant 0 : i32
      %sign3A_121 = arith.cmpi sgt, %sub3A_120, %sign3A : i32
      %sign3A_122 = arith.extui %sign3A_121 : i1 to i32
      %sign3A_123 = arith.constant 0 : i32
      %sign3A_124 = arith.cmpi slt, %sub3A_120, %sign3A_123 : i32
      %sign3A_125 = arith.extui %sign3A_124 : i1 to i32
      %sign3A_126 = arith.subi %sign3A_122, %sign3A_125 : i32
      %sign3A_127 = arith.constant 0 : i32
      %sign3A_128 = arith.cmpi sgt, %jit3A, %sign3A_127 : i32
      %sign3A_129 = arith.extui %sign3A_128 : i1 to i32
      %sign3A_130 = arith.constant 0 : i32
      %sign3A_131 = arith.cmpi slt, %jit3A, %sign3A_130 : i32
      %sign3A_132 = arith.extui %sign3A_131 : i1 to i32
      %sign3A_133 = arith.subi %sign3A_129, %sign3A_132 : i32
      %ne3A = arith.cmpi ne, %sign3A_126, %sign3A_133 : i32
      %rem3A = arith.remsi %sub3A_120, %jit3A : i32
      %ne3A_134 = arith.constant 0 : i32
      %ne3A_135 = arith.cmpi ne, %rem3A, %ne3A_134 : i32
      %and3A_136 = arith.andi %ne3A, %ne3A_135 : i1
      %sub3A_137 = arith.constant 1 : i32
      %sub3A_138 = arith.subi %div3A, %sub3A_137 : i32
      %select_n3A = arith.select %and3A_136, %sub3A_138, %div3A : i32
      %while3A = arith.constant 0 : i32
      %while3A_139 = arith.constant 0 : i32
      %while3A_140 = arith.subi %select_n3A, %while3A_139 : i32
      %while3A_141 = arith.addi %while3A_139, %while3A_140 : i32
      %while3A_142 = arith.constant 1 : i32
      %while3A_143 = arith.divsi %while3A_140, %while3A_142 : i32
      %while3A_144 = arith.muli %while3A_143, %while3A_142 : i32
      %while3A_145 = arith.addi %while3A_139, %while3A_144 : i32
      %while3A_146 = arith.constant 1 : i32
      scf.for %while3A_149 = %while3A_139 to %while3A_145 step %while3A_146  : i32 {
        %mul3A_150 = arith.constant 16 : i32
        %mul3A_151 = arith.muli %while3A_149, %mul3A_150 : i32
        %add3A_152 = arith.addi %arg1, %mul3A_151 : i32
        %mul3A_153 = arith.constant 40 : i32
        %mul3A_154 = arith.muli %add3A_152, %mul3A_153 : i32
        "tpu.region"() ({
          %run_scoped3A = tpu.sem_alloc : memref<!tpu.dma_semaphore, #tpu.memory_space<semaphore_mem>>
          %dma_start3A_164 = arith.constant 0 : i32
          %dma_start3A_165 = tpu.memref_slice %arg7[%mul3A_154, %dma_start3A_164] : memref<25040x32xf32, #tpu.memory_space<vmem_shared>> -> memref<40x32xf32, #tpu.memory_space<vmem_shared>>
          %dma_start3A_166 = arith.constant 0 : i32
          %dma_start3A_167 = tpu.memref_slice %arg7[%mul3A_154, %dma_start3A_166] : memref<25040x32xf32, #tpu.memory_space<vmem_shared>> -> memref<40x32xf32, #tpu.memory_space<vmem_shared>>
          tpu.enqueue_dma source(%dma_start3A_167 : memref<40x32xf32, #tpu.memory_space<vmem_shared>>) target(%arg29 : memref<40x32xf32, #tpu.memory_space<vmem>>) target_semaphore(%run_scoped3A : memref<!tpu.dma_semaphore, #tpu.memory_space<semaphore_mem>>)
          %dma_wait3A_168 = arith.constant 0 : i32
          %dma_wait3A_169 = tpu.memref_slice %arg7[%mul3A_154, %dma_wait3A_168] : memref<25040x32xf32, #tpu.memory_space<vmem_shared>> -> memref<40x32xf32, #tpu.memory_space<vmem_shared>>
          %dma_wait3A_170 = arith.constant 0 : i32
          %dma_wait3A_171 = tpu.memref_slice %arg7[%mul3A_154, %dma_wait3A_170] : memref<25040x32xf32, #tpu.memory_space<vmem_shared>> -> memref<40x32xf32, #tpu.memory_space<vmem_shared>>
          tpu.wait_dma2 semaphore(%run_scoped3A : memref<!tpu.dma_semaphore, #tpu.memory_space<semaphore_mem>>) src(%dma_wait3A_171 : memref<40x32xf32, #tpu.memory_space<vmem_shared>>) dst(%arg29 : memref<40x32xf32, #tpu.memory_space<vmem>>)
          tpu.yield
        }) : () -> ()
        %mul3A_155 = arith.constant 5 : i32
        %mul3A_156 = arith.muli %add3A_152, %mul3A_155 : i32
        "tpu.region"() ({
          %run_scoped3A = tpu.sem_alloc : memref<!tpu.dma_semaphore, #tpu.memory_space<semaphore_mem>>
          %dma_start3A_164 = arith.constant 0 : i32
          %dma_start3A_165 = tpu.memref_slice %arg8[%mul3A_156, %dma_start3A_164] : memref<3136x16xf32, #tpu.memory_space<vmem_shared>> -> memref<5x16xf32, #tpu.memory_space<vmem_shared>>
          %dma_start3A_166 = arith.constant 0 : i32
          %dma_start3A_167 = tpu.memref_slice %arg8[%mul3A_156, %dma_start3A_166] : memref<3136x16xf32, #tpu.memory_space<vmem_shared>> -> memref<5x16xf32, #tpu.memory_space<vmem_shared>>
          tpu.enqueue_dma source(%dma_start3A_167 : memref<5x16xf32, #tpu.memory_space<vmem_shared>>) target(%arg30 : memref<5x16xf32, #tpu.memory_space<vmem>>) target_semaphore(%run_scoped3A : memref<!tpu.dma_semaphore, #tpu.memory_space<semaphore_mem>>)
          %dma_wait3A_168 = arith.constant 0 : i32
          %dma_wait3A_169 = tpu.memref_slice %arg8[%mul3A_156, %dma_wait3A_168] : memref<3136x16xf32, #tpu.memory_space<vmem_shared>> -> memref<5x16xf32, #tpu.memory_space<vmem_shared>>
          %dma_wait3A_170 = arith.constant 0 : i32
          %dma_wait3A_171 = tpu.memref_slice %arg8[%mul3A_156, %dma_wait3A_170] : memref<3136x16xf32, #tpu.memory_space<vmem_shared>> -> memref<5x16xf32, #tpu.memory_space<vmem_shared>>
          tpu.wait_dma2 semaphore(%run_scoped3A : memref<!tpu.dma_semaphore, #tpu.memory_space<semaphore_mem>>) src(%dma_wait3A_171 : memref<5x16xf32, #tpu.memory_space<vmem_shared>>) dst(%arg30 : memref<5x16xf32, #tpu.memory_space<vmem>>)
          tpu.yield
        }) : () -> ()
        %scan3A_157 = arith.constant 0 : i32
        %scan3A_158 = arith.constant 0 : i32
        %scan3A_159 = arith.constant 40 : i32
        %scan3A_160 = arith.addi %scan3A_158, %scan3A_159 : i32
        %scan3A_161 = arith.constant 1 : i32
        scf.for %scan3A_164 = %scan3A_158 to %scan3A_160 step %scan3A_161  : i32 {
          %shift_right_arithmetic3A = arith.constant 3 : i32
          %shift_right_arithmetic3A_165 = arith.shrsi %scan3A_164, %shift_right_arithmetic3A : i32
          %get3A = arith.index_cast %shift_right_arithmetic3A_165 : i32 to index
          %get3A_166 = arith.constant 0 : index
          %get3A_167 = tpu.vector_load %arg30[%get3A, %get3A_166] {strides = array<i32>} : memref<5x16xf32, #tpu.memory_space<vmem>>, vector<16xf32>,
          %and3A_168 = arith.constant 7 : i32
          %and3A_169 = arith.andi %scan3A_164, %and3A_168 : i32
          %mul3A_170 = arith.constant 2 : i32
          %mul3A_171 = arith.muli %and3A_169, %mul3A_170 : i32
          %broadcast_in_dim3A_172 = vector.broadcast %mul3A_171 : i32 to vector<16xi32>
          %lt3A = arith.constant 0 : i32
          %lt3A_173 = vector.broadcast %lt3A : i32 to vector<16xi32>
          %lt3A_174 = arith.cmpi slt, %broadcast_in_dim3A_172, %lt3A_173 : vector<16xi32>
          %add3A_175 = arith.constant 16 : i32
          %add3A_176 = vector.broadcast %add3A_175 : i32 to vector<16xi32>
          %add3A_177 = arith.addi %broadcast_in_dim3A_172, %add3A_176 : vector<16xi32>
          %select_n3A_178 = arith.select %lt3A_174, %add3A_177, %broadcast_in_dim3A_172 : vector<16xi1>, vector<16xi32>
          %broadcast_in_dim3A_179 = vector.shape_cast %select_n3A_178 : vector<16xi32> to vector<16x1xi32>
          %gather3A = vector.shape_cast %broadcast_in_dim3A_179 : vector<16x1xi32> to vector<16xi32>
          %gather3A_180 = tpu.dynamic_gather %get3A_167[%gather3A] in [0] : vector<16xf32>, vector<16xi32> -> vector<16xf32>
          %add3A_181 = arith.constant 1 : i32
          %add3A_182 = vector.broadcast %add3A_181 : i32 to vector<16xi32>
          %add3A_183 = arith.addi %broadcast_in_dim3A_172, %add3A_182 : vector<16xi32>
          %lt3A_184 = arith.constant 0 : i32
          %lt3A_185 = vector.broadcast %lt3A_184 : i32 to vector<16xi32>
          %lt3A_186 = arith.cmpi slt, %add3A_183, %lt3A_185 : vector<16xi32>
          %add3A_187 = arith.constant 16 : i32
          %add3A_188 = vector.broadcast %add3A_187 : i32 to vector<16xi32>
          %add3A_189 = arith.addi %add3A_183, %add3A_188 : vector<16xi32>
          %select_n3A_190 = arith.select %lt3A_186, %add3A_189, %add3A_183 : vector<16xi1>, vector<16xi32>
          %broadcast_in_dim3A_191 = vector.shape_cast %select_n3A_190 : vector<16xi32> to vector<16x1xi32>
          %gather3A_192 = vector.shape_cast %broadcast_in_dim3A_191 : vector<16x1xi32> to vector<16xi32>
          %gather3A_193 = tpu.dynamic_gather %get3A_167[%gather3A_192] in [0] : vector<16xf32>, vector<16xi32> -> vector<16xf32>
          %get3A_194 = arith.index_cast %scan3A_164 : i32 to index
          %get3A_195 = arith.constant 0 : index
          %get3A_196 = tpu.vector_load %arg29[%get3A_194, %get3A_195] {strides = array<i32>} : memref<40x32xf32, #tpu.memory_space<vmem>>, vector<16xf32>,
          %add3A_197 = arith.constant 9.99999971E-10 : f32
          %add3A_198 = vector.broadcast %add3A_197 : f32 to vector<16xf32>
          %add3A_199 = arith.addf %gather3A_180, %add3A_198 : vector<16xf32>
          %div3A_200 = arith.divf %get3A_196, %add3A_199 : vector<16xf32>
          %swap3A = arith.index_cast %scan3A_164 : i32 to index
          %swap3A_201 = arith.constant 0 : index
          %swap3A_202 = tpu.vector_load %arg32[%swap3A, %swap3A_201] {strides = array<i32>} : memref<40x128xf32, #tpu.memory_space<vmem>>, vector<16xf32>,
          tpu.vector_store %arg32[%swap3A, %swap3A_201], %div3A_200 {strides = array<i32>} : memref<40x128xf32, #tpu.memory_space<vmem>>, vector<16xf32>,
          %get3A_203 = arith.index_cast %scan3A_164 : i32 to index
          %get3A_204 = arith.constant 16 : index
          %get3A_205 = tpu.vector_load %arg29[%get3A_203, %get3A_204] {strides = array<i32>} : memref<40x32xf32, #tpu.memory_space<vmem>>, vector<16xf32>,
          %add3A_206 = arith.constant 9.99999971E-10 : f32
          %add3A_207 = vector.broadcast %add3A_206 : f32 to vector<16xf32>
          %add3A_208 = arith.addf %gather3A_193, %add3A_207 : vector<16xf32>
          %div3A_209 = arith.divf %get3A_205, %add3A_208 : vector<16xf32>
          %swap3A_210 = arith.index_cast %scan3A_164 : i32 to index
          %swap3A_211 = arith.constant 16 : index
          %swap3A_212 = tpu.vector_load %arg32[%swap3A_210, %swap3A_211] {strides = array<i32>} : memref<40x128xf32, #tpu.memory_space<vmem>>, vector<16xf32>,
          tpu.vector_store %arg32[%swap3A_210, %swap3A_211], %div3A_209 {strides = array<i32>} : memref<40x128xf32, #tpu.memory_space<vmem>>, vector<16xf32>,
        }
        %scan3A_162 = arith.constant 40 : i32
        %add3A_163 = arith.addi %mul3A_30, %mul3A_154 : i32
        "tpu.region"() ({
          %run_scoped3A = tpu.sem_alloc : memref<!tpu.dma_semaphore, #tpu.memory_space<semaphore_mem>>
          %dma_start3A_164 = arith.constant 0 : i32
          %dma_start3A_165 = tpu.memref_slice %arg6[%arg0, %add3A_163, %dma_start3A_164] : memref<2x50000x128xf32, #tpu.memory_space<hbm>> -> memref<1x40x128xf32, #tpu.memory_space<hbm>>
          %dma_start3A_166 = tpu.memref_squeeze %dma_start3A_165 : memref<1x40x128xf32, #tpu.memory_space<hbm>> -> memref<40x128xf32, #tpu.memory_space<hbm>>
          %dma_start3A_167 = arith.constant 0 : i32
          %dma_start3A_168 = tpu.memref_slice %arg6[%arg0, %add3A_163, %dma_start3A_167] : memref<2x50000x128xf32, #tpu.memory_space<hbm>> -> memref<1x40x128xf32, #tpu.memory_space<hbm>>
          %dma_start3A_169 = tpu.memref_squeeze %dma_start3A_168 : memref<1x40x128xf32, #tpu.memory_space<hbm>> -> memref<40x128xf32, #tpu.memory_space<hbm>>
          tpu.enqueue_dma source(%arg32 : memref<40x128xf32, #tpu.memory_space<vmem>>) target(%dma_start3A_169 : memref<40x128xf32, #tpu.memory_space<hbm>>) target_semaphore(%run_scoped3A : memref<!tpu.dma_semaphore, #tpu.memory_space<semaphore_mem>>)
          %dma_wait3A_170 = arith.constant 0 : i32
          %dma_wait3A_171 = tpu.memref_slice %arg6[%arg0, %add3A_163, %dma_wait3A_170] : memref<2x50000x128xf32, #tpu.memory_space<hbm>> -> memref<1x40x128xf32, #tpu.memory_space<hbm>>
          %dma_wait3A_172 = tpu.memref_squeeze %dma_wait3A_171 : memref<1x40x128xf32, #tpu.memory_space<hbm>> -> memref<40x128xf32, #tpu.memory_space<hbm>>
          %dma_wait3A_173 = arith.constant 0 : i32
          %dma_wait3A_174 = tpu.memref_slice %arg6[%arg0, %add3A_163, %dma_wait3A_173] : memref<2x50000x128xf32, #tpu.memory_space<hbm>> -> memref<1x40x128xf32, #tpu.memory_space<hbm>>
          %dma_wait3A_175 = tpu.memref_squeeze %dma_wait3A_174 : memref<1x40x128xf32, #tpu.memory_space<hbm>> -> memref<40x128xf32, #tpu.memory_space<hbm>>
          tpu.wait_dma2 semaphore(%run_scoped3A : memref<!tpu.dma_semaphore, #tpu.memory_space<semaphore_mem>>) src(%arg32 : memref<40x128xf32, #tpu.memory_space<vmem>>) dst(%dma_wait3A_175 : memref<40x128xf32, #tpu.memory_space<hbm>>)
          tpu.yield
        }) : () -> ()
      }
      %while3A_147 = arith.constant 1 : i32
      scf.for %while3A_149 = %while3A_145 to %while3A_141 step %while3A_147  : i32 {
        %mul3A_150 = arith.constant 16 : i32
        %mul3A_151 = arith.muli %while3A_149, %mul3A_150 : i32
        %add3A_152 = arith.addi %arg1, %mul3A_151 : i32
        %mul3A_153 = arith.constant 40 : i32
        %mul3A_154 = arith.muli %add3A_152, %mul3A_153 : i32
        "tpu.region"() ({
          %run_scoped3A = tpu.sem_alloc : memref<!tpu.dma_semaphore, #tpu.memory_space<semaphore_mem>>
          %dma_start3A_164 = arith.constant 0 : i32
          %dma_start3A_165 = tpu.memref_slice %arg7[%mul3A_154, %dma_start3A_164] : memref<25040x32xf32, #tpu.memory_space<vmem_shared>> -> memref<40x32xf32, #tpu.memory_space<vmem_shared>>
          %dma_start3A_166 = arith.constant 0 : i32
          %dma_start3A_167 = tpu.memref_slice %arg7[%mul3A_154, %dma_start3A_166] : memref<25040x32xf32, #tpu.memory_space<vmem_shared>> -> memref<40x32xf32, #tpu.memory_space<vmem_shared>>
          tpu.enqueue_dma source(%dma_start3A_167 : memref<40x32xf32, #tpu.memory_space<vmem_shared>>) target(%arg29 : memref<40x32xf32, #tpu.memory_space<vmem>>) target_semaphore(%run_scoped3A : memref<!tpu.dma_semaphore, #tpu.memory_space<semaphore_mem>>)
          %dma_wait3A_168 = arith.constant 0 : i32
          %dma_wait3A_169 = tpu.memref_slice %arg7[%mul3A_154, %dma_wait3A_168] : memref<25040x32xf32, #tpu.memory_space<vmem_shared>> -> memref<40x32xf32, #tpu.memory_space<vmem_shared>>
          %dma_wait3A_170 = arith.constant 0 : i32
          %dma_wait3A_171 = tpu.memref_slice %arg7[%mul3A_154, %dma_wait3A_170] : memref<25040x32xf32, #tpu.memory_space<vmem_shared>> -> memref<40x32xf32, #tpu.memory_space<vmem_shared>>
          tpu.wait_dma2 semaphore(%run_scoped3A : memref<!tpu.dma_semaphore, #tpu.memory_space<semaphore_mem>>) src(%dma_wait3A_171 : memref<40x32xf32, #tpu.memory_space<vmem_shared>>) dst(%arg29 : memref<40x32xf32, #tpu.memory_space<vmem>>)
          tpu.yield
        }) : () -> ()
        %mul3A_155 = arith.constant 5 : i32
        %mul3A_156 = arith.muli %add3A_152, %mul3A_155 : i32
        "tpu.region"() ({
          %run_scoped3A = tpu.sem_alloc : memref<!tpu.dma_semaphore, #tpu.memory_space<semaphore_mem>>
          %dma_start3A_164 = arith.constant 0 : i32
          %dma_start3A_165 = tpu.memref_slice %arg8[%mul3A_156, %dma_start3A_164] : memref<3136x16xf32, #tpu.memory_space<vmem_shared>> -> memref<5x16xf32, #tpu.memory_space<vmem_shared>>
          %dma_start3A_166 = arith.constant 0 : i32
          %dma_start3A_167 = tpu.memref_slice %arg8[%mul3A_156, %dma_start3A_166] : memref<3136x16xf32, #tpu.memory_space<vmem_shared>> -> memref<5x16xf32, #tpu.memory_space<vmem_shared>>
          tpu.enqueue_dma source(%dma_start3A_167 : memref<5x16xf32, #tpu.memory_space<vmem_shared>>) target(%arg30 : memref<5x16xf32, #tpu.memory_space<vmem>>) target_semaphore(%run_scoped3A : memref<!tpu.dma_semaphore, #tpu.memory_space<semaphore_mem>>)
          %dma_wait3A_168 = arith.constant 0 : i32
          %dma_wait3A_169 = tpu.memref_slice %arg8[%mul3A_156, %dma_wait3A_168] : memref<3136x16xf32, #tpu.memory_space<vmem_shared>> -> memref<5x16xf32, #tpu.memory_space<vmem_shared>>
          %dma_wait3A_170 = arith.constant 0 : i32
          %dma_wait3A_171 = tpu.memref_slice %arg8[%mul3A_156, %dma_wait3A_170] : memref<3136x16xf32, #tpu.memory_space<vmem_shared>> -> memref<5x16xf32, #tpu.memory_space<vmem_shared>>
          tpu.wait_dma2 semaphore(%run_scoped3A : memref<!tpu.dma_semaphore, #tpu.memory_space<semaphore_mem>>) src(%dma_wait3A_171 : memref<5x16xf32, #tpu.memory_space<vmem_shared>>) dst(%arg30 : memref<5x16xf32, #tpu.memory_space<vmem>>)
          tpu.yield
        }) : () -> ()
        %scan3A_157 = arith.constant 0 : i32
        %scan3A_158 = arith.constant 0 : i32
        %scan3A_159 = arith.constant 40 : i32
        %scan3A_160 = arith.addi %scan3A_158, %scan3A_159 : i32
        %scan3A_161 = arith.constant 1 : i32
        scf.for %scan3A_164 = %scan3A_158 to %scan3A_160 step %scan3A_161  : i32 {
          %shift_right_arithmetic3A = arith.constant 3 : i32
          %shift_right_arithmetic3A_165 = arith.shrsi %scan3A_164, %shift_right_arithmetic3A : i32
          %get3A = arith.index_cast %shift_right_arithmetic3A_165 : i32 to index
          %get3A_166 = arith.constant 0 : index
          %get3A_167 = tpu.vector_load %arg30[%get3A, %get3A_166] {strides = array<i32>} : memref<5x16xf32, #tpu.memory_space<vmem>>, vector<16xf32>,
          %and3A_168 = arith.constant 7 : i32
          %and3A_169 = arith.andi %scan3A_164, %and3A_168 : i32
          %mul3A_170 = arith.constant 2 : i32
          %mul3A_171 = arith.muli %and3A_169, %mul3A_170 : i32
          %broadcast_in_dim3A_172 = vector.broadcast %mul3A_171 : i32 to vector<16xi32>
          %lt3A = arith.constant 0 : i32
          %lt3A_173 = vector.broadcast %lt3A : i32 to vector<16xi32>
          %lt3A_174 = arith.cmpi slt, %broadcast_in_dim3A_172, %lt3A_173 : vector<16xi32>
          %add3A_175 = arith.constant 16 : i32
          %add3A_176 = vector.broadcast %add3A_175 : i32 to vector<16xi32>
          %add3A_177 = arith.addi %broadcast_in_dim3A_172, %add3A_176 : vector<16xi32>
          %select_n3A_178 = arith.select %lt3A_174, %add3A_177, %broadcast_in_dim3A_172 : vector<16xi1>, vector<16xi32>
          %broadcast_in_dim3A_179 = vector.shape_cast %select_n3A_178 : vector<16xi32> to vector<16x1xi32>
          %gather3A = vector.shape_cast %broadcast_in_dim3A_179 : vector<16x1xi32> to vector<16xi32>
          %gather3A_180 = tpu.dynamic_gather %get3A_167[%gather3A] in [0] : vector<16xf32>, vector<16xi32> -> vector<16xf32>
          %add3A_181 = arith.constant 1 : i32
          %add3A_182 = vector.broadcast %add3A_181 : i32 to vector<16xi32>
          %add3A_183 = arith.addi %broadcast_in_dim3A_172, %add3A_182 : vector<16xi32>
          %lt3A_184 = arith.constant 0 : i32
          %lt3A_185 = vector.broadcast %lt3A_184 : i32 to vector<16xi32>
          %lt3A_186 = arith.cmpi slt, %add3A_183, %lt3A_185 : vector<16xi32>
          %add3A_187 = arith.constant 16 : i32
          %add3A_188 = vector.broadcast %add3A_187 : i32 to vector<16xi32>
          %add3A_189 = arith.addi %add3A_183, %add3A_188 : vector<16xi32>
          %select_n3A_190 = arith.select %lt3A_186, %add3A_189, %add3A_183 : vector<16xi1>, vector<16xi32>
          %broadcast_in_dim3A_191 = vector.shape_cast %select_n3A_190 : vector<16xi32> to vector<16x1xi32>
          %gather3A_192 = vector.shape_cast %broadcast_in_dim3A_191 : vector<16x1xi32> to vector<16xi32>
          %gather3A_193 = tpu.dynamic_gather %get3A_167[%gather3A_192] in [0] : vector<16xf32>, vector<16xi32> -> vector<16xf32>
          %get3A_194 = arith.index_cast %scan3A_164 : i32 to index
          %get3A_195 = arith.constant 0 : index
          %get3A_196 = tpu.vector_load %arg29[%get3A_194, %get3A_195] {strides = array<i32>} : memref<40x32xf32, #tpu.memory_space<vmem>>, vector<16xf32>,
          %add3A_197 = arith.constant 9.99999971E-10 : f32
          %add3A_198 = vector.broadcast %add3A_197 : f32 to vector<16xf32>
          %add3A_199 = arith.addf %gather3A_180, %add3A_198 : vector<16xf32>
          %div3A_200 = arith.divf %get3A_196, %add3A_199 : vector<16xf32>
          %swap3A = arith.index_cast %scan3A_164 : i32 to index
          %swap3A_201 = arith.constant 0 : index
          %swap3A_202 = tpu.vector_load %arg32[%swap3A, %swap3A_201] {strides = array<i32>} : memref<40x128xf32, #tpu.memory_space<vmem>>, vector<16xf32>,
          tpu.vector_store %arg32[%swap3A, %swap3A_201], %div3A_200 {strides = array<i32>} : memref<40x128xf32, #tpu.memory_space<vmem>>, vector<16xf32>,
          %get3A_203 = arith.index_cast %scan3A_164 : i32 to index
          %get3A_204 = arith.constant 16 : index
          %get3A_205 = tpu.vector_load %arg29[%get3A_203, %get3A_204] {strides = array<i32>} : memref<40x32xf32, #tpu.memory_space<vmem>>, vector<16xf32>,
          %add3A_206 = arith.constant 9.99999971E-10 : f32
          %add3A_207 = vector.broadcast %add3A_206 : f32 to vector<16xf32>
          %add3A_208 = arith.addf %gather3A_193, %add3A_207 : vector<16xf32>
          %div3A_209 = arith.divf %get3A_205, %add3A_208 : vector<16xf32>
          %swap3A_210 = arith.index_cast %scan3A_164 : i32 to index
          %swap3A_211 = arith.constant 16 : index
          %swap3A_212 = tpu.vector_load %arg32[%swap3A_210, %swap3A_211] {strides = array<i32>} : memref<40x128xf32, #tpu.memory_space<vmem>>, vector<16xf32>,
          tpu.vector_store %arg32[%swap3A_210, %swap3A_211], %div3A_209 {strides = array<i32>} : memref<40x128xf32, #tpu.memory_space<vmem>>, vector<16xf32>,
        }
        %scan3A_162 = arith.constant 40 : i32
        %add3A_163 = arith.addi %mul3A_30, %mul3A_154 : i32
        "tpu.region"() ({
          %run_scoped3A = tpu.sem_alloc : memref<!tpu.dma_semaphore, #tpu.memory_space<semaphore_mem>>
          %dma_start3A_164 = arith.constant 0 : i32
          %dma_start3A_165 = tpu.memref_slice %arg6[%arg0, %add3A_163, %dma_start3A_164] : memref<2x50000x128xf32, #tpu.memory_space<hbm>> -> memref<1x40x128xf32, #tpu.memory_space<hbm>>
          %dma_start3A_166 = tpu.memref_squeeze %dma_start3A_165 : memref<1x40x128xf32, #tpu.memory_space<hbm>> -> memref<40x128xf32, #tpu.memory_space<hbm>>
          %dma_start3A_167 = arith.constant 0 : i32
          %dma_start3A_168 = tpu.memref_slice %arg6[%arg0, %add3A_163, %dma_start3A_167] : memref<2x50000x128xf32, #tpu.memory_space<hbm>> -> memref<1x40x128xf32, #tpu.memory_space<hbm>>
          %dma_start3A_169 = tpu.memref_squeeze %dma_start3A_168 : memref<1x40x128xf32, #tpu.memory_space<hbm>> -> memref<40x128xf32, #tpu.memory_space<hbm>>
          tpu.enqueue_dma source(%arg32 : memref<40x128xf32, #tpu.memory_space<vmem>>) target(%dma_start3A_169 : memref<40x128xf32, #tpu.memory_space<hbm>>) target_semaphore(%run_scoped3A : memref<!tpu.dma_semaphore, #tpu.memory_space<semaphore_mem>>)
          %dma_wait3A_170 = arith.constant 0 : i32
          %dma_wait3A_171 = tpu.memref_slice %arg6[%arg0, %add3A_163, %dma_wait3A_170] : memref<2x50000x128xf32, #tpu.memory_space<hbm>> -> memref<1x40x128xf32, #tpu.memory_space<hbm>>
          %dma_wait3A_172 = tpu.memref_squeeze %dma_wait3A_171 : memref<1x40x128xf32, #tpu.memory_space<hbm>> -> memref<40x128xf32, #tpu.memory_space<hbm>>
          %dma_wait3A_173 = arith.constant 0 : i32
          %dma_wait3A_174 = tpu.memref_slice %arg6[%arg0, %add3A_163, %dma_wait3A_173] : memref<2x50000x128xf32, #tpu.memory_space<hbm>> -> memref<1x40x128xf32, #tpu.memory_space<hbm>>
          %dma_wait3A_175 = tpu.memref_squeeze %dma_wait3A_174 : memref<1x40x128xf32, #tpu.memory_space<hbm>> -> memref<40x128xf32, #tpu.memory_space<hbm>>
          tpu.wait_dma2 semaphore(%run_scoped3A : memref<!tpu.dma_semaphore, #tpu.memory_space<semaphore_mem>>) src(%arg32 : memref<40x128xf32, #tpu.memory_space<vmem>>) dst(%dma_wait3A_175 : memref<40x128xf32, #tpu.memory_space<hbm>>)
          tpu.yield
        }) : () -> ()
      }
      %barrier3A_148 = arith.constant 0 : index
      tpu.barrier barrier_id(%barrier3A_148)
    }
    %scan3A_27 = arith.constant 2 : i32
    return
  }
}

module attributes {stable_mosaic.version = 14 : i64} {
  func.func @_proj_body(%arg0: i32, %arg1: memref<1024x64xf32, #tpu.memory_space<vmem>>, %arg2: memref<64x192xf32, #tpu.memory_space<vmem>>, %arg3: memref<1x192xf32, #tpu.memory_space<vmem>>, %arg4: memref<2x1024x128xf32, #tpu.memory_space<vmem>>, %arg5: memref<2x1024x128xf32, #tpu.memory_space<vmem>>) attributes {dimension_semantics = [#tpu.dimension_semantics<arbitrary>], iteration_bounds = array<i64: 50>, scalar_prefetch = 0 : i64, scratch_operands = 0 : i64, tpu.core_type = #tpu.core_type<tc>, window_params = [{transform_indices = @transform_0, window_bounds = array<i64: 1024, 64>}, {pipeline_mode = #tpu.pipeline_mode<synchronous>, transform_indices = @transform_1, window_bounds = array<i64: 64, 192>}, {pipeline_mode = #tpu.pipeline_mode<synchronous>, transform_indices = @transform_2, window_bounds = array<i64: 1, 192>}, {transform_indices = @transform_3, window_bounds = array<i64: 2, 1024, 128>}, {transform_indices = @transform_4, window_bounds = array<i64: 2, 1024, 128>}]} {
    %get3A = arith.constant 0 : index
    %get3A_0 = arith.constant 0 : index
    %get3A_1 = vector.load %arg1[%get3A, %get3A_0] : memref<1024x64xf32, #tpu.memory_space<vmem>>, vector<1024x64xf32>
    %get3A_2 = arith.constant 0 : index
    %get3A_3 = arith.constant 0 : index
    %get3A_4 = vector.load %arg2[%get3A_2, %get3A_3] : memref<64x192xf32, #tpu.memory_space<vmem>>, vector<64x192xf32>
    %dot_general3A = arith.constant dense<0.000000e+00> : vector<1024x192xf32>
    %dot_general3A_5 = tpu.matmul %get3A_1, %get3A_4, %dot_general3A {dimension_numbers = #tpu.dot_dimension_numbers<[1], [0], [0], [1], [0, 0, 1, 1], [], []>, transpose_lhs_hint = false} : vector<1024x64xf32>, vector<64x192xf32>, vector<1024x192xf32> -> vector<1024x192xf32>
    %get3A_6 = arith.constant 0 : index
    %get3A_7 = arith.constant 0 : index
    %get3A_8 = vector.load %arg3[%get3A_6, %get3A_7] : memref<1x192xf32, #tpu.memory_space<vmem>>, vector<1x192xf32>
    %add3A = vector.broadcast %get3A_8 : vector<1x192xf32> to vector<1024x192xf32>
    %add3A_9 = arith.addf %dot_general3A_5, %add3A : vector<1024x192xf32>
    %broadcast_in_dim3A = arith.constant 0.000000e+00 : f32
    %broadcast_in_dim3A_10 = vector.broadcast %broadcast_in_dim3A : f32 to vector<1024x96xf32>
    %broadcast_in_dim3A_11 = arith.constant 0.000000e+00 : f32
    %broadcast_in_dim3A_12 = vector.broadcast %broadcast_in_dim3A_11 : f32 to vector<1024x64xf32>
    %slice3A = vector.extract_strided_slice %add3A_9 {offsets = [0, 0], sizes = [1024, 32], strides = [1, 1]} : vector<1024x192xf32> to vector<1024x32xf32>
    %concatenate3A = tpu.concatenate %slice3A, %broadcast_in_dim3A_10 in 1 : vector<1024x32xf32>, vector<1024x96xf32> -> vector<1024x128xf32>
    %swap3A = arith.constant 0 : index
    %swap3A_13 = arith.constant 0 : index
    %swap3A_14 = arith.constant 0 : index
    %swap3A_15 = vector.load %arg4[%swap3A, %swap3A_13, %swap3A_14] : memref<2x1024x128xf32, #tpu.memory_space<vmem>>, vector<1x1024x128xf32>
    %swap3A_16 = vector.shape_cast %swap3A_15 : vector<1x1024x128xf32> to vector<1024x128xf32>
    %swap3A_17 = vector.shape_cast %concatenate3A : vector<1024x128xf32> to vector<1x1024x128xf32>
    tpu.vector_store %arg4[%swap3A, %swap3A_13, %swap3A_14], %swap3A_17 {strides = array<i32>} : memref<2x1024x128xf32, #tpu.memory_space<vmem>>, vector<1x1024x128xf32>,
    %slice3A_18 = vector.extract_strided_slice %add3A_9 {offsets = [0, 32], sizes = [1024, 32], strides = [1, 1]} : vector<1024x192xf32> to vector<1024x32xf32>
    %concatenate3A_19 = tpu.concatenate %slice3A_18, %broadcast_in_dim3A_10 in 1 : vector<1024x32xf32>, vector<1024x96xf32> -> vector<1024x128xf32>
    %swap3A_20 = arith.constant 1 : index
    %swap3A_21 = arith.constant 0 : index
    %swap3A_22 = arith.constant 0 : index
    %swap3A_23 = vector.load %arg4[%swap3A_20, %swap3A_21, %swap3A_22] : memref<2x1024x128xf32, #tpu.memory_space<vmem>>, vector<1x1024x128xf32>
    %swap3A_24 = vector.shape_cast %swap3A_23 : vector<1x1024x128xf32> to vector<1024x128xf32>
    %swap3A_25 = vector.shape_cast %concatenate3A_19 : vector<1024x128xf32> to vector<1x1024x128xf32>
    tpu.vector_store %arg4[%swap3A_20, %swap3A_21, %swap3A_22], %swap3A_25 {strides = array<i32>} : memref<2x1024x128xf32, #tpu.memory_space<vmem>>, vector<1x1024x128xf32>,
    %slice3A_26 = vector.extract_strided_slice %add3A_9 {offsets = [0, 64], sizes = [1024, 32], strides = [1, 1]} : vector<1024x192xf32> to vector<1024x32xf32>
    %slice3A_27 = vector.extract_strided_slice %add3A_9 {offsets = [0, 128], sizes = [1024, 32], strides = [1, 1]} : vector<1024x192xf32> to vector<1024x32xf32>
    %concatenate3A_28 = tpu.concatenate %slice3A_26, %slice3A_27, %broadcast_in_dim3A_12 in 1 : vector<1024x32xf32>, vector<1024x32xf32>, vector<1024x64xf32> -> vector<1024x128xf32>
    %swap3A_29 = arith.constant 0 : index
    %swap3A_30 = arith.constant 0 : index
    %swap3A_31 = arith.constant 0 : index
    %swap3A_32 = vector.load %arg5[%swap3A_29, %swap3A_30, %swap3A_31] : memref<2x1024x128xf32, #tpu.memory_space<vmem>>, vector<1x1024x128xf32>
    %swap3A_33 = vector.shape_cast %swap3A_32 : vector<1x1024x128xf32> to vector<1024x128xf32>
    %swap3A_34 = vector.shape_cast %concatenate3A_28 : vector<1024x128xf32> to vector<1x1024x128xf32>
    tpu.vector_store %arg5[%swap3A_29, %swap3A_30, %swap3A_31], %swap3A_34 {strides = array<i32>} : memref<2x1024x128xf32, #tpu.memory_space<vmem>>, vector<1x1024x128xf32>,
    %slice3A_35 = vector.extract_strided_slice %add3A_9 {offsets = [0, 96], sizes = [1024, 32], strides = [1, 1]} : vector<1024x192xf32> to vector<1024x32xf32>
    %slice3A_36 = vector.extract_strided_slice %add3A_9 {offsets = [0, 160], sizes = [1024, 32], strides = [1, 1]} : vector<1024x192xf32> to vector<1024x32xf32>
    %concatenate3A_37 = tpu.concatenate %slice3A_35, %slice3A_36, %broadcast_in_dim3A_12 in 1 : vector<1024x32xf32>, vector<1024x32xf32>, vector<1024x64xf32> -> vector<1024x128xf32>
    %swap3A_38 = arith.constant 1 : index
    %swap3A_39 = arith.constant 0 : index
    %swap3A_40 = arith.constant 0 : index
    %swap3A_41 = vector.load %arg5[%swap3A_38, %swap3A_39, %swap3A_40] : memref<2x1024x128xf32, #tpu.memory_space<vmem>>, vector<1x1024x128xf32>
    %swap3A_42 = vector.shape_cast %swap3A_41 : vector<1x1024x128xf32> to vector<1024x128xf32>
    %swap3A_43 = vector.shape_cast %concatenate3A_37 : vector<1024x128xf32> to vector<1x1024x128xf32>
    tpu.vector_store %arg5[%swap3A_38, %swap3A_39, %swap3A_40], %swap3A_43 {strides = array<i32>} : memref<2x1024x128xf32, #tpu.memory_space<vmem>>, vector<1x1024x128xf32>,
    return
  }
  func.func @transform_0(%arg0: i32) -> (i32, i32) {
    %c0_i32 = arith.constant 0 : i32
    %c0_i32_0 = arith.constant 0 : i32
    return %arg0, %c0_i32 : i32, i32
  }
  func.func @transform_1(%arg0: i32) -> (i32, i32) {
    %c0_i32 = arith.constant 0 : i32
    %c0_i32_0 = arith.constant 0 : i32
    %c0_i32_1 = arith.constant 0 : i32
    return %c0_i32, %c0_i32_0 : i32, i32
  }
  func.func @transform_2(%arg0: i32) -> (i32, i32) {
    %c0_i32 = arith.constant 0 : i32
    %c0_i32_0 = arith.constant 0 : i32
    %c0_i32_1 = arith.constant 0 : i32
    return %c0_i32, %c0_i32_0 : i32, i32
  }
  func.func @transform_3(%arg0: i32) -> (i32, i32, i32) {
    %c0_i32 = arith.constant 0 : i32
    %c0_i32_0 = arith.constant 0 : i32
    %c0_i32_1 = arith.constant 0 : i32
    return %c0_i32, %arg0, %c0_i32_0 : i32, i32, i32
  }
  func.func @transform_4(%arg0: i32) -> (i32, i32, i32) {
    %c0_i32 = arith.constant 0 : i32
    %c0_i32_0 = arith.constant 0 : i32
    %c0_i32_1 = arith.constant 0 : i32
    return %c0_i32, %arg0, %c0_i32_0 : i32, i32, i32
  }
}

module attributes {stable_mosaic.version = 14 : i64} {
  func.func @_out_body(%arg0: i32, %arg1: memref<1x1000x128xf32, #tpu.memory_space<vmem>>, %arg2: memref<1x1000x128xf32, #tpu.memory_space<vmem>>, %arg3: memref<64x64xf32, #tpu.memory_space<vmem>>, %arg4: memref<1x64xf32, #tpu.memory_space<vmem>>, %arg5: memref<1000x64xf32, #tpu.memory_space<vmem>>) attributes {dimension_semantics = [#tpu.dimension_semantics<arbitrary>], iteration_bounds = array<i64: 50>, scalar_prefetch = 0 : i64, scratch_operands = 0 : i64, tpu.core_type = #tpu.core_type<tc>, window_params = [{transform_indices = @transform_0, window_bounds = array<i64: 1, 1000, 128>}, {transform_indices = @transform_1, window_bounds = array<i64: 1, 1000, 128>}, {pipeline_mode = #tpu.pipeline_mode<synchronous>, transform_indices = @transform_2, window_bounds = array<i64: 64, 64>}, {pipeline_mode = #tpu.pipeline_mode<synchronous>, transform_indices = @transform_3, window_bounds = array<i64: 1, 64>}, {transform_indices = @transform_4, window_bounds = array<i64: 1000, 64>}]} {
    %get3A = arith.constant 0 : index
    %get3A_0 = arith.constant 0 : index
    %get3A_1 = arith.constant 0 : index
    %get3A_2 = vector.load %arg1[%get3A, %get3A_0, %get3A_1] : memref<1x1000x128xf32, #tpu.memory_space<vmem>>, vector<1x1000x128xf32>
    %get3A_3 = vector.shape_cast %get3A_2 : vector<1x1000x128xf32> to vector<1000x128xf32>
    %slice3A = vector.extract_strided_slice %get3A_3 {offsets = [0, 0], sizes = [1000, 32], strides = [1, 1]} : vector<1000x128xf32> to vector<1000x32xf32>
    %get3A_4 = arith.constant 0 : index
    %get3A_5 = arith.constant 0 : index
    %get3A_6 = arith.constant 0 : index
    %get3A_7 = vector.load %arg2[%get3A_4, %get3A_5, %get3A_6] : memref<1x1000x128xf32, #tpu.memory_space<vmem>>, vector<1x1000x128xf32>
    %get3A_8 = vector.shape_cast %get3A_7 : vector<1x1000x128xf32> to vector<1000x128xf32>
    %slice3A_9 = vector.extract_strided_slice %get3A_8 {offsets = [0, 0], sizes = [1000, 32], strides = [1, 1]} : vector<1000x128xf32> to vector<1000x32xf32>
    %concatenate3A = tpu.concatenate %slice3A, %slice3A_9 in 1 : vector<1000x32xf32>, vector<1000x32xf32> -> vector<1000x64xf32>
    %get3A_10 = arith.constant 0 : index
    %get3A_11 = arith.constant 0 : index
    %get3A_12 = vector.load %arg3[%get3A_10, %get3A_11] : memref<64x64xf32, #tpu.memory_space<vmem>>, vector<64x64xf32>
    %dot_general3A = arith.constant dense<0.000000e+00> : vector<1000x64xf32>
    %dot_general3A_13 = tpu.matmul %concatenate3A, %get3A_12, %dot_general3A {dimension_numbers = #tpu.dot_dimension_numbers<[1], [0], [0], [1], [0, 0, 1, 1], [], []>, transpose_lhs_hint = false} : vector<1000x64xf32>, vector<64x64xf32>, vector<1000x64xf32> -> vector<1000x64xf32>
    %get3A_14 = arith.constant 0 : index
    %get3A_15 = arith.constant 0 : index
    %get3A_16 = vector.load %arg4[%get3A_14, %get3A_15] : memref<1x64xf32, #tpu.memory_space<vmem>>, vector<1x64xf32>
    %add3A = vector.broadcast %get3A_16 : vector<1x64xf32> to vector<1000x64xf32>
    %add3A_17 = arith.addf %dot_general3A_13, %add3A : vector<1000x64xf32>
    %swap3A = arith.constant 0 : index
    %swap3A_18 = arith.constant 0 : index
    %swap3A_19 = vector.load %arg5[%swap3A, %swap3A_18] : memref<1000x64xf32, #tpu.memory_space<vmem>>, vector<1000x64xf32>
    tpu.vector_store %arg5[%swap3A, %swap3A_18], %add3A_17 {strides = array<i32>} : memref<1000x64xf32, #tpu.memory_space<vmem>>, vector<1000x64xf32>,
    return
  }
  func.func @transform_0(%arg0: i32) -> (i32, i32, i32) {
    %c0_i32 = arith.constant 0 : i32
    %c0_i32_0 = arith.constant 0 : i32
    %c0_i32_1 = arith.constant 0 : i32
    return %c0_i32, %arg0, %c0_i32_0 : i32, i32, i32
  }
  func.func @transform_1(%arg0: i32) -> (i32, i32, i32) {
    %c1_i32 = arith.constant 1 : i32
    %c0_i32 = arith.constant 0 : i32
    %c0_i32_0 = arith.constant 0 : i32
    return %c1_i32, %arg0, %c0_i32 : i32, i32, i32
  }
  func.func @transform_2(%arg0: i32) -> (i32, i32) {
    %c0_i32 = arith.constant 0 : i32
    %c0_i32_0 = arith.constant 0 : i32
    %c0_i32_1 = arith.constant 0 : i32
    return %c0_i32, %c0_i32_0 : i32, i32
  }
  func.func @transform_3(%arg0: i32) -> (i32, i32) {
    %c0_i32 = arith.constant 0 : i32
    %c0_i32_0 = arith.constant 0 : i32
    %c0_i32_1 = arith.constant 0 : i32
    return %c0_i32, %c0_i32_0 : i32, i32
  }
  func.func @transform_4(%arg0: i32) -> (i32, i32) {
    %c0_i32 = arith.constant 0 : i32
    %c0_i32_0 = arith.constant 0 : i32
    return %arg0, %c0_i32 : i32, i32
  }
}

</mosaic_0001>

<sc_bundles>
// kernel: kernel.5.cloned.1.call-start
scs
__scs_entry_jumppad:
0x0: {  	(pc) =	sbr.rel $0x88, $3  }
0x1: {  	(tag) =	ssettag $0x0;
	lr =	simm.s32 $0x1  }
0x2: {  	[smem:$0x3F97] =	sst lr;
	_ =	strace $0xD0000000  }
0x3: {  	_ = 	snop  }
0x4: {  	_ = 	snop  }
0x5: {  	_ = 	snop  }
0x6: {  	_ = 	snop  }
0x7: {  	_ = 	snop  }
__scs_overlays_trampoline_lowered:
0x8: {  	[smem:$0x3FA6] =	sst s0  }
0x9: {  	[smem:$0x3FA7] =	sst s1  }
0xa: {  	[smem:$0x3FA8] =	sst s2  }
0xb: {  	[smem:$0x3FA9] =	sst s3  }
0xc: {  	[smem:$0x3FAA] =	sst s4  }
0xd: {  	[smem:$0x3FAB] =	sst s5  }
0xe: {  	[smem:$0x3FAC] =	sst s6  }
0xf: {  	[smem:$0x3FAD] =	sst s7  }
0x10: {  	[smem:$0x3FAE] =	sst s8  }
0x11: {  	[smem:$0x3FAF] =	sst s9;
	s0 =	simm.s32 @!p0 $0x0  }
0x12: {  	s1 =	sld [smem:$0x3F95];
	s0 =	simm.s32 @p0 $0x1  }
0x13: {  	[smem:$0x3FB0] =	sst s0;
	s0 =	simm.s32 @!p1 $0x0  }
0x14: {  	s2 =	sld [smem:$0x3F94];
	s0 =	simm.s32 @p1 $0x1  }
0x15: {  	[smem:$0x3FB1] =	sst s0;
	s0 =	simm.s32 @!p2 $0x0  }
0x16: {  	s3 =	sld [smem:$0x3FDB];
	s0 =	simm.s32 @p2 $0x1  }
0x17: {  	s4 =	simm.s32 $0x1BF5;
	[smem:$0x3FB3] =	sst s0  }
0x18: {  	s0 =	sld [smem:$0x3F96];
	_ =	swait.ge [sflag:s4], $0x0  }
0x19: {  	s7 =	sld [smem:$0x3F97]  }
0x1a: {  	s8 =	sadd.s32 $0xFFFFE003, lr  }
0x1b: {  	s9 =	sadd.s32 $0xFFFFFEF7, lr;
	s5 =	simm.s32 $0xFFFFFFFF;
	p2 =	slt.u32 s8, $0xFFFFF086  }
0x1c: {  	p1 =	slt.u32 s9, $0xF7A;
	s5 =	simm.s32 @!p2 $0x0  }
0x1d: {  	s5 =	simm.s32 @p1 $0x1;
	p0 =	seq.s32 s7, s2  }
0x1e: {  	s7 =	smul.u32 @!p0 $0xF7A, s2;
	p2 =	seq.s32 @!p0 s5, $0x0  }
0x1f: {  	s9 =	smul.u32 $0xF7A, s1;
	s8 =	simm.s32 @!p0 $0x1BF5;
	p2 =	por !p2, p0  }
0x20: {  	[sflag:s8] =	ssyncset.s32 @!p0 $0xFFFFF086;
	s6 =	sadd.s32 @!p0 s3, s7;
	s7 =	simm.s32 @!p0 $0x108  }
0x21: {  	s3 =	sadd.s32 s3, s9;
	s6 =	sadd.s32 @!p0 $0x88, s6;
	s7 =	simm.s32 @p2 $0x1082  }
0x22: {  	[simem:s7], [sflag:s8] =	dma.local @!p0 [hbm:s6], $0xF7A  }
0x23: {  	s9 =	sor.u32 $0xD0000000, s2;
	s6 =	simm.s32 $0x108;
	_ =	swait.ge @!p0 [sflag:s8], $0x0  }
0x24: {  	s3 =	sadd.s32 $0x88, s3;
	s6 =	simm.s32 @!p1 $0x1082;
	[sflag:s4] =	ssyncset.s32 $0xFFFFF086  }
0x25: {  	[simem:s6], [sflag:s4] =	dma.local [hbm:s3], $0xF7A  }
0x26: {  	[smem:$0x3F97] =	sst s1;
	(tag) =	ssettag s2;
	_ =	strace s9  }
0x27: {  	s1 =	sld [smem:$0x3FA7]  }
0x28: {  	s2 =	sld [smem:$0x3FA8]  }
0x29: {  	s4 =	sld [smem:$0x3FAA]  }
0x2a: {  	p0 =	seq.s32 s5, $0x0;
	s5 =	sld [smem:$0x3FAB]  }
0x2b: {  	s6 =	sld [smem:$0x3FAC]  }
0x2c: {  	s7 =	sld [smem:$0x3FAD]  }
0x2d: {  	s3 =	simm.s32 $0x108;
	s8 =	sld [smem:$0x3FAE]  }
0x2e: {  	s3 =	simm.s32 @!p0 $0x1082;
	s9 =	sld [smem:$0x3FAF]  }
0x2f: {  	lr =	sadd.s32 s0, s3;
	s0 =	sld [smem:$0x3FA6]  }
0x30: {  	s3 =	sld [smem:$0x3FA9]  }
0x31: {  	[smem:$0x3FB2] =	sst s10  }
0x32: {  	s10 =	sld [smem:$0x3FB0];
	_ =	sdelay $0x3  }
0x33: {  	p0 =	seq.s32 s10, $0x1;
	s10 =	sld [smem:$0x3FB2];
	_ =	sdelay $0x3  }
0x34: {  	[smem:$0x3FB2] =	sst s10  }
0x35: {  	s10 =	sld [smem:$0x3FB1];
	_ =	sdelay $0x3  }
0x36: {  	p1 =	seq.s32 s10, $0x1;
	s10 =	sld [smem:$0x3FB2];
	_ =	sdelay $0x3  }
0x37: {  	[smem:$0x3FB2] =	sst s10  }
0x38: {  	s10 =	sld [smem:$0x3FB3]  }
0x39: {  	_ = 	snop;
	(pc) =	sbr.ind lr, $3  }
0x3a: {  	_ = 	snop  }
0x3b: {  	_ = 	snop  }
0x3c: {  	p2 =	seq.s32 s10, $0x1;
	s10 =	sld [smem:$0x3FB2]  }
0x3d: {  	_ =	shalt  }
0x3e: {  	_ =	shalt  }
0x3f: {  	_ =	shalt  }
0x40: {  	_ =	shalt  }
0x41: {  	_ =	shalt  }
0x42: {  	_ =	shalt  }
0x43: {  	_ =	shalt  }
0x44: {  	_ =	shalt  }
0x45: {  	_ =	shalt  }
0x46: {  	_ =	shalt  }
0x47: {  	_ =	shalt  }
0x48: {  	_ =	shalt  }
0x49: {  	_ =	shalt  }
0x4a: {  	_ =	shalt  }
0x4b: {  	_ =	shalt  }
0x4c: {  	_ =	shalt  }
0x4d: {  	_ =	shalt  }
0x4e: {  	_ =	shalt  }
0x4f: {  	_ =	shalt  }
0x50: {  	_ =	shalt  }
0x51: {  	_ =	shalt  }
0x52: {  	_ =	shalt  }
0x53: {  	_ =	shalt  }
0x54: {  	_ =	shalt  }
0x55: {  	_ =	shalt  }
0x56: {  	_ =	shalt  }
0x57: {  	_ =	shalt  }
0x58: {  	_ =	shalt  }
0x59: {  	_ =	shalt  }
0x5a: {  	_ =	shalt  }
0x5b: {  	_ =	shalt  }
0x5c: {  	_ =	shalt  }
0x5d: {  	_ =	shalt  }
0x5e: {  	_ =	shalt  }
0x5f: {  	_ =	shalt  }
0x60: {  	_ =	shalt  }
0x61: {  	_ =	shalt  }
0x62: {  	_ =	shalt  }
0x63: {  	_ =	shalt  }
0x64: {  	_ =	shalt  }
0x65: {  	_ =	shalt  }
0x66: {  	_ =	shalt  }
0x67: {  	_ =	shalt  }
0x68: {  	_ =	shalt  }
0x69: {  	_ =	shalt  }
0x6a: {  	_ =	shalt  }
0x6b: {  	_ =	shalt  }
0x6c: {  	_ =	shalt  }
0x6d: {  	_ =	shalt  }
0x6e: {  	_ =	shalt  }
0x6f: {  	_ =	shalt  }
0x70: {  	_ =	shalt  }
0x71: {  	_ =	shalt  }
0x72: {  	_ =	shalt  }
0x73: {  	_ =	shalt  }
0x74: {  	_ =	shalt  }
0x75: {  	_ =	shalt  }
0x76: {  	_ =	shalt  }
0x77: {  	_ =	shalt  }
0x78: {  	_ =	shalt  }
0x79: {  	_ =	shalt  }
0x7a: {  	_ =	shalt  }
0x7b: {  	_ =	shalt  }
0x7c: {  	_ =	shalt  }
0x7d: {  	_ =	shalt  }
0x7e: {  	_ =	shalt  }
0x7f: {  	_ =	shalt  }
0x80: {  	_ =	shalt  }
0x81: {  	_ =	shalt  }
0x82: {  	_ =	shalt  }
0x83: {  	_ =	shalt  }
0x84: {  	_ =	shalt  }
0x85: {  	_ =	shalt  }
0x86: {  	_ =	shalt  }
0x87: {  	_ =	shalt  }
.Lfunc_end0:
.L_simem_size_0:
called_computation_lowered:
.L_overlay_start_0:
0x88: {  	s2 =	sld [smem:$0x3FD9]  }
0x89: {  	s3 =	sld [smem:$0x3FFE];
	_ =	sdelay $0x1  }
0x8a: {  	s1 =	srdreg.scid  }
0x8b: {  	s0 =	sand.u32 $0x1, s1  }
0x8c: {  	s17 =	sshll.u32 s0, $0xA;
	s2 =	sadd.s32 s3, s2  }
0x8d: {  	s2 =	sadd.s32 s2, s17  }
0x8e: {  	[smem:$0x3FBE] =	sst s2  }
0x8f: {  	_ = 	snop  }
0x90: {  	s2 =	sld [smem:$0x3FD0];
	(tm) =	ssettm $0x1  }
0x91: {  	s18 =	sld [smem:$0x3FFB];
	_ =	sdelay $0x3  }
0x92: {  	_ =	strace s18  }
0x93: {  	s3 =	sld [smem:$0x3FFC];
	_ =	sdelay $0x3  }
0x94: {  	_ =	strace s3  }
0x95: {  	s3 =	sld [smem:$0x3FFD];
	_ =	sdelay $0x3  }
0x96: {  	_ =	strace s3  }
0x97: {  	_ =	strace $0x8FFFFFFF  }
0x98: {  	s19 =	sld [smem:$0x3FDB];
	_ =	sdelay $0x1  }
0x99: {  	s4 =	simm.s32 $_scs_section_size  }
0x9a: {  	s5 =	simm.s32 $_size__tile_overlayer_lowered;
	s6 =	simm.s32 $_tile_overlayer_lowered  }
0x9b: {  	s22 =	simm.s32 $0x1BFF;
	s21 =	sshll.u32 s6, $0x1;
	s3 =	sadd.s32 s4, s19  }
0x9c: {  	s7 =	simm.s32 $0x0;
	s20 =	sshll.u32 s5, $0x1;
	s5 =	sadd.s32 s21, s3  }
0x9d: {  	[timem:s7], [sflag:s22] =	dma.local [hbm:s5], s20  }
0x9e: {  	_ =	swait.ge [sflag:s22], s20  }
0x9f: {  	s4 =	ssub.s32 $0x0, s20;
	[sflag:s22] =	ssyncset.done $0x0  }
0xa0: {  	[sflag:s22] =	ssyncadd.s32 s4;
	_ =	sdelay $0x1  }
0xa1: {  	s23 =	simm.s32 $0x1B8B  }
0xa2: {  	_ =	swait.ge [sflag:s23], $0x1  }
0xa3: {  	[sflag:s23] =	ssyncset.done $0x0  }
0xa4: {  	s25 =	simm.s32 $0x1B8E;
	s24 =	sld [smem:$0x3FFE];
	[sflag:s23] =	ssyncadd.s32 $0xFFFFFFFF  }
0xa5: {  	s26 =	simm.s32 $execute0_lowered;
	[smem:$0x3FD2] =	sst s25  }
0xa6: {  	s5 =	sshll.u32 s26, $0x1;
	_ =	strace $0x80000046;
	[dreg:$0x1] =	wrdreg $0xFFFFFFFF  }
0xa7: {  	s28 =	simm.s32 $_size_execute0_lowered;
	s3 =	sadd.s32 s3, s5;
	[dreg:$0x0] =	wrdreg $0x0  }
0xa8: {  	s5 =	sshll.u32 s28, $0x1;
	[dreg:$0x2] =	wrdreg s3  }
0xa9: {  	[dreg:$0x3] =	wrdreg s5  }
0xaa: {  	[dreg:$0x4] =	wrdreg $0xC0  }
0xab: {  	_ =	task [dreg:s7], $0x5FFFF  }
0xac: {  	[dreg:$0x1] =	wrdreg $0xFFFFFFFF  }
0xad: {  	[dreg:$0x0] =	wrdreg $0x60  }
0xae: {  	[dreg:$0x2] =	wrdreg s24  }
0xaf: {  	[dreg:$0x3] =	wrdreg s2  }
0xb0: {  	[dreg:$0x4] =	wrdreg $0x0  }
0xb1: {  	[dreg:$0x5] =	wrdreg $0xC3A00  }
0xb2: {  	[dreg:$0x6] =	wrdreg $0x9  }
0xb3: {  	_ =	task.clear_ibuf [dreg:s7], $0x7FFFF;
	_ =	strace $0x90000046  }
0xb4: {  	s29 =	simm.s32 $0x9;
	_ =	strace $0x80000048  }
0xb5: {  	_ =	swait.ge [sflag:s29], $0x1  }
0xb6: {  	[sflag:s29] =	ssyncadd.s32 $0xFFFFFFFF  }
0xb7: {  	_ =	strace $0x90000048  }
0xb8: {  	_ =	sfence  }
0xb9: {  	s30 =	sld [smem:$0x0];
	_ =	sdelay $0x2  }
0xba: {  	s31 =	sshll.u32 s1, $0xD;
	s1 =	sshrl.u32 s1, $0x2  }
0xbb: {  	s3 =	sand.u32 $0x4000, s31;
	s1 =	sadd.s32 s1, s30  }
0xbc: {  	s0 =	sor.u32 s3, s0;
	s1 =	sshll.u32 s1, $0x11  }
0xbd: {  	s0 =	sor.u32 s1, s0  }
0xbe: {  	s0 =	sadd.s32 $0x8F2B, s0  }
0xbf: {  	[sflag:s0] =	ssyncadd.remote.s32 $0x1  }
0xc0: {  	_ =	sfence.sel $0xFFFF  }
0xc1: {  	[dreg:$0x0] =	wrdreg $0xFFFFFFFF;
	(pc) =	sbr.abs _section_cstart, $3  }
0xc2: {  	[dreg:$0x1] =	wrdreg $0xFFFFFFFF  }
0xc3: {  	_ =	task.clear_ibuf [dreg:s7], $0x2FFFF;
	_ =	strace $0x9FFFFFFF  }
0xc4: {  	(tm) =	ssettm $0x7FFFFFFF  }
0xc5: {  	_ =	shalt  }
tec
execute0_lowered:
.L_overlay_start_1:
0x0: {  	(tag) =	ssettag $0x1  }
0x1: {  	s0 =	rddreg [dreg:$0x0]  }
0x2: {  	s25 =	rddreg [dreg:$0x1]  }
0x3: {  	s2 =	rddreg [dreg:$0x2]  }
0x4: {  	s13 =	rddreg [dreg:$0x3]  }
0x5: {  	s4 =	simm.s32 $0x0;
	s1 =	srdreg.scid;
	s3 =	stileid.u32  }
0x6: {  	[smem:$0x7FF] =	sst s4;
	s6 =	sadd.s32 $0xE1800, s0;
	s5 =	smul.u32 $0x30E80, s3  }
0x7: {  	s7 =	sadd.s32 $0x271800, s0;
	s1 =	sand.u32 $0x1, s1;
	s11 =	smul.u32 $0xC400, s3  }
0x8: {  	s8 =	sadd.s32 $0x1000, s0;
	s0 =	sadd.s32 $0x401800, s0;
	s12 =	smul.u32 $0x3100, s3  }
0x9: {  	s16 =	ssub.s32 $0x280, s3;
	_ =	strace $0x80000047;
	s9 =	ssub.s32 $0x2, s1  }
0xa: {  	[dreg:$0x5] =	wrdreg s0;
	s18 =	sshrl.u32 s16, $0x4;
	s21 =	sshrl.u32 s9, $0x1  }
0xb: {  	s5 =	sshrl.u32 s5, $0x2;
	s14 =	sor.u32 $0xE0, s11;
	[dreg:$0xd] =	wrdreg s18  }
0xc: {  	s22 =	sshrl.u32 s11, $0x3;
	s15 =	sor.u32 $0x150, s11;
	[dreg:$0xb] =	wrdreg s14  }
0xd: {  	s17 =	sshrl.u32 s12, $0x2;
	s23 =	sadd.s32 s25, s22;
	[dreg:$0xc] =	wrdreg s15  }
0xe: {  	s0 =	ssub.s32 s9, s21;
	s24 =	sadd.s32 s8, s22;
	[dreg:$0x7] =	wrdreg s23  }
0xf: {  	s10 =	sadd.s32 s5, s2;
	s19 =	sadd.s32 s17, s13;
	[dreg:$0x8] =	wrdreg s24  }
0x10: {  	v1 =	vimm.s32 $0x76543210;
	v2 =	vimm.s32 $0xFEDCBA98;
	s5 =	sor.u32 $0xE, s22;
	s2 =	sadd.s32 $0xC300, s10;
	[dreg:$0xf] =	wrdreg s19  }
0x11: {  	v3 =	vimm.s32 $0x3210FEDC;
	v4 =	vimm.s32 $0xBA987654;
	s9 =	smul.u32 $0xC800, s1;
	s26 =	sadd.s32 s25, s5;
	[dreg:$0x6] =	wrdreg s2  }
0x12: {  	v5 =	vimm.s32 $0x10FEDCBA;
	v6 =	vimm.s32 $0x98765432;
	s1 =	smul.u32 $0x61A800, s1;
	s5 =	sadd.s32 s8, s5;
	[dreg:$0x9] =	wrdreg s26  }
0x13: {  	s29 =	simm.s32 $0x1CB00;
	s30 =	simm.s32 $0x9;
	v7 =	vimm.s32 $0xFEDCBA9;
	v8 =	vimm.s32 $0x87654321;
	v1 =	vunpack.c.l.s4.s8 v1;
	[dreg:$0xa] =	wrdreg s5  }
0x14: {  	s28 =	simm.s32 $0x6;
	v2 =	vunpack.c.l.s4.s8 v2;
	v3 =	vunpack.c.l.s4.s8 v3;
	v4 =	vunpack.c.l.s4.s8 v4;
	s20 =	sadd.s32 $0x1C0, s19;
	[dreg:$0xe] =	wrdreg s1  }
0x15: {  	s31 =	simm.s32 $0x4;
	v5 =	vunpack.c.l.s4.s8 v5;
	v6 =	vunpack.c.l.s4.s8 v6;
	v7 =	vunpack.c.l.s4.s8 v7;
	s21 =	sadd.s32 $0x380, s19;
	[dreg:$0x10] =	wrdreg s20  }
0x16: {  	s3 =	smov.u32 s13;
	v8 =	vunpack.c.l.s4.s8 v8;
	v3 =	vunpack.c.0.s8.s32 v3;
	v4 =	vunpack.c.0.s8.s32 v4;
	s22 =	sadd.s32 $0x540, s19;
	[dreg:$0x11] =	wrdreg s21  }
0x17: {  	s11 =	simm.s32 $0x1;
	v5 =	vunpack.c.0.s8.s32 v5;
	v6 =	vunpack.c.0.s8.s32 v6;
	v2 =	vunpack.c.0.s8.s32 v2;
	s0 =	smax.u32 s0, $0x1;
	[dreg:$0x12] =	wrdreg s22  }
0x18: {  	s12 =	simm.s32 $0x2;
	v7 =	vunpack.c.0.s8.s32 v7;
	v8 =	vunpack.c.0.s8.s32 v8;
	s23 =	sadd.s32 $0x700, s19;
	v3 =	vcombine.low v4, v3;
	[dreg:$0x13] =	wrdreg s0  }
0x19: {  	s13 =	simm.s32 $0x70;
	s24 =	sadd.s32 $0x8C0, s19;
	v4 =	vunpack.c.0.s8.s32 v1;
	v5 =	vcombine.low v6, v5;
	v1 =	vimm.f32 $0.0e+00;
	[dreg:$0x14] =	wrdreg s23  }
0x1a: {  	s14 =	simm.s32 $0x8;
	s15 =	simm.s32 $0xD520;
	v2 =	vand.u32 $0xF, v2;
	v6 =	vcombine.low v8, v7;
	[dreg:$0x15] =	wrdreg s24;
	v0 =	vmov s9  }
0x1b: {  	s26 =	sadd.s32 $0xA80, s19;
	s5 =	simm.s32 $0xD210;
	s24 =	simm.s32 $0x7;
	v2 =	vcombine.low v2, v4;
	v3 =	vand.u32 $0xF, v3;
	v4 =	vlaneseq.u32  }
0x1c: {  	s1 =	simm.s32 $0x0;
	[dreg:$0x16] =	wrdreg s26;
	s26 =	simm.s32 $0x5;
	v5 =	vand.u32 $0xF, v5;
	v6 =	vand.u32 $0xF, v6;
	v7 =	vadd.s32 $0xFFFFFFFF, v4  }
.LBB2_1:
0x1d: {  	[dreg:$0x17] =	wrdreg s1;
	s0 =	simm.s32 $0x0  }
0x1e: {  	p1 =	por $0x1, $0x1;
	[dreg:$0x18] =	wrdreg s0  }
.LBB2_2:
0x1f: {  	p0 =	por p1, p1;
	s0 =	simm.s32 $0x80;
	s1 =	simm.s32 $0x0  }
.LBB2_3:
0x20: {  	p1 =	sne.s32 s0, $0x1380;
	[tilespmem:s1+$0x1CB00] =	vst v1;
	s9 =	smov.u32 s0;
	s0 =	sadd.s32 $0x80, s0  }
.Ltmp0:
0x21: {  	[tilespmem:s1+$0x1CB10] =	vst v1;
	(pc) =	sbr.rel @p1 .LBB2_3-.Ltmp0, $2  }
0x22: {  	_ =	sdelay $0x2  }
0x23: {  	s1 =	sshra.s32 s9, $0x2  }
0x24: {  	[tilespmem:s1+$0x1CB00] =	vst v1  }
0x25: {  	[tilespmem:s1+$0x1CB10] =	vst v1  }
0x26: {  	[tilespmem:$0x1D050] =	vst v1  }
0x27: {  	[tilespmem:$0x1D060] =	vst v1  }
0x28: {  	[tilespmem:$0x1D070] =	vst v1  }
0x29: {  	[tilespmem:$0x1D080] =	vst v1  }
0x2a: {  	[tilespmem:$0x1D090] =	vst v1  }
0x2b: {  	[tilespmem:$0x1D0A0] =	vst v1  }
0x2c: {  	[tilespmem:$0x1D0B0] =	vst v1  }
0x2d: {  	[tilespmem:$0x1D0C0] =	vst v1  }
0x2e: {  	[tilespmem:$0x1D0D0] =	vst v1  }
0x2f: {  	[tilespmem:$0x1D0E0] =	vst v1  }
0x30: {  	[tilespmem:$0x1D0F0] =	vst v1  }
0x31: {  	[tilespmem:$0x1D100] =	vst v1  }
0x32: {  	[tilespmem:$0x1D110] =	vst v1  }
0x33: {  	[tilespmem:$0x1D120] =	vst v1  }
0x34: {  	[tilespmem:$0x1D130] =	vst v1  }
0x35: {  	[tilespmem:$0x1D140] =	vst v1  }
0x36: {  	[tilespmem:$0x1D150] =	vst v1  }
0x37: {  	[tilespmem:$0x1D160] =	vst v1  }
0x38: {  	[tilespmem:$0x1D170] =	vst v1  }
0x39: {  	[tilespmem:$0x1D180] =	vst v1  }
0x3a: {  	[tilespmem:$0x1D190] =	vst v1  }
0x3b: {  	[tilespmem:$0x1D1A0] =	vst v1  }
0x3c: {  	[tilespmem:$0x1D1B0] =	vst v1  }
0x3d: {  	[tilespmem:$0x1D1C0] =	vst v1  }
0x3e: {  	[tilespmem:$0x1D1D0] =	vst v1  }
0x3f: {  	[tilespmem:$0x1D1E0] =	vst v1  }
0x40: {  	[tilespmem:$0x1D1F0] =	vst v1  }
0x41: {  	s0 =	sadd.s32 $0x0, s10;
	[tilespmem:$0x1D200] =	vst v1  }
0x42: {  	[spmem:s0] =	stream.linear.scatter [tilespmem:s29], [sflag:$0x9], $0x500, $0x38;
	[tilespmem:$0x1E610] =	vst v63  }
0x43: {  	s0 =	simm.s32 $0x1400;
	_ =	swait.ge [sflag:s30], $0x500  }
.LBB2_5:
0x44: {  	s1 =	sshra.s32 s0, $0x2;
	[sflag:s30] =	ssyncset.done $0x0;
	p1 =	sne.s32 s0, $0x2F800  }
.Ltmp1:
0x45: {  	s1 =	sadd.s32 s1, s10;
	[sflag:s30] =	ssyncadd.s32 $0xFFFFFB00;
	(pc) =	sbr.rel @p1 .LBB2_5-.Ltmp1, $3  }
0x46: {  	[spmem:s1] =	stream.linear.scatter [tilespmem:s29], [sflag:$0x9], $0x500, $0x38;
	[tilespmem:$0x1E610] =	vst v63  }
0x47: {  	s0 =	sadd.s32 $0x1400, s0;
	_ =	sdelay $0x1  }
0x48: {  	_ =	swait.ge [sflag:s30], $0x500  }
0x49: {  	[sflag:s30] =	ssyncset.done $0x0  }
0x4a: {  	s0 =	rddreg [dreg:$0x6];
	[sflag:s30] =	ssyncadd.s32 $0xFFFFFB00  }
0x4b: {  	[spmem:s0] =	stream.linear.scatter [tilespmem:s29], [sflag:$0x9], $0xA0, $0x38;
	[tilespmem:$0x1E610] =	vst v63  }
0x4c: {  	_ =	swait.ge [sflag:s30], $0xA0  }
0x4d: {  	[sflag:s30] =	ssyncset.done $0x0  }
0x4e: {  	s1 =	simm.s32 $0x1D050;
	s22 =	rddreg [dreg:$0xf];
	[sflag:s30] =	ssyncadd.s32 $0xFFFFFF60  }
0x4f: {  	[spmem:s22] =	stream.linear.scatter [tilespmem:s1], [sflag:$0x9], $0x1C0, $0x38;
	[tilespmem:$0x1E610] =	vst v63  }
0x50: {  	_ =	swait.ge [sflag:s30], $0x1C0  }
0x51: {  	[sflag:s30] =	ssyncset.done $0x0  }
0x52: {  	s23 =	rddreg [dreg:$0x10];
	[sflag:s30] =	ssyncadd.s32 $0xFFFFFE40  }
0x53: {  	[spmem:s23] =	stream.linear.scatter [tilespmem:s1], [sflag:$0x9], $0x1C0, $0x38;
	[tilespmem:$0x1E610] =	vst v63  }
0x54: {  	_ =	swait.ge [sflag:s30], $0x1C0  }
0x55: {  	[sflag:s30] =	ssyncset.done $0x0  }
0x56: {  	s2 =	rddreg [dreg:$0x11];
	[sflag:s30] =	ssyncadd.s32 $0xFFFFFE40  }
0x57: {  	[spmem:s2] =	stream.linear.scatter [tilespmem:s1], [sflag:$0x9], $0x1C0, $0x38;
	[tilespmem:$0x1E610] =	vst v63  }
0x58: {  	_ =	swait.ge [sflag:s30], $0x1C0  }
0x59: {  	[sflag:s30] =	ssyncset.done $0x0  }
0x5a: {  	s9 =	rddreg [dreg:$0x12];
	[sflag:s30] =	ssyncadd.s32 $0xFFFFFE40  }
0x5b: {  	[spmem:s9] =	stream.linear.scatter [tilespmem:s1], [sflag:$0x9], $0x1C0, $0x38;
	[tilespmem:$0x1E610] =	vst v63  }
0x5c: {  	_ =	swait.ge [sflag:s30], $0x1C0  }
0x5d: {  	[sflag:s30] =	ssyncset.done $0x0  }
0x5e: {  	s16 =	rddreg [dreg:$0x14];
	[sflag:s30] =	ssyncadd.s32 $0xFFFFFE40  }
0x5f: {  	[spmem:s16] =	stream.linear.scatter [tilespmem:s1], [sflag:$0x9], $0x1C0, $0x38;
	[tilespmem:$0x1E610] =	vst v63  }
0x60: {  	_ =	swait.ge [sflag:s30], $0x1C0  }
0x61: {  	[sflag:s30] =	ssyncset.done $0x0  }
0x62: {  	s17 =	rddreg [dreg:$0x15];
	[sflag:s30] =	ssyncadd.s32 $0xFFFFFE40  }
0x63: {  	[spmem:s17] =	stream.linear.scatter [tilespmem:s1], [sflag:$0x9], $0x1C0, $0x38;
	[tilespmem:$0x1E610] =	vst v63  }
0x64: {  	_ =	swait.ge [sflag:s30], $0x1C0  }
0x65: {  	[sflag:s30] =	ssyncset.done $0x0  }
0x66: {  	s18 =	rddreg [dreg:$0x16];
	[sflag:s30] =	ssyncadd.s32 $0xFFFFFE40  }
0x67: {  	[spmem:s18] =	stream.linear.scatter [tilespmem:s1], [sflag:$0x9], $0x1C0, $0x38;
	[tilespmem:$0x1E610] =	vst v63  }
0x68: {  	_ =	swait.ge [sflag:s30], $0x1C0  }
0x69: {  	[sflag:s30] =	ssyncset.done $0x0  }
0x6a: {  	[sflag:s30] =	ssyncadd.s32 $0xFFFFFE40  }
0x6b: {  	[bflag:$0x0] =	sbarrier.arrive $0xFFFF  }
0x6c: {  	s20 =	simm.s32 $0xCFE0;
	s22 =	simm.s32 $0x0;
	s19 =	rddreg [dreg:$0x7]  }
0x6d: {  	[tilespmem:s20], [sflag:$0x1] =	stream.linear.gather [hbm4b:s19+s22], $0x70, $0x38;
	[tilespmem:$0x1E610] =	vst v63  }
0x6e: {  	s23 =	simm.s32 $0xD050;
	s21 =	rddreg [dreg:$0x8]  }
0x6f: {  	[tilespmem:s23], [sflag:$0x2] =	stream.linear.gather [hbm4b:s21+s22], $0x70, $0x38;
	[tilespmem:$0x1E610] =	vst v63  }
0x70: {  	_ =	swait.ge [sflag:s11], $0x70  }
0x71: {  	[sflag:s11] =	ssyncset.done $0x0  }
0x72: {  	[sflag:s11] =	ssyncadd.s32 $0xFFFFFF90  }
0x73: {  	_ =	swait.ge [sflag:s12], $0x70  }
0x74: {  	[sflag:s12] =	ssyncset.done $0x0  }
0x75: {  	[sflag:s12] =	ssyncadd.s32 $0xFFFFFF90  }
0x76: {  	v9 =	vld [tilespmem:$0xCFE0]  }
0x77: {  	v10 =	vld [tilespmem:$0xD050];
	_ =	sdelay $0x2  }
0x78: {  	s2 =	rddreg [dreg:$0x18]  }
0x79: {  	v8 =	vmov s2;
	v12 =	vld [tilespmem:$0xCFF0];
	v11 =	vadd.s32 v0, v9  }
0x7a: {  	v10 =	vadd.s32 v0, v10;
	v9 =	vsub.s32 v9, v8;
	[tilespmem:$0xD0C0] =	vst v11;
	v11 =	vld [tilespmem:$0xD060]  }
0x7b: {  	[tilespmem:$0xD130] =	vst v10;
	v9 =	vmin.u32 v9, $0x61A8  }
0x7c: {  	[tilespmem:$0xD280] =	vst v9;
	v10 =	vshrl.u32 v9, $0x3;
	v9 =	vshll.u32 v9, $0x1  }
0x7d: {  	[tilespmem:$0xD1A0] =	vst v10;
	v9 =	vand.u32 $0xE, v9  }
0x7e: {  	v10 =	vld [tilespmem:$0xD000];
	[tilespmem:$0xD210] =	vst v9;
	v9 =	vadd.s32 v0, v12  }
0x7f: {  	v59 =	vld [tilespmem:$0xD070];
	[tilespmem:$0xD0D0] =	vst v9;
	v9 =	vadd.s32 v0, v11;
	v11 =	vsub.s32 v12, v8  }
0x80: {  	[tilespmem:$0xD140] =	vst v9;
	v9 =	vmin.u32 v11, $0x61A8  }
0x81: {  	[tilespmem:$0xD290] =	vst v9;
	v11 =	vshrl.u32 v9, $0x3;
	v9 =	vshll.u32 v9, $0x1  }
0x82: {  	[tilespmem:$0xD1B0] =	vst v11;
	v9 =	vand.u32 $0xE, v9  }
0x83: {  	v11 =	vld [tilespmem:$0xD010];
	[tilespmem:$0xD220] =	vst v9;
	v9 =	vadd.s32 v0, v10  }
0x84: {  	v60 =	vld [tilespmem:$0xD080];
	v10 =	vsub.s32 v10, v8;
	[tilespmem:$0xD0E0] =	vst v9;
	v9 =	vadd.s32 v0, v59  }
0x85: {  	[tilespmem:$0xD150] =	vst v9;
	v9 =	vmin.u32 v10, $0x61A8  }
0x86: {  	[tilespmem:$0xD2A0] =	vst v9;
	v10 =	vshrl.u32 v9, $0x3;
	v9 =	vshll.u32 v9, $0x1  }
0x87: {  	[tilespmem:$0xD1C0] =	vst v10;
	v9 =	vand.u32 $0xE, v9  }
0x88: {  	v10 =	vld [tilespmem:$0xD020];
	[tilespmem:$0xD230] =	vst v9;
	v9 =	vadd.s32 v0, v11  }
0x89: {  	v61 =	vld [tilespmem:$0xD090];
	v11 =	vsub.s32 v11, v8;
	[tilespmem:$0xD0F0] =	vst v9;
	v9 =	vadd.s32 v0, v60  }
0x8a: {  	[tilespmem:$0xD160] =	vst v9;
	v9 =	vmin.u32 v11, $0x61A8  }
0x8b: {  	[tilespmem:$0xD2B0] =	vst v9;
	v11 =	vshrl.u32 v9, $0x3;
	v9 =	vshll.u32 v9, $0x1  }
0x8c: {  	[tilespmem:$0xD1D0] =	vst v11;
	v9 =	vand.u32 $0xE, v9  }
0x8d: {  	v11 =	vld [tilespmem:$0xD030];
	[tilespmem:$0xD240] =	vst v9;
	v9 =	vadd.s32 v0, v10  }
0x8e: {  	v62 =	vld [tilespmem:$0xD0A0];
	v10 =	vsub.s32 v10, v8;
	[tilespmem:$0xD100] =	vst v9;
	v9 =	vadd.s32 v0, v61  }
0x8f: {  	[tilespmem:$0xD170] =	vst v9;
	v9 =	vmin.u32 v10, $0x61A8  }
0x90: {  	[tilespmem:$0xD2C0] =	vst v9;
	v10 =	vshrl.u32 v9, $0x3;
	v9 =	vshll.u32 v9, $0x1  }
0x91: {  	[tilespmem:$0xD1E0] =	vst v10;
	v9 =	vand.u32 $0xE, v9  }
0x92: {  	v10 =	vld [tilespmem:$0xD040];
	[tilespmem:$0xD250] =	vst v9;
	v9 =	vadd.s32 v0, v11  }
0x93: {  	v63 =	vld [tilespmem:$0xD0B0];
	v11 =	vsub.s32 v11, v8;
	[tilespmem:$0xD110] =	vst v9;
	v9 =	vadd.s32 v0, v62  }
0x94: {  	[tilespmem:$0xD180] =	vst v9;
	v9 =	vmin.u32 v11, $0x61A8  }
0x95: {  	[tilespmem:$0xD2D0] =	vst v9;
	v11 =	vshrl.u32 v9, $0x3;
	v9 =	vshll.u32 v9, $0x1  }
0x96: {  	[tilespmem:$0xD1F0] =	vst v11;
	v9 =	vand.u32 $0xE, v9  }
0x97: {  	[tilespmem:$0xD260] =	vst v9;
	v9 =	vadd.s32 v0, v10  }
0x98: {  	v10 =	vsub.s32 v10, v8;
	[tilespmem:$0xD120] =	vst v9;
	v9 =	vadd.s32 v0, v63  }
0x99: {  	[tilespmem:$0xD190] =	vst v9;
	v9 =	vmin.u32 v10, $0x61A8  }
0x9a: {  	[tilespmem:$0xD2E0] =	vst v9;
	v10 =	vshrl.u32 v9, $0x3;
	v9 =	vshll.u32 v9, $0x1  }
0x9b: {  	[tilespmem:$0xD200] =	vst v10;
	v9 =	vand.u32 $0xE, v9  }
0x9c: {  	s9 =	simm.s32 $0xD0C0;
	s16 =	simm.s32 $0xD600;
	[tilespmem:$0xD270] =	vst v9  }
0x9d: {  	[tilespmem:s16], [sflag:$0x3] =	stream.indirect.gather [hbm4b:s6+s13], $0x80, s9, s13, $0xb8;
	[tilespmem:$0x1E610] =	vst v63  }
0x9e: {  	s17 =	simm.s32 $0xD130;
	s18 =	simm.s32 $0x10E00  }
0x9f: {  	[tilespmem:s18], [sflag:$0x4] =	stream.indirect.gather [hbm4b:s7+s13], $0x80, s17, s13, $0xb8;
	[tilespmem:$0x1E610] =	vst v63  }
0xa0: {  	s20 =	simm.s32 $0xD2F0;
	s19 =	rddreg [dreg:$0x9]  }
0xa1: {  	[tilespmem:s20], [sflag:$0x5] =	stream.linear.gather [hbm4b:s19+s22], $0x70, $0x38;
	[tilespmem:$0x1E610] =	vst v63  }
0xa2: {  	s23 =	simm.s32 $0xD360;
	s21 =	rddreg [dreg:$0xa]  }
0xa3: {  	[tilespmem:s23], [sflag:$0x6] =	stream.linear.gather [hbm4b:s21+s22], $0x70, $0x38;
	[tilespmem:$0x1E610] =	vst v63  }
.LBB2_7:
0xa4: {  	s23 =	sshll.u32 s22, $0x1  }
0xa5: {  	s0 =	smin.u32 s23, $0x1BD  }
0xa6: {  	s0 =	smul.u32 $0x70, s0  }
0xa7: {  	s1 =	rddreg [dreg:$0xb]  }
0xa8: {  	s0 =	sadd.s32 s0, s1  }
0xa9: {  	s0 =	sshrl.u32 s0, $0x3  }
0xaa: {  	s9 =	simm.s32 $0xCFE0;
	s21 =	sadd.s32 s25, s0  }
0xab: {  	[tilespmem:s9], [sflag:$0x1] =	stream.linear.gather [hbm4b:s21+s4], $0x70, $0x38;
	[tilespmem:$0x1E610] =	vst v63  }
0xac: {  	s2 =	smov.u32 s25;
	s0 =	sadd.s32 s8, s0;
	s25 =	simm.s32 $0xD050  }
0xad: {  	[tilespmem:s25], [sflag:$0x2] =	stream.linear.gather [hbm4b:s0+s4], $0x70, $0x38;
	[tilespmem:$0x1E610] =	vst v63  }
0xae: {  	_ =	swait.ge [sflag:s26], $0x70  }
0xaf: {  	[sflag:s26] =	ssyncset.done $0x0  }
0xb0: {  	[sflag:s26] =	ssyncadd.s32 $0xFFFFFF90  }
0xb1: {  	_ =	swait.ge [sflag:s28], $0x70  }
0xb2: {  	[sflag:s28] =	ssyncset.done $0x0  }
0xb3: {  	[sflag:s28] =	ssyncadd.s32 $0xFFFFFF90  }
0xb4: {  	v9 =	vld [tilespmem:$0xD2F0]  }
0xb5: {  	v10 =	vld [tilespmem:$0xD360];
	_ =	sdelay $0x3  }
0xb6: {  	v12 =	vld [tilespmem:$0xD300];
	v11 =	vadd.s32 v0, v9  }
0xb7: {  	v10 =	vadd.s32 v0, v10;
	v9 =	vsub.s32 v9, v8;
	[tilespmem:$0xD3D0] =	vst v11;
	v11 =	vld [tilespmem:$0xD370]  }
0xb8: {  	[tilespmem:$0xD440] =	vst v10;
	v9 =	vmin.u32 v9, $0x61A8  }
0xb9: {  	[tilespmem:$0xD590] =	vst v9;
	v10 =	vshrl.u32 v9, $0x3;
	v9 =	vshll.u32 v9, $0x1  }
0xba: {  	[tilespmem:$0xD4B0] =	vst v10;
	v9 =	vand.u32 $0xE, v9  }
0xbb: {  	v10 =	vld [tilespmem:$0xD310];
	[tilespmem:$0xD520] =	vst v9;
	v9 =	vadd.s32 v0, v12  }
0xbc: {  	[tilespmem:$0xD3E0] =	vst v9;
	v9 =	vadd.s32 v0, v11;
	v11 =	vsub.s32 v12, v8;
	v12 =	vld [tilespmem:$0xD380]  }
0xbd: {  	[tilespmem:$0xD450] =	vst v9;
	v9 =	vmin.u32 v11, $0x61A8  }
0xbe: {  	[tilespmem:$0xD5A0] =	vst v9;
	v11 =	vshrl.u32 v9, $0x3;
	v9 =	vshll.u32 v9, $0x1  }
0xbf: {  	[tilespmem:$0xD4C0] =	vst v11;
	v9 =	vand.u32 $0xE, v9  }
0xc0: {  	v11 =	vld [tilespmem:$0xD320];
	[tilespmem:$0xD530] =	vst v9;
	v9 =	vadd.s32 v0, v10  }
0xc1: {  	v10 =	vsub.s32 v10, v8;
	[tilespmem:$0xD3F0] =	vst v9;
	v9 =	vadd.s32 v0, v12;
	v12 =	vld [tilespmem:$0xD390]  }
0xc2: {  	[tilespmem:$0xD460] =	vst v9;
	v9 =	vmin.u32 v10, $0x61A8  }
0xc3: {  	[tilespmem:$0xD5B0] =	vst v9;
	v10 =	vshrl.u32 v9, $0x3;
	v9 =	vshll.u32 v9, $0x1  }
0xc4: {  	[tilespmem:$0xD4D0] =	vst v10;
	v9 =	vand.u32 $0xE, v9  }
0xc5: {  	v10 =	vld [tilespmem:$0xD330];
	[tilespmem:$0xD540] =	vst v9;
	v9 =	vadd.s32 v0, v11  }
0xc6: {  	v11 =	vsub.s32 v11, v8;
	[tilespmem:$0xD400] =	vst v9;
	v9 =	vadd.s32 v0, v12;
	v12 =	vld [tilespmem:$0xD3A0]  }
0xc7: {  	[tilespmem:$0xD470] =	vst v9;
	v9 =	vmin.u32 v11, $0x61A8  }
0xc8: {  	[tilespmem:$0xD5C0] =	vst v9;
	v11 =	vshrl.u32 v9, $0x3;
	v9 =	vshll.u32 v9, $0x1  }
0xc9: {  	[tilespmem:$0xD4E0] =	vst v11;
	v9 =	vand.u32 $0xE, v9  }
0xca: {  	v11 =	vld [tilespmem:$0xD340];
	[tilespmem:$0xD550] =	vst v9;
	v9 =	vadd.s32 v0, v10  }
0xcb: {  	v10 =	vsub.s32 v10, v8;
	[tilespmem:$0xD410] =	vst v9;
	v9 =	vadd.s32 v0, v12;
	v12 =	vld [tilespmem:$0xD3B0]  }
0xcc: {  	[tilespmem:$0xD480] =	vst v9;
	v9 =	vmin.u32 v10, $0x61A8  }
0xcd: {  	[tilespmem:$0xD5D0] =	vst v9;
	v10 =	vshrl.u32 v9, $0x3;
	v9 =	vshll.u32 v9, $0x1  }
0xce: {  	[tilespmem:$0xD4F0] =	vst v10;
	v9 =	vand.u32 $0xE, v9  }
0xcf: {  	v10 =	vld [tilespmem:$0xD350];
	[tilespmem:$0xD560] =	vst v9;
	v9 =	vadd.s32 v0, v11  }
0xd0: {  	v11 =	vsub.s32 v11, v8;
	[tilespmem:$0xD420] =	vst v9;
	v9 =	vadd.s32 v0, v12;
	v12 =	vld [tilespmem:$0xD3C0]  }
0xd1: {  	[tilespmem:$0xD490] =	vst v9;
	v9 =	vmin.u32 v11, $0x61A8  }
0xd2: {  	[tilespmem:$0xD5E0] =	vst v9;
	v11 =	vshrl.u32 v9, $0x3;
	v9 =	vshll.u32 v9, $0x1  }
0xd3: {  	[tilespmem:$0xD500] =	vst v11;
	v9 =	vand.u32 $0xE, v9  }
0xd4: {  	[tilespmem:$0xD570] =	vst v9;
	v9 =	vadd.s32 v0, v10  }
0xd5: {  	v10 =	vsub.s32 v10, v8;
	[tilespmem:$0xD430] =	vst v9;
	v9 =	vadd.s32 v0, v12  }
0xd6: {  	[tilespmem:$0xD4A0] =	vst v9;
	v9 =	vmin.u32 v10, $0x61A8  }
0xd7: {  	[tilespmem:$0xD5F0] =	vst v9;
	v10 =	vshrl.u32 v9, $0x3;
	v9 =	vshll.u32 v9, $0x1  }
0xd8: {  	[tilespmem:$0xD510] =	vst v10;
	v9 =	vand.u32 $0xE, v9  }
0xd9: {  	s16 =	simm.s32 $0x14600;
	s9 =	simm.s32 $0xD3D0;
	[tilespmem:$0xD580] =	vst v9  }
0xda: {  	[tilespmem:s16], [sflag:$0x7] =	stream.indirect.gather [hbm4b:s6+s13], $0x80, s9, s13, $0xb8;
	[tilespmem:$0x1E610] =	vst v63  }
0xdb: {  	s17 =	simm.s32 $0xD440;
	s18 =	simm.s32 $0x17E00;
	s25 =	simm.s32 $0x3  }
0xdc: {  	[tilespmem:s18], [sflag:$0x8] =	stream.indirect.gather [hbm4b:s7+s13], $0x80, s17, s13, $0xb8;
	[tilespmem:$0x1E610] =	vst v63  }
0xdd: {  	_ =	swait.ge [sflag:s25], $0x3800  }
0xde: {  	[sflag:s25] =	ssyncset.done $0x0  }
0xdf: {  	[sflag:s25] =	ssyncadd.s32 $0xFFFFC800  }
0xe0: {  	_ =	swait.ge [sflag:s31], $0x3800  }
0xe1: {  	[sflag:s31] =	ssyncset.done $0x0  }
0xe2: {  	s9 =	simm.s32 $0xD700;
	[sflag:s31] =	ssyncadd.s32 $0xFFFFC800  }
0xe3: {  	s1 =	simm.s32 $0x10F00;
	v9 =	vld [tilespmem:s9+$0xFFFFFF00]  }
0xe4: {  	v10 =	vld [tilespmem:s1+$0xFFFFFF00];
	_ =	sdelay $0x4  }
0xe5: {  	v9 =	vmul.f32 v10, v9  }
0xe6: {  	v12 =	vld [tilespmem:s9+$0xFFFFFF10]  }
0xe7: {  	v10 =	vld [tilespmem:s1+$0xFFFFFF10];
	v11 =	vperm.xlane v9, v2;
	_ =	sdelay $0x1  }
0xe8: {  	v9 =	vadd.f32 v11, v9;
	_ =	sdelay $0x1  }
0xe9: {  	v11 =	vperm.xlane v9, v3  }
0xea: {  	v10 =	vmul.f32 v10, v12  }
0xeb: {  	v9 =	vadd.f32 v11, v9  }
0xec: {  	v11 =	vperm.xlane v10, v2  }
0xed: {  	v12 =	vperm.xlane v9, v5  }
0xee: {  	v10 =	vadd.f32 v11, v10  }
0xef: {  	v9 =	vadd.f32 v12, v9  }
0xf0: {  	v11 =	vperm.xlane v10, v3  }
0xf1: {  	v12 =	vperm.xlane v9, v6  }
0xf2: {  	v10 =	vadd.f32 v11, v10  }
0xf3: {  	v9 =	vadd.f32 v12, v9  }
0xf4: {  	v11 =	vperm.xlane v10, v5  }
0xf5: {  	v9 =	vmul.f32 $1.442695020e+00, v9  }
0xf6: {  	v10 =	vadd.f32 v11, v10  }
0xf7: {  	(erf) = vpow2.f32 v9  }
0xf8: {  	v9 =	vperm.xlane v10, v6;
	_ =	sdelay $0x1  }
0xf9: {  	v9 =	vadd.f32 v9, v10;
	_ =	sdelay $0x1  }
0xfa: {  	v10 =	vld [tilespmem:s1+$0xFFFFFF20];
	v9 =	vmul.f32 $1.442695020e+00, v9;
	_ =	sdelay $0x2  }
0xfb: {  	(erf) = vpow2.f32 v9  }
0xfc: {  	v9 =	vpop (erf)  }
0xfd: {  	v10 =	vmul.f32 v10, v9  }
0xfe: {  	s16 =	simm.s32 $0x1B640  }
0xff: {  	s19 =	simm.s32 $0x0;
	[tilespmem:s16+$0xFFFFFFC0] =	vst v10  }
0x100: {  	v11 =	vmov s19;
	v10 =	vld [tilespmem:s1+$0xFFFFFF30]  }
0x101: {  	v11 =	vand.u32 $0xFFFFFFFC, v11  }
0x102: {  	v11 =	vbroadcast v11, $0x0;
	_ =	sdelay $0x1  }
0x103: {  	v12 =	vpop (erf)  }
0x104: {  	v10 =	vmul.f32 v12, v10;
	_ =	sdelay $0x1  }
0x105: {  	[tilespmem:s16+$0xFFFFFFD0] =	vst v10  }
0x106: {  	v10 =	vld.idx.msk [tilespmem:v11+s5+$0x0], $0xffff;
	_ =	sdelay $0x4  }
0x107: {  	vm0 =	veq.s32 v10, v4;
	vm1 =	veq.s32 v10, v7  }
0x108: {  	v9 =	vnsel vm0, $0x0, v9;
	v10 =	vnsel vm1, $0x0, v12  }
0x109: {  	v9 =	vadd.f32 v10, v9  }
0x10a: {  	s17 =	simm.s32 $0x1C420  }
0x10b: {  	[tilespmem:s17+$0xFFFFFFE0] =	vst v9  }
0x10c: {  	v9 =	vld [tilespmem:s9+$0xFFFFFF80]  }
0x10d: {  	v10 =	vld [tilespmem:s1+$0xFFFFFF80];
	_ =	sdelay $0x4  }
0x10e: {  	v9 =	vmul.f32 v10, v9  }
0x10f: {  	v12 =	vld [tilespmem:s9+$0xFFFFFF90]  }
0x110: {  	v10 =	vld [tilespmem:s1+$0xFFFFFF90];
	v11 =	vperm.xlane v9, v2;
	_ =	sdelay $0x1  }
0x111: {  	v9 =	vadd.f32 v11, v9;
	_ =	sdelay $0x1  }
0x112: {  	v11 =	vperm.xlane v9, v3  }
0x113: {  	v10 =	vmul.f32 v10, v12  }
0x114: {  	v9 =	vadd.f32 v11, v9  }
0x115: {  	v12 =	vperm.xlane v10, v2  }
0x116: {  	v11 =	vperm.xlane v9, v5  }
0x117: {  	v10 =	vadd.f32 v12, v10  }
0x118: {  	v9 =	vadd.f32 v11, v9  }
0x119: {  	v12 =	vperm.xlane v10, v3  }
0x11a: {  	v11 =	vperm.xlane v9, v6  }
0x11b: {  	v10 =	vadd.f32 v12, v10  }
0x11c: {  	v9 =	vadd.f32 v11, v9  }
0x11d: {  	v11 =	vperm.xlane v10, v5  }
0x11e: {  	v9 =	vmul.f32 $1.442695020e+00, v9  }
0x11f: {  	v10 =	vadd.f32 v11, v10  }
0x120: {  	(erf) = vpow2.f32 v9  }
0x121: {  	v9 =	vperm.xlane v10, v6;
	_ =	sdelay $0x1  }
0x122: {  	v9 =	vadd.f32 v9, v10;
	_ =	sdelay $0x1  }
0x123: {  	v10 =	vld [tilespmem:s1+$0xFFFFFFA0];
	v9 =	vmul.f32 $1.442695020e+00, v9;
	_ =	sdelay $0x2  }
0x124: {  	(erf) = vpow2.f32 v9  }
0x125: {  	v9 =	vpop (erf)  }
0x126: {  	v10 =	vmul.f32 v10, v9;
	_ =	sdelay $0x1  }
0x127: {  	s20 =	simm.s32 $0x1;
	[tilespmem:s16+$0xFFFFFFE0] =	vst v10  }
0x128: {  	v11 =	vmov s20;
	v10 =	vld [tilespmem:s1+$0xFFFFFFB0]  }
0x129: {  	v11 =	vand.u32 $0xFFFFFFFD, v11  }
0x12a: {  	v11 =	vbroadcast v11, $0x0;
	_ =	sdelay $0x1  }
0x12b: {  	v12 =	vpop (erf)  }
0x12c: {  	v10 =	vmul.f32 v12, v10;
	_ =	sdelay $0x1  }
0x12d: {  	[tilespmem:s16+$0xFFFFFFF0] =	vst v10  }
0x12e: {  	v10 =	vld.idx.msk [tilespmem:v11+s5+$0x0], $0xffff;
	_ =	sdelay $0x4  }
0x12f: {  	vm12 =	veq.s32 v10, v4;
	vm13 =	veq.s32 v10, v7  }
0x130: {  	v9 =	vnsel vm12, $0x0, v9;
	v10 =	vnsel vm13, $0x0, v12  }
0x131: {  	v9 =	vadd.f32 v10, v9;
	_ =	sdelay $0x1  }
0x132: {  	[tilespmem:s17+$0xFFFFFFF0] =	vst v9  }
0x133: {  	v9 =	vld [tilespmem:s9+$0x0]  }
0x134: {  	v10 =	vld [tilespmem:s1+$0x0];
	_ =	sdelay $0x4  }
0x135: {  	v9 =	vmul.f32 v10, v9  }
0x136: {  	v12 =	vld [tilespmem:s9+$0x10]  }
0x137: {  	v10 =	vld [tilespmem:s1+$0x10];
	v11 =	vperm.xlane v9, v2;
	_ =	sdelay $0x1  }
0x138: {  	v9 =	vadd.f32 v11, v9;
	_ =	sdelay $0x1  }
0x139: {  	v11 =	vperm.xlane v9, v3  }
0x13a: {  	v10 =	vmul.f32 v10, v12  }
0x13b: {  	v9 =	vadd.f32 v11, v9  }
0x13c: {  	v12 =	vperm.xlane v10, v2  }
0x13d: {  	v11 =	vperm.xlane v9, v5  }
0x13e: {  	v10 =	vadd.f32 v12, v10  }
0x13f: {  	v9 =	vadd.f32 v11, v9  }
0x140: {  	v12 =	vperm.xlane v10, v3  }
0x141: {  	v11 =	vperm.xlane v9, v6  }
0x142: {  	v10 =	vadd.f32 v12, v10  }
0x143: {  	v9 =	vadd.f32 v11, v9  }
0x144: {  	v11 =	vperm.xlane v10, v5  }
0x145: {  	v9 =	vmul.f32 $1.442695020e+00, v9  }
0x146: {  	v10 =	vadd.f32 v11, v10  }
0x147: {  	(erf) = vpow2.f32 v9  }
0x148: {  	v9 =	vperm.xlane v10, v6;
	_ =	sdelay $0x1  }
0x149: {  	v9 =	vadd.f32 v9, v10;
	_ =	sdelay $0x1  }
0x14a: {  	v10 =	vld [tilespmem:s1+$0x20];
	v9 =	vmul.f32 $1.442695020e+00, v9;
	_ =	sdelay $0x2  }
0x14b: {  	(erf) = vpow2.f32 v9  }
0x14c: {  	v9 =	vpop (erf)  }
0x14d: {  	v10 =	vmul.f32 v10, v9;
	_ =	sdelay $0x1  }
0x14e: {  	s21 =	simm.s32 $0x2;
	[tilespmem:s16+$0x0] =	vst v10  }
0x14f: {  	v11 =	vmov s21;
	v10 =	vld [tilespmem:s1+$0x30]  }
0x150: {  	v11 =	vand.u32 $0xFFFFFFFE, v11  }
0x151: {  	v11 =	vbroadcast v11, $0x0;
	_ =	sdelay $0x1  }
0x152: {  	v12 =	vpop (erf)  }
0x153: {  	v10 =	vmul.f32 v12, v10;
	_ =	sdelay $0x1  }
0x154: {  	[tilespmem:s16+$0x10] =	vst v10  }
0x155: {  	v10 =	vld.idx.msk [tilespmem:v11+s5+$0x0], $0xffff;
	_ =	sdelay $0x4  }
0x156: {  	vm14 =	veq.s32 v10, v4;
	vm15 =	veq.s32 v10, v7  }
0x157: {  	v9 =	vnsel vm14, $0x0, v9;
	v10 =	vnsel vm15, $0x0, v12  }
0x158: {  	v9 =	vadd.f32 v10, v9;
	_ =	sdelay $0x1  }
0x159: {  	[tilespmem:s17+$0x0] =	vst v9  }
0x15a: {  	v12 =	vld [tilespmem:s9+$0x80]  }
0x15b: {  	v13 =	vld [tilespmem:s1+$0x80];
	_ =	sdelay $0x2  }
0x15c: {  	v10 =	vld [tilespmem:s9+$0x90]  }
0x15d: {  	s0 =	simm.s32 $0x11100;
	v11 =	vld [tilespmem:s1+$0x90]  }
0x15e: {  	s18 =	simm.s32 $0x1C420;
	s19 =	simm.s32 $0x1B640;
	s20 =	simm.s32 $0x7;
	v9 =	vld [tilespmem:s1+$0xA0];
	v12 =	vmul.f32 v13, v12  }
.LBB2_8:
0x15f: {  	s16 =	sadd.s32 $0x80, s16;
	s17 =	sadd.s32 $0x40, s17;
	s9 =	sadd.s32 $0x200, s9  }
0x160: {  	p1 =	sne.s32 s20, $0x6F;
	s21 =	smov.u32 s20;
	s20 =	sadd.s32 $0x4, s20;
	v13 =	vperm.xlane v12, v2  }
0x161: {  	_ = 	snop  }
0x162: {  	v12 =	vadd.f32 v13, v12;
	_ =	sdelay $0x1  }
0x163: {  	v13 =	vperm.xlane v12, v3  }
0x164: {  	v10 =	vmul.f32 v11, v10  }
0x165: {  	v11 =	vadd.f32 v13, v12  }
0x166: {  	v12 =	vperm.xlane v10, v2  }
0x167: {  	v13 =	vperm.xlane v11, v5  }
0x168: {  	v10 =	vadd.f32 v12, v10  }
0x169: {  	v11 =	vadd.f32 v13, v11  }
0x16a: {  	v12 =	vperm.xlane v10, v3  }
0x16b: {  	v13 =	vperm.xlane v11, v6  }
0x16c: {  	v10 =	vadd.f32 v12, v10  }
0x16d: {  	v11 =	vadd.f32 v13, v11  }
0x16e: {  	v12 =	vperm.xlane v10, v5  }
0x16f: {  	v11 =	vmul.f32 $1.442695020e+00, v11  }
0x170: {  	v10 =	vadd.f32 v12, v10  }
0x171: {  	(erf) = vpow2.f32 v11  }
0x172: {  	v11 =	vperm.xlane v10, v6;
	_ =	sdelay $0x1  }
0x173: {  	v10 =	vadd.f32 v11, v10;
	_ =	sdelay $0x1  }
0x174: {  	v10 =	vmul.f32 $1.442695020e+00, v10;
	_ =	sdelay $0x1  }
0x175: {  	(erf) = vpow2.f32 v10;
	_ =	sdelay $0x1  }
0x176: {  	v10 =	vpop (erf)  }
0x177: {  	v9 =	vmul.f32 v9, v10;
	_ =	sdelay $0x1  }
0x178: {  	[tilespmem:s19+$0x20] =	vst v9  }
0x179: {  	v9 =	vld [tilespmem:s1+$0xB0];
	s1 =	smov.u32 s0;
	_ =	sdelay $0x1  }
0x17a: {  	v11 =	vmov s25;
	s25 =	smov.u32 s21  }
0x17b: {  	v12 =	vpop (erf);
	_ =	sdelay $0x1  }
0x17c: {  	v9 =	vmul.f32 v12, v9;
	_ =	sdelay $0x1  }
0x17d: {  	[tilespmem:s19+$0x30] =	vst v9;
	s19 =	smov.u32 s16  }
0x17e: {  	v9 =	vld.idx.msk [tilespmem:v11+s5+$0x0], $0xffff;
	_ =	sdelay $0x5  }
0x17f: {  	vm0 =	veq.s32 v9, v4;
	vm1 =	veq.s32 v9, v7  }
0x180: {  	v9 =	vnsel vm0, $0x0, v10;
	v10 =	vnsel vm1, $0x0, v12  }
0x181: {  	v9 =	vadd.f32 v10, v9;
	_ =	sdelay $0x1  }
0x182: {  	[tilespmem:s18+$0x10] =	vst v9;
	s18 =	smov.u32 s17  }
0x183: {  	v9 =	vld [tilespmem:s9+$0xFFFFFF00]  }
0x184: {  	v10 =	vld [tilespmem:s0+$0xFFFFFF00];
	_ =	sdelay $0x4  }
0x185: {  	v9 =	vmul.f32 v10, v9  }
0x186: {  	v10 =	vld [tilespmem:s0+$0xFFFFFF10]  }
0x187: {  	v11 =	vld [tilespmem:s9+$0xFFFFFF10];
	v12 =	vperm.xlane v9, v2;
	_ =	sdelay $0x1  }
0x188: {  	v9 =	vadd.f32 v12, v9;
	_ =	sdelay $0x1  }
0x189: {  	v12 =	vperm.xlane v9, v3  }
0x18a: {  	v10 =	vmul.f32 v10, v11  }
0x18b: {  	v9 =	vadd.f32 v12, v9  }
0x18c: {  	v11 =	vperm.xlane v10, v2  }
0x18d: {  	v12 =	vperm.xlane v9, v5  }
0x18e: {  	v10 =	vadd.f32 v11, v10  }
0x18f: {  	v9 =	vadd.f32 v12, v9  }
0x190: {  	v11 =	vperm.xlane v10, v3  }
0x191: {  	v12 =	vperm.xlane v9, v6  }
0x192: {  	v10 =	vadd.f32 v11, v10  }
0x193: {  	v9 =	vadd.f32 v12, v9  }
0x194: {  	v11 =	vperm.xlane v10, v5  }
0x195: {  	v9 =	vmul.f32 $1.442695020e+00, v9  }
0x196: {  	v10 =	vadd.f32 v11, v10  }
0x197: {  	(erf) = vpow2.f32 v9  }
0x198: {  	v9 =	vperm.xlane v10, v6;
	_ =	sdelay $0x1  }
0x199: {  	v9 =	vadd.f32 v9, v10;
	_ =	sdelay $0x1  }
0x19a: {  	v9 =	vmul.f32 $1.442695020e+00, v9;
	v10 =	vld [tilespmem:s0+$0xFFFFFF20];
	_ =	sdelay $0x2  }
0x19b: {  	(erf) = vpow2.f32 v9  }
0x19c: {  	v9 =	vpop (erf)  }
0x19d: {  	v10 =	vmul.f32 v10, v9;
	_ =	sdelay $0x1  }
0x19e: {  	s21 =	sadd.s32 $0xFFFFFFFD, s25;
	[tilespmem:s16+$0xFFFFFFC0] =	vst v10  }
0x19f: {  	v11 =	vmov s21;
	v10 =	vld [tilespmem:s0+$0xFFFFFF30]  }
0x1a0: {  	v11 =	vand.u32 $0xFFFFFFFC, v11  }
0x1a1: {  	v11 =	vbroadcast v11, $0x0;
	_ =	sdelay $0x1  }
0x1a2: {  	v12 =	vpop (erf)  }
0x1a3: {  	v10 =	vmul.f32 v12, v10;
	_ =	sdelay $0x1  }
0x1a4: {  	[tilespmem:s16+$0xFFFFFFD0] =	vst v10  }
0x1a5: {  	v10 =	vld.idx.msk [tilespmem:v11+s5+$0x0], $0xffff;
	_ =	sdelay $0x5  }
0x1a6: {  	vm0 =	veq.s32 v10, v4;
	vm1 =	veq.s32 v10, v7  }
0x1a7: {  	v9 =	vnsel vm0, $0x0, v9;
	v10 =	vnsel vm1, $0x0, v12  }
0x1a8: {  	v9 =	vadd.f32 v10, v9;
	_ =	sdelay $0x1  }
0x1a9: {  	[tilespmem:s17+$0xFFFFFFE0] =	vst v9  }
0x1aa: {  	v9 =	vld [tilespmem:s9+$0xFFFFFF80]  }
0x1ab: {  	v10 =	vld [tilespmem:s0+$0xFFFFFF80];
	_ =	sdelay $0x4  }
0x1ac: {  	v9 =	vmul.f32 v10, v9;
	_ =	sdelay $0x1  }
0x1ad: {  	v10 =	vld [tilespmem:s0+$0xFFFFFF90];
	v11 =	vperm.xlane v9, v2  }
0x1ae: {  	v12 =	vld [tilespmem:s9+$0xFFFFFF90]  }
0x1af: {  	v9 =	vadd.f32 v11, v9;
	_ =	sdelay $0x1  }
0x1b0: {  	v11 =	vperm.xlane v9, v3;
	_ =	sdelay $0x1  }
0x1b1: {  	v9 =	vadd.f32 v11, v9;
	v10 =	vmul.f32 v10, v12;
	_ =	sdelay $0x1  }
0x1b2: {  	v11 =	vperm.xlane v9, v5;
	v12 =	vperm.xlane v10, v2;
	_ =	sdelay $0x1  }
0x1b3: {  	v9 =	vadd.f32 v11, v9;
	v10 =	vadd.f32 v12, v10;
	_ =	sdelay $0x1  }
0x1b4: {  	v11 =	vperm.xlane v9, v6;
	v12 =	vperm.xlane v10, v3;
	_ =	sdelay $0x1  }
0x1b5: {  	v9 =	vadd.f32 v11, v9;
	v10 =	vadd.f32 v12, v10;
	_ =	sdelay $0x1  }
0x1b6: {  	v9 =	vmul.f32 $1.442695020e+00, v9;
	v11 =	vperm.xlane v10, v5;
	_ =	sdelay $0x1  }
0x1b7: {  	v10 =	vadd.f32 v11, v10;
	(erf) = vpow2.f32 v9;
	_ =	sdelay $0x1  }
0x1b8: {  	v9 =	vperm.xlane v10, v6;
	_ =	sdelay $0x1  }
0x1b9: {  	v9 =	vadd.f32 v9, v10  }
0x1ba: {  	v10 =	vld [tilespmem:s0+$0xFFFFFFA0]  }
0x1bb: {  	v11 =	vmul.f32 $1.442695020e+00, v9;
	_ =	sdelay $0x1  }
0x1bc: {  	(erf) = vpow2.f32 v11  }
0x1bd: {  	v9 =	vpop (erf)  }
0x1be: {  	v10 =	vmul.f32 v10, v9;
	_ =	sdelay $0x1  }
0x1bf: {  	s21 =	sadd.s32 $0xFFFFFFFE, s25;
	[tilespmem:s16+$0xFFFFFFE0] =	vst v10  }
0x1c0: {  	v11 =	vmov s21;
	v10 =	vld [tilespmem:s0+$0xFFFFFFB0]  }
0x1c1: {  	v11 =	vand.u32 $0xFFFFFFFD, v11  }
0x1c2: {  	v11 =	vbroadcast v11, $0x0;
	_ =	sdelay $0x1  }
0x1c3: {  	v12 =	vpop (erf)  }
0x1c4: {  	v10 =	vmul.f32 v12, v10;
	_ =	sdelay $0x1  }
0x1c5: {  	[tilespmem:s16+$0xFFFFFFF0] =	vst v10  }
0x1c6: {  	v10 =	vld.idx.msk [tilespmem:v11+s5+$0x0], $0xffff;
	_ =	sdelay $0x5  }
0x1c7: {  	vm0 =	veq.s32 v10, v4;
	vm1 =	veq.s32 v10, v7  }
0x1c8: {  	v9 =	vnsel vm0, $0x0, v9;
	v10 =	vnsel vm1, $0x0, v12  }
0x1c9: {  	v9 =	vadd.f32 v10, v9;
	_ =	sdelay $0x1  }
0x1ca: {  	[tilespmem:s17+$0xFFFFFFF0] =	vst v9  }
0x1cb: {  	v9 =	vld [tilespmem:s9+$0x0]  }
0x1cc: {  	v10 =	vld [tilespmem:s0+$0x0];
	_ =	sdelay $0x4  }
0x1cd: {  	v9 =	vmul.f32 v10, v9;
	_ =	sdelay $0x1  }
0x1ce: {  	v10 =	vld [tilespmem:s0+$0x10];
	v11 =	vperm.xlane v9, v2  }
0x1cf: {  	v12 =	vld [tilespmem:s9+$0x10]  }
0x1d0: {  	v9 =	vadd.f32 v11, v9;
	_ =	sdelay $0x1  }
0x1d1: {  	v11 =	vperm.xlane v9, v3;
	_ =	sdelay $0x1  }
0x1d2: {  	v9 =	vadd.f32 v11, v9;
	v10 =	vmul.f32 v10, v12;
	_ =	sdelay $0x1  }
0x1d3: {  	v11 =	vperm.xlane v9, v5;
	v12 =	vperm.xlane v10, v2;
	_ =	sdelay $0x1  }
0x1d4: {  	v9 =	vadd.f32 v11, v9;
	v10 =	vadd.f32 v12, v10;
	_ =	sdelay $0x1  }
0x1d5: {  	v11 =	vperm.xlane v9, v6;
	v12 =	vperm.xlane v10, v3;
	_ =	sdelay $0x1  }
0x1d6: {  	v9 =	vadd.f32 v11, v9;
	v10 =	vadd.f32 v12, v10;
	_ =	sdelay $0x1  }
0x1d7: {  	v9 =	vmul.f32 $1.442695020e+00, v9;
	v11 =	vperm.xlane v10, v5;
	_ =	sdelay $0x1  }
0x1d8: {  	v10 =	vadd.f32 v11, v10;
	(erf) = vpow2.f32 v9;
	_ =	sdelay $0x1  }
0x1d9: {  	v9 =	vperm.xlane v10, v6;
	_ =	sdelay $0x1  }
0x1da: {  	v9 =	vadd.f32 v9, v10  }
0x1db: {  	v10 =	vld [tilespmem:s0+$0x20]  }
0x1dc: {  	v11 =	vmul.f32 $1.442695020e+00, v9;
	_ =	sdelay $0x1  }
0x1dd: {  	(erf) = vpow2.f32 v11  }
0x1de: {  	v9 =	vpop (erf)  }
0x1df: {  	v10 =	vmul.f32 v10, v9;
	_ =	sdelay $0x1  }
0x1e0: {  	s21 =	sadd.s32 $0xFFFFFFFF, s25;
	[tilespmem:s16+$0x0] =	vst v10  }
0x1e1: {  	v11 =	vmov s21;
	v10 =	vld [tilespmem:s0+$0x30]  }
0x1e2: {  	v11 =	vand.u32 $0xFFFFFFFE, v11  }
0x1e3: {  	v11 =	vbroadcast v11, $0x0;
	_ =	sdelay $0x1  }
0x1e4: {  	v12 =	vpop (erf)  }
0x1e5: {  	v10 =	vmul.f32 v12, v10;
	_ =	sdelay $0x1  }
0x1e6: {  	[tilespmem:s16+$0x10] =	vst v10  }
0x1e7: {  	v10 =	vld.idx.msk [tilespmem:v11+s5+$0x0], $0xffff;
	_ =	sdelay $0x5  }
0x1e8: {  	vm0 =	veq.s32 v10, v4;
	vm1 =	veq.s32 v10, v7  }
0x1e9: {  	v9 =	vnsel vm0, $0x0, v9;
	v10 =	vnsel vm1, $0x0, v12  }
0x1ea: {  	v9 =	vadd.f32 v10, v9;
	_ =	sdelay $0x1  }
0x1eb: {  	[tilespmem:s17+$0x0] =	vst v9  }
0x1ec: {  	v12 =	vld [tilespmem:s9+$0x80]  }
0x1ed: {  	v13 =	vld [tilespmem:s0+$0x80]  }
.Ltmp2:
0x1ee: {  	v10 =	vld [tilespmem:s9+$0x90];
	(pc) =	sbr.rel @p1 .LBB2_8-.Ltmp2, $3  }
0x1ef: {  	v11 =	vld [tilespmem:s0+$0x90]  }
0x1f0: {  	v9 =	vld [tilespmem:s0+$0xA0];
	_ =	sdelay $0x1  }
0x1f1: {  	s0 =	sadd.s32 $0x200, s0;
	v12 =	vmul.f32 v13, v12  }
0x1f2: {  	_ = 	snop  }
0x1f3: {  	v13 =	vperm.xlane v12, v2;
	_ =	sdelay $0x1  }
0x1f4: {  	v12 =	vadd.f32 v13, v12;
	_ =	sdelay $0x1  }
0x1f5: {  	v13 =	vperm.xlane v12, v3  }
0x1f6: {  	v10 =	vmul.f32 v11, v10  }
0x1f7: {  	v11 =	vadd.f32 v13, v12  }
0x1f8: {  	v12 =	vperm.xlane v10, v2  }
0x1f9: {  	v13 =	vperm.xlane v11, v5  }
0x1fa: {  	v10 =	vadd.f32 v12, v10  }
0x1fb: {  	v11 =	vadd.f32 v13, v11  }
0x1fc: {  	v12 =	vperm.xlane v10, v3  }
0x1fd: {  	v13 =	vperm.xlane v11, v6  }
0x1fe: {  	v10 =	vadd.f32 v12, v10  }
0x1ff: {  	v11 =	vadd.f32 v13, v11  }
0x200: {  	v12 =	vperm.xlane v10, v5  }
0x201: {  	v11 =	vmul.f32 $1.442695020e+00, v11  }
0x202: {  	v10 =	vadd.f32 v12, v10  }
0x203: {  	(erf) = vpow2.f32 v11  }
0x204: {  	v11 =	vperm.xlane v10, v6;
	_ =	sdelay $0x1  }
0x205: {  	v10 =	vadd.f32 v11, v10;
	_ =	sdelay $0x1  }
0x206: {  	v10 =	vmul.f32 $1.442695020e+00, v10;
	_ =	sdelay $0x2  }
0x207: {  	(erf) = vpow2.f32 v10  }
0x208: {  	v10 =	vpop (erf)  }
0x209: {  	v9 =	vmul.f32 v9, v10;
	_ =	sdelay $0x1  }
0x20a: {  	[tilespmem:s19+$0x20] =	vst v9  }
0x20b: {  	v9 =	vld [tilespmem:s1+$0xB0];
	_ =	sdelay $0x2  }
0x20c: {  	v11 =	vmov s25  }
0x20d: {  	v12 =	vpop (erf)  }
0x20e: {  	v9 =	vmul.f32 v12, v9;
	_ =	sdelay $0x1  }
0x20f: {  	[tilespmem:s19+$0x30] =	vst v9  }
0x210: {  	v9 =	vld.idx.msk [tilespmem:v11+s5+$0x0], $0xffff;
	_ =	sdelay $0x4  }
0x211: {  	vm0 =	veq.s32 v9, v4;
	vm1 =	veq.s32 v9, v7  }
0x212: {  	v9 =	vnsel vm0, $0x0, v10;
	v10 =	vnsel vm1, $0x0, v12  }
0x213: {  	v9 =	vadd.f32 v10, v9;
	_ =	sdelay $0x1  }
0x214: {  	s0 =	rddreg [dreg:$0x2];
	s16 =	simm.s32 $0xD280;
	s9 =	simm.s32 $0x1B600;
	[tilespmem:s18+$0x10] =	vst v9  }
0x215: {  	[spmem:s0] =	stream.indirect.scatter.add.f32 [tilespmem:s9], [sflag:$0x9], $0x20, s16, s13, $0xb8;
	[tilespmem:$0x1E610] =	vst v63  }
0x216: {  	_ =	swait.ge [sflag:s30], $0xE00  }
0x217: {  	s17 =	smin.u32 s23, $0x1BC;
	[sflag:s30] =	ssyncset.done $0x0  }
0x218: {  	s19 =	simm.s32 $0x1C400;
	s18 =	simm.s32 $0xD1A0;
	[sflag:s30] =	ssyncadd.s32 $0xFFFFF200  }
0x219: {  	[spmem:s3] =	stream.indirect.scatter.add.f32 [tilespmem:s19], [sflag:$0x9], $0x10, s18, s13, $0xb8;
	[tilespmem:$0x1E610] =	vst v63  }
0x21a: {  	s0 =	smul.u32 $0x70, s17;
	_ =	swait.ge [sflag:s30], $0x700  }
0x21b: {  	s20 =	rddreg [dreg:$0xc]  }
0x21c: {  	s0 =	sadd.s32 s0, s20  }
0x21d: {  	[sflag:s30] =	ssyncset.done $0x0;
	s0 =	sshrl.u32 s0, $0x3  }
0x21e: {  	s23 =	simm.s32 $0xD2F0;
	[sflag:s30] =	ssyncadd.s32 $0xFFFFF900;
	s21 =	sadd.s32 s2, s0  }
0x21f: {  	[tilespmem:s23], [sflag:$0x5] =	stream.linear.gather [hbm4b:s21+s4], $0x70, $0x38;
	[tilespmem:$0x1E610] =	vst v63  }
0x220: {  	s25 =	smov.u32 s2;
	s0 =	sadd.s32 s8, s0;
	s2 =	simm.s32 $0xD360  }
0x221: {  	[tilespmem:s2], [sflag:$0x6] =	stream.linear.gather [hbm4b:s0+s4], $0x70, $0x38;
	[tilespmem:$0x1E610] =	vst v63  }
0x222: {  	_ =	swait.ge [sflag:s11], $0x70  }
0x223: {  	[sflag:s11] =	ssyncset.done $0x0  }
0x224: {  	[sflag:s11] =	ssyncadd.s32 $0xFFFFFF90  }
0x225: {  	_ =	swait.ge [sflag:s12], $0x70  }
0x226: {  	[sflag:s12] =	ssyncset.done $0x0  }
0x227: {  	[sflag:s12] =	ssyncadd.s32 $0xFFFFFF90  }
0x228: {  	v9 =	vld [tilespmem:$0xCFE0]  }
0x229: {  	v10 =	vld [tilespmem:$0xD050];
	_ =	sdelay $0x3  }
0x22a: {  	v12 =	vld [tilespmem:$0xCFF0];
	v11 =	vadd.s32 v0, v9  }
0x22b: {  	v10 =	vadd.s32 v0, v10;
	v9 =	vsub.s32 v9, v8;
	[tilespmem:$0xD0C0] =	vst v11;
	v11 =	vld [tilespmem:$0xD060]  }
0x22c: {  	[tilespmem:$0xD130] =	vst v10;
	v9 =	vmin.u32 v9, $0x61A8  }
0x22d: {  	[tilespmem:$0xD280] =	vst v9;
	v10 =	vshrl.u32 v9, $0x3;
	v9 =	vshll.u32 v9, $0x1  }
0x22e: {  	[tilespmem:$0xD1A0] =	vst v10;
	v9 =	vand.u32 $0xE, v9  }
0x22f: {  	v10 =	vld [tilespmem:$0xD000];
	[tilespmem:$0xD210] =	vst v9;
	v9 =	vadd.s32 v0, v12  }
0x230: {  	[tilespmem:$0xD0D0] =	vst v9;
	v9 =	vadd.s32 v0, v11;
	v11 =	vsub.s32 v12, v8;
	v12 =	vld [tilespmem:$0xD070]  }
0x231: {  	[tilespmem:$0xD140] =	vst v9;
	v9 =	vmin.u32 v11, $0x61A8  }
0x232: {  	[tilespmem:$0xD290] =	vst v9;
	v11 =	vshrl.u32 v9, $0x3;
	v9 =	vshll.u32 v9, $0x1  }
0x233: {  	[tilespmem:$0xD1B0] =	vst v11;
	v9 =	vand.u32 $0xE, v9  }
0x234: {  	v11 =	vld [tilespmem:$0xD010];
	[tilespmem:$0xD220] =	vst v9;
	v9 =	vadd.s32 v0, v10  }
0x235: {  	v10 =	vsub.s32 v10, v8;
	[tilespmem:$0xD0E0] =	vst v9;
	v9 =	vadd.s32 v0, v12;
	v12 =	vld [tilespmem:$0xD080]  }
0x236: {  	[tilespmem:$0xD150] =	vst v9;
	v9 =	vmin.u32 v10, $0x61A8  }
0x237: {  	[tilespmem:$0xD2A0] =	vst v9;
	v10 =	vshrl.u32 v9, $0x3;
	v9 =	vshll.u32 v9, $0x1  }
0x238: {  	[tilespmem:$0xD1C0] =	vst v10;
	v9 =	vand.u32 $0xE, v9  }
0x239: {  	v10 =	vld [tilespmem:$0xD020];
	[tilespmem:$0xD230] =	vst v9;
	v9 =	vadd.s32 v0, v11  }
0x23a: {  	v11 =	vsub.s32 v11, v8;
	[tilespmem:$0xD0F0] =	vst v9;
	v9 =	vadd.s32 v0, v12;
	v12 =	vld [tilespmem:$0xD090]  }
0x23b: {  	[tilespmem:$0xD160] =	vst v9;
	v9 =	vmin.u32 v11, $0x61A8  }
0x23c: {  	[tilespmem:$0xD2B0] =	vst v9;
	v11 =	vshrl.u32 v9, $0x3;
	v9 =	vshll.u32 v9, $0x1  }
0x23d: {  	[tilespmem:$0xD1D0] =	vst v11;
	v9 =	vand.u32 $0xE, v9  }
0x23e: {  	v11 =	vld [tilespmem:$0xD030];
	[tilespmem:$0xD240] =	vst v9;
	v9 =	vadd.s32 v0, v10  }
0x23f: {  	v10 =	vsub.s32 v10, v8;
	[tilespmem:$0xD100] =	vst v9;
	v9 =	vadd.s32 v0, v12;
	v12 =	vld [tilespmem:$0xD0A0]  }
0x240: {  	[tilespmem:$0xD170] =	vst v9;
	v9 =	vmin.u32 v10, $0x61A8  }
0x241: {  	[tilespmem:$0xD2C0] =	vst v9;
	v10 =	vshrl.u32 v9, $0x3;
	v9 =	vshll.u32 v9, $0x1  }
0x242: {  	[tilespmem:$0xD1E0] =	vst v10;
	v9 =	vand.u32 $0xE, v9  }
0x243: {  	v10 =	vld [tilespmem:$0xD040];
	[tilespmem:$0xD250] =	vst v9;
	v9 =	vadd.s32 v0, v11  }
0x244: {  	v11 =	vsub.s32 v11, v8;
	[tilespmem:$0xD110] =	vst v9;
	v9 =	vadd.s32 v0, v12;
	v12 =	vld [tilespmem:$0xD0B0]  }
0x245: {  	[tilespmem:$0xD180] =	vst v9;
	v9 =	vmin.u32 v11, $0x61A8  }
0x246: {  	[tilespmem:$0xD2D0] =	vst v9;
	v11 =	vshrl.u32 v9, $0x3;
	v9 =	vshll.u32 v9, $0x1  }
0x247: {  	[tilespmem:$0xD1F0] =	vst v11;
	v9 =	vand.u32 $0xE, v9  }
0x248: {  	[tilespmem:$0xD260] =	vst v9;
	v9 =	vadd.s32 v0, v10  }
0x249: {  	v10 =	vsub.s32 v10, v8;
	[tilespmem:$0xD120] =	vst v9;
	v9 =	vadd.s32 v0, v12  }
0x24a: {  	[tilespmem:$0xD190] =	vst v9;
	v9 =	vmin.u32 v10, $0x61A8  }
0x24b: {  	[tilespmem:$0xD2E0] =	vst v9;
	v10 =	vshrl.u32 v9, $0x3;
	v9 =	vshll.u32 v9, $0x1  }
0x24c: {  	[tilespmem:$0xD200] =	vst v10;
	v9 =	vand.u32 $0xE, v9  }
0x24d: {  	s9 =	simm.s32 $0xD0C0;
	s16 =	simm.s32 $0xD600;
	[tilespmem:$0xD270] =	vst v9  }
0x24e: {  	[tilespmem:s16], [sflag:$0x3] =	stream.indirect.gather [hbm4b:s6+s13], $0x80, s9, s13, $0xb8;
	[tilespmem:$0x1E610] =	vst v63  }
0x24f: {  	s17 =	simm.s32 $0xD130;
	s18 =	simm.s32 $0x10E00  }
0x250: {  	[tilespmem:s18], [sflag:$0x4] =	stream.indirect.gather [hbm4b:s7+s13], $0x80, s17, s13, $0xb8;
	[tilespmem:$0x1E610] =	vst v63  }
0x251: {  	_ =	swait.ge [sflag:s24], $0x3800  }
0x252: {  	[sflag:s24] =	ssyncset.done $0x0  }
0x253: {  	[sflag:s24] =	ssyncadd.s32 $0xFFFFC800  }
0x254: {  	_ =	swait.ge [sflag:s14], $0x3800  }
0x255: {  	[sflag:s14] =	ssyncset.done $0x0  }
0x256: {  	s1 =	simm.s32 $0x14700;
	[sflag:s14] =	ssyncadd.s32 $0xFFFFC800  }
0x257: {  	s23 =	simm.s32 $0x17F00;
	v9 =	vld [tilespmem:s1+$0xFFFFFF00]  }
0x258: {  	v10 =	vld [tilespmem:s23+$0xFFFFFF00];
	_ =	sdelay $0x4  }
0x259: {  	v9 =	vmul.f32 v10, v9  }
0x25a: {  	v12 =	vld [tilespmem:s1+$0xFFFFFF10]  }
0x25b: {  	v10 =	vld [tilespmem:s23+$0xFFFFFF10];
	v11 =	vperm.xlane v9, v2;
	_ =	sdelay $0x1  }
0x25c: {  	v9 =	vadd.f32 v11, v9;
	_ =	sdelay $0x1  }
0x25d: {  	v11 =	vperm.xlane v9, v3  }
0x25e: {  	v10 =	vmul.f32 v10, v12  }
0x25f: {  	v9 =	vadd.f32 v11, v9  }
0x260: {  	v11 =	vperm.xlane v10, v2  }
0x261: {  	v12 =	vperm.xlane v9, v5  }
0x262: {  	v10 =	vadd.f32 v11, v10  }
0x263: {  	v9 =	vadd.f32 v12, v9  }
0x264: {  	v11 =	vperm.xlane v10, v3  }
0x265: {  	v12 =	vperm.xlane v9, v6  }
0x266: {  	v10 =	vadd.f32 v11, v10  }
0x267: {  	v9 =	vadd.f32 v12, v9  }
0x268: {  	v11 =	vperm.xlane v10, v5  }
0x269: {  	v9 =	vmul.f32 $1.442695020e+00, v9  }
0x26a: {  	v10 =	vadd.f32 v11, v10  }
0x26b: {  	(erf) = vpow2.f32 v9  }
0x26c: {  	v9 =	vperm.xlane v10, v6;
	_ =	sdelay $0x1  }
0x26d: {  	v9 =	vadd.f32 v9, v10;
	_ =	sdelay $0x1  }
0x26e: {  	v10 =	vld [tilespmem:s23+$0xFFFFFF20];
	v9 =	vmul.f32 $1.442695020e+00, v9;
	_ =	sdelay $0x2  }
0x26f: {  	(erf) = vpow2.f32 v9  }
0x270: {  	v9 =	vpop (erf)  }
0x271: {  	v10 =	vmul.f32 v10, v9  }
0x272: {  	s9 =	simm.s32 $0x1B640  }
0x273: {  	s19 =	simm.s32 $0x0;
	[tilespmem:s9+$0xFFFFFFC0] =	vst v10  }
0x274: {  	v11 =	vmov s19;
	v10 =	vld [tilespmem:s23+$0xFFFFFF30]  }
0x275: {  	v11 =	vand.u32 $0xFFFFFFFC, v11  }
0x276: {  	v11 =	vbroadcast v11, $0x0;
	_ =	sdelay $0x1  }
0x277: {  	v12 =	vpop (erf)  }
0x278: {  	v10 =	vmul.f32 v12, v10;
	_ =	sdelay $0x1  }
0x279: {  	[tilespmem:s9+$0xFFFFFFD0] =	vst v10  }
0x27a: {  	v10 =	vld.idx.msk [tilespmem:v11+s15+$0x0], $0xffff;
	_ =	sdelay $0x4  }
0x27b: {  	vm10 =	veq.s32 v10, v4;
	vm11 =	veq.s32 v10, v7  }
0x27c: {  	v9 =	vnsel vm10, $0x0, v9;
	v10 =	vnsel vm11, $0x0, v12  }
0x27d: {  	v9 =	vadd.f32 v10, v9  }
0x27e: {  	s16 =	simm.s32 $0x1C420  }
0x27f: {  	[tilespmem:s16+$0xFFFFFFE0] =	vst v9  }
0x280: {  	v9 =	vld [tilespmem:s1+$0xFFFFFF80]  }
0x281: {  	v10 =	vld [tilespmem:s23+$0xFFFFFF80];
	_ =	sdelay $0x4  }
0x282: {  	v9 =	vmul.f32 v10, v9  }
0x283: {  	v12 =	vld [tilespmem:s1+$0xFFFFFF90]  }
0x284: {  	v10 =	vld [tilespmem:s23+$0xFFFFFF90];
	v11 =	vperm.xlane v9, v2;
	_ =	sdelay $0x1  }
0x285: {  	v9 =	vadd.f32 v11, v9;
	_ =	sdelay $0x1  }
0x286: {  	v11 =	vperm.xlane v9, v3  }
0x287: {  	v10 =	vmul.f32 v10, v12  }
0x288: {  	v9 =	vadd.f32 v11, v9  }
0x289: {  	v12 =	vperm.xlane v10, v2  }
0x28a: {  	v11 =	vperm.xlane v9, v5  }
0x28b: {  	v10 =	vadd.f32 v12, v10  }
0x28c: {  	v9 =	vadd.f32 v11, v9  }
0x28d: {  	v12 =	vperm.xlane v10, v3  }
0x28e: {  	v11 =	vperm.xlane v9, v6  }
0x28f: {  	v10 =	vadd.f32 v12, v10  }
0x290: {  	v9 =	vadd.f32 v11, v9  }
0x291: {  	v11 =	vperm.xlane v10, v5  }
0x292: {  	v9 =	vmul.f32 $1.442695020e+00, v9  }
0x293: {  	v10 =	vadd.f32 v11, v10  }
0x294: {  	(erf) = vpow2.f32 v9  }
0x295: {  	v9 =	vperm.xlane v10, v6;
	_ =	sdelay $0x1  }
0x296: {  	v9 =	vadd.f32 v9, v10;
	_ =	sdelay $0x1  }
0x297: {  	v10 =	vld [tilespmem:s23+$0xFFFFFFA0];
	v9 =	vmul.f32 $1.442695020e+00, v9;
	_ =	sdelay $0x2  }
0x298: {  	(erf) = vpow2.f32 v9  }
0x299: {  	v9 =	vpop (erf)  }
0x29a: {  	v10 =	vmul.f32 v10, v9;
	_ =	sdelay $0x1  }
0x29b: {  	s20 =	simm.s32 $0x1;
	[tilespmem:s9+$0xFFFFFFE0] =	vst v10  }
0x29c: {  	v11 =	vmov s20;
	v10 =	vld [tilespmem:s23+$0xFFFFFFB0]  }
0x29d: {  	v11 =	vand.u32 $0xFFFFFFFD, v11  }
0x29e: {  	v11 =	vbroadcast v11, $0x0;
	_ =	sdelay $0x1  }
0x29f: {  	v12 =	vpop (erf)  }
0x2a0: {  	v10 =	vmul.f32 v12, v10;
	_ =	sdelay $0x1  }
0x2a1: {  	[tilespmem:s9+$0xFFFFFFF0] =	vst v10  }
0x2a2: {  	v10 =	vld.idx.msk [tilespmem:v11+s15+$0x0], $0xffff;
	_ =	sdelay $0x4  }
0x2a3: {  	vm12 =	veq.s32 v10, v4;
	vm13 =	veq.s32 v10, v7  }
0x2a4: {  	v9 =	vnsel vm12, $0x0, v9;
	v10 =	vnsel vm13, $0x0, v12  }
0x2a5: {  	v9 =	vadd.f32 v10, v9;
	_ =	sdelay $0x1  }
0x2a6: {  	[tilespmem:s16+$0xFFFFFFF0] =	vst v9  }
0x2a7: {  	v9 =	vld [tilespmem:s1+$0x0]  }
0x2a8: {  	v10 =	vld [tilespmem:s23+$0x0];
	_ =	sdelay $0x4  }
0x2a9: {  	v9 =	vmul.f32 v10, v9  }
0x2aa: {  	v12 =	vld [tilespmem:s1+$0x10]  }
0x2ab: {  	v10 =	vld [tilespmem:s23+$0x10];
	v11 =	vperm.xlane v9, v2;
	_ =	sdelay $0x1  }
0x2ac: {  	v9 =	vadd.f32 v11, v9;
	_ =	sdelay $0x1  }
0x2ad: {  	v11 =	vperm.xlane v9, v3  }
0x2ae: {  	v10 =	vmul.f32 v10, v12  }
0x2af: {  	v9 =	vadd.f32 v11, v9  }
0x2b0: {  	v12 =	vperm.xlane v10, v2  }
0x2b1: {  	v11 =	vperm.xlane v9, v5  }
0x2b2: {  	v10 =	vadd.f32 v12, v10  }
0x2b3: {  	v9 =	vadd.f32 v11, v9  }
0x2b4: {  	v12 =	vperm.xlane v10, v3  }
0x2b5: {  	v11 =	vperm.xlane v9, v6  }
0x2b6: {  	v10 =	vadd.f32 v12, v10  }
0x2b7: {  	v9 =	vadd.f32 v11, v9  }
0x2b8: {  	v11 =	vperm.xlane v10, v5  }
0x2b9: {  	v9 =	vmul.f32 $1.442695020e+00, v9  }
0x2ba: {  	v10 =	vadd.f32 v11, v10  }
0x2bb: {  	(erf) = vpow2.f32 v9  }
0x2bc: {  	v9 =	vperm.xlane v10, v6;
	_ =	sdelay $0x1  }
0x2bd: {  	v9 =	vadd.f32 v9, v10;
	_ =	sdelay $0x1  }
0x2be: {  	v10 =	vld [tilespmem:s23+$0x20];
	v9 =	vmul.f32 $1.442695020e+00, v9;
	_ =	sdelay $0x2  }
0x2bf: {  	(erf) = vpow2.f32 v9  }
0x2c0: {  	v9 =	vpop (erf)  }
0x2c1: {  	v10 =	vmul.f32 v10, v9;
	_ =	sdelay $0x1  }
0x2c2: {  	s21 =	simm.s32 $0x2;
	[tilespmem:s9+$0x0] =	vst v10  }
0x2c3: {  	v11 =	vmov s21;
	v10 =	vld [tilespmem:s23+$0x30]  }
0x2c4: {  	v11 =	vand.u32 $0xFFFFFFFE, v11  }
0x2c5: {  	v11 =	vbroadcast v11, $0x0;
	_ =	sdelay $0x1  }
0x2c6: {  	v12 =	vpop (erf)  }
0x2c7: {  	v10 =	vmul.f32 v12, v10;
	_ =	sdelay $0x1  }
0x2c8: {  	[tilespmem:s9+$0x10] =	vst v10  }
0x2c9: {  	v10 =	vld.idx.msk [tilespmem:v11+s15+$0x0], $0xffff;
	_ =	sdelay $0x4  }
0x2ca: {  	vm14 =	veq.s32 v10, v4;
	vm15 =	veq.s32 v10, v7  }
0x2cb: {  	v9 =	vnsel vm14, $0x0, v9;
	v10 =	vnsel vm15, $0x0, v12  }
0x2cc: {  	v9 =	vadd.f32 v10, v9;
	_ =	sdelay $0x1  }
0x2cd: {  	[tilespmem:s16+$0x0] =	vst v9  }
0x2ce: {  	v12 =	vld [tilespmem:s1+$0x80]  }
0x2cf: {  	v13 =	vld [tilespmem:s23+$0x80];
	_ =	sdelay $0x2  }
0x2d0: {  	v10 =	vld [tilespmem:s1+$0x90]  }
0x2d1: {  	s0 =	simm.s32 $0x18100;
	s18 =	simm.s32 $0x3;
	v11 =	vld [tilespmem:s23+$0x90]  }
0x2d2: {  	s17 =	simm.s32 $0x1C420;
	s19 =	simm.s32 $0x1B640;
	s20 =	simm.s32 $0x7;
	v9 =	vld [tilespmem:s23+$0xA0];
	v12 =	vmul.f32 v13, v12  }
.LBB2_10:
0x2d3: {  	s9 =	sadd.s32 $0x80, s9;
	s16 =	sadd.s32 $0x40, s16;
	s1 =	sadd.s32 $0x200, s1  }
0x2d4: {  	p1 =	sne.s32 s20, $0x6F;
	s21 =	smov.u32 s20;
	s20 =	sadd.s32 $0x4, s20;
	v13 =	vperm.xlane v12, v2  }
0x2d5: {  	_ = 	snop  }
0x2d6: {  	v12 =	vadd.f32 v13, v12;
	_ =	sdelay $0x1  }
0x2d7: {  	v13 =	vperm.xlane v12, v3  }
0x2d8: {  	v10 =	vmul.f32 v11, v10  }
0x2d9: {  	v11 =	vadd.f32 v13, v12  }
0x2da: {  	v12 =	vperm.xlane v10, v2  }
0x2db: {  	v13 =	vperm.xlane v11, v5  }
0x2dc: {  	v10 =	vadd.f32 v12, v10  }
0x2dd: {  	v11 =	vadd.f32 v13, v11  }
0x2de: {  	v12 =	vperm.xlane v10, v3  }
0x2df: {  	v13 =	vperm.xlane v11, v6  }
0x2e0: {  	v10 =	vadd.f32 v12, v10  }
0x2e1: {  	v11 =	vadd.f32 v13, v11  }
0x2e2: {  	v12 =	vperm.xlane v10, v5  }
0x2e3: {  	v11 =	vmul.f32 $1.442695020e+00, v11  }
0x2e4: {  	v10 =	vadd.f32 v12, v10  }
0x2e5: {  	(erf) = vpow2.f32 v11  }
0x2e6: {  	v11 =	vperm.xlane v10, v6;
	_ =	sdelay $0x1  }
0x2e7: {  	v10 =	vadd.f32 v11, v10;
	_ =	sdelay $0x1  }
0x2e8: {  	v10 =	vmul.f32 $1.442695020e+00, v10;
	_ =	sdelay $0x1  }
0x2e9: {  	(erf) = vpow2.f32 v10;
	_ =	sdelay $0x1  }
0x2ea: {  	v10 =	vpop (erf)  }
0x2eb: {  	v9 =	vmul.f32 v9, v10;
	_ =	sdelay $0x1  }
0x2ec: {  	[tilespmem:s19+$0x20] =	vst v9  }
0x2ed: {  	v9 =	vld [tilespmem:s23+$0xB0];
	s23 =	smov.u32 s0;
	_ =	sdelay $0x1  }
0x2ee: {  	v11 =	vmov s18;
	s18 =	smov.u32 s21  }
0x2ef: {  	v12 =	vpop (erf);
	_ =	sdelay $0x1  }
0x2f0: {  	v9 =	vmul.f32 v12, v9;
	_ =	sdelay $0x1  }
0x2f1: {  	[tilespmem:s19+$0x30] =	vst v9;
	s19 =	smov.u32 s9  }
0x2f2: {  	v9 =	vld.idx.msk [tilespmem:v11+s15+$0x0], $0xffff;
	_ =	sdelay $0x5  }
0x2f3: {  	vm0 =	veq.s32 v9, v4;
	vm1 =	veq.s32 v9, v7  }
0x2f4: {  	v9 =	vnsel vm0, $0x0, v10;
	v10 =	vnsel vm1, $0x0, v12  }
0x2f5: {  	v9 =	vadd.f32 v10, v9;
	_ =	sdelay $0x1  }
0x2f6: {  	[tilespmem:s17+$0x10] =	vst v9;
	s17 =	smov.u32 s16  }
0x2f7: {  	v9 =	vld [tilespmem:s1+$0xFFFFFF00]  }
0x2f8: {  	v10 =	vld [tilespmem:s0+$0xFFFFFF00];
	_ =	sdelay $0x4  }
0x2f9: {  	v9 =	vmul.f32 v10, v9  }
0x2fa: {  	v10 =	vld [tilespmem:s0+$0xFFFFFF10]  }
0x2fb: {  	v11 =	vld [tilespmem:s1+$0xFFFFFF10];
	v12 =	vperm.xlane v9, v2;
	_ =	sdelay $0x1  }
0x2fc: {  	v9 =	vadd.f32 v12, v9;
	_ =	sdelay $0x1  }
0x2fd: {  	v12 =	vperm.xlane v9, v3  }
0x2fe: {  	v10 =	vmul.f32 v10, v11  }
0x2ff: {  	v9 =	vadd.f32 v12, v9  }
0x300: {  	v11 =	vperm.xlane v10, v2  }
0x301: {  	v12 =	vperm.xlane v9, v5  }
0x302: {  	v10 =	vadd.f32 v11, v10  }
0x303: {  	v9 =	vadd.f32 v12, v9  }
0x304: {  	v11 =	vperm.xlane v10, v3  }
0x305: {  	v12 =	vperm.xlane v9, v6  }
0x306: {  	v10 =	vadd.f32 v11, v10  }
0x307: {  	v9 =	vadd.f32 v12, v9  }
0x308: {  	v11 =	vperm.xlane v10, v5  }
0x309: {  	v9 =	vmul.f32 $1.442695020e+00, v9  }
0x30a: {  	v10 =	vadd.f32 v11, v10  }
0x30b: {  	(erf) = vpow2.f32 v9  }
0x30c: {  	v9 =	vperm.xlane v10, v6;
	_ =	sdelay $0x1  }
0x30d: {  	v9 =	vadd.f32 v9, v10;
	_ =	sdelay $0x1  }
0x30e: {  	v9 =	vmul.f32 $1.442695020e+00, v9;
	v10 =	vld [tilespmem:s0+$0xFFFFFF20];
	_ =	sdelay $0x2  }
0x30f: {  	(erf) = vpow2.f32 v9  }
0x310: {  	v9 =	vpop (erf)  }
0x311: {  	v10 =	vmul.f32 v10, v9;
	_ =	sdelay $0x1  }
0x312: {  	s21 =	sadd.s32 $0xFFFFFFFD, s18;
	[tilespmem:s9+$0xFFFFFFC0] =	vst v10  }
0x313: {  	v11 =	vmov s21;
	v10 =	vld [tilespmem:s0+$0xFFFFFF30]  }
0x314: {  	v11 =	vand.u32 $0xFFFFFFFC, v11  }
0x315: {  	v11 =	vbroadcast v11, $0x0;
	_ =	sdelay $0x1  }
0x316: {  	v12 =	vpop (erf)  }
0x317: {  	v10 =	vmul.f32 v12, v10;
	_ =	sdelay $0x1  }
0x318: {  	[tilespmem:s9+$0xFFFFFFD0] =	vst v10  }
0x319: {  	v10 =	vld.idx.msk [tilespmem:v11+s15+$0x0], $0xffff;
	_ =	sdelay $0x5  }
0x31a: {  	vm0 =	veq.s32 v10, v4;
	vm1 =	veq.s32 v10, v7  }
0x31b: {  	v9 =	vnsel vm0, $0x0, v9;
	v10 =	vnsel vm1, $0x0, v12  }
0x31c: {  	v9 =	vadd.f32 v10, v9;
	_ =	sdelay $0x1  }
0x31d: {  	[tilespmem:s16+$0xFFFFFFE0] =	vst v9  }
0x31e: {  	v9 =	vld [tilespmem:s1+$0xFFFFFF80]  }
0x31f: {  	v10 =	vld [tilespmem:s0+$0xFFFFFF80];
	_ =	sdelay $0x4  }
0x320: {  	v9 =	vmul.f32 v10, v9;
	_ =	sdelay $0x1  }
0x321: {  	v10 =	vld [tilespmem:s0+$0xFFFFFF90];
	v11 =	vperm.xlane v9, v2  }
0x322: {  	v12 =	vld [tilespmem:s1+$0xFFFFFF90]  }
0x323: {  	v9 =	vadd.f32 v11, v9;
	_ =	sdelay $0x1  }
0x324: {  	v11 =	vperm.xlane v9, v3;
	_ =	sdelay $0x1  }
0x325: {  	v9 =	vadd.f32 v11, v9;
	v10 =	vmul.f32 v10, v12;
	_ =	sdelay $0x1  }
0x326: {  	v11 =	vperm.xlane v9, v5;
	v12 =	vperm.xlane v10, v2;
	_ =	sdelay $0x1  }
0x327: {  	v9 =	vadd.f32 v11, v9;
	v10 =	vadd.f32 v12, v10;
	_ =	sdelay $0x1  }
0x328: {  	v11 =	vperm.xlane v9, v6;
	v12 =	vperm.xlane v10, v3;
	_ =	sdelay $0x1  }
0x329: {  	v9 =	vadd.f32 v11, v9;
	v10 =	vadd.f32 v12, v10;
	_ =	sdelay $0x1  }
0x32a: {  	v9 =	vmul.f32 $1.442695020e+00, v9;
	v11 =	vperm.xlane v10, v5;
	_ =	sdelay $0x1  }
0x32b: {  	v10 =	vadd.f32 v11, v10;
	(erf) = vpow2.f32 v9;
	_ =	sdelay $0x1  }
0x32c: {  	v9 =	vperm.xlane v10, v6;
	_ =	sdelay $0x1  }
0x32d: {  	v9 =	vadd.f32 v9, v10  }
0x32e: {  	v10 =	vld [tilespmem:s0+$0xFFFFFFA0]  }
0x32f: {  	v11 =	vmul.f32 $1.442695020e+00, v9;
	_ =	sdelay $0x1  }
0x330: {  	(erf) = vpow2.f32 v11  }
0x331: {  	v9 =	vpop (erf)  }
0x332: {  	v10 =	vmul.f32 v10, v9;
	_ =	sdelay $0x1  }
0x333: {  	s21 =	sadd.s32 $0xFFFFFFFE, s18;
	[tilespmem:s9+$0xFFFFFFE0] =	vst v10  }
0x334: {  	v11 =	vmov s21;
	v10 =	vld [tilespmem:s0+$0xFFFFFFB0]  }
0x335: {  	v11 =	vand.u32 $0xFFFFFFFD, v11  }
0x336: {  	v11 =	vbroadcast v11, $0x0;
	_ =	sdelay $0x1  }
0x337: {  	v12 =	vpop (erf)  }
0x338: {  	v10 =	vmul.f32 v12, v10;
	_ =	sdelay $0x1  }
0x339: {  	[tilespmem:s9+$0xFFFFFFF0] =	vst v10  }
0x33a: {  	v10 =	vld.idx.msk [tilespmem:v11+s15+$0x0], $0xffff;
	_ =	sdelay $0x5  }
0x33b: {  	vm0 =	veq.s32 v10, v4;
	vm1 =	veq.s32 v10, v7  }
0x33c: {  	v9 =	vnsel vm0, $0x0, v9;
	v10 =	vnsel vm1, $0x0, v12  }
0x33d: {  	v9 =	vadd.f32 v10, v9;
	_ =	sdelay $0x1  }
0x33e: {  	[tilespmem:s16+$0xFFFFFFF0] =	vst v9  }
0x33f: {  	v9 =	vld [tilespmem:s1+$0x0]  }
0x340: {  	v10 =	vld [tilespmem:s0+$0x0];
	_ =	sdelay $0x4  }
0x341: {  	v9 =	vmul.f32 v10, v9;
	_ =	sdelay $0x1  }
0x342: {  	v10 =	vld [tilespmem:s0+$0x10];
	v11 =	vperm.xlane v9, v2  }
0x343: {  	v12 =	vld [tilespmem:s1+$0x10]  }
0x344: {  	v9 =	vadd.f32 v11, v9;
	_ =	sdelay $0x1  }
0x345: {  	v11 =	vperm.xlane v9, v3;
	_ =	sdelay $0x1  }
0x346: {  	v9 =	vadd.f32 v11, v9;
	v10 =	vmul.f32 v10, v12;
	_ =	sdelay $0x1  }
0x347: {  	v11 =	vperm.xlane v9, v5;
	v12 =	vperm.xlane v10, v2;
	_ =	sdelay $0x1  }
0x348: {  	v9 =	vadd.f32 v11, v9;
	v10 =	vadd.f32 v12, v10;
	_ =	sdelay $0x1  }
0x349: {  	v11 =	vperm.xlane v9, v6;
	v12 =	vperm.xlane v10, v3;
	_ =	sdelay $0x1  }
0x34a: {  	v9 =	vadd.f32 v11, v9;
	v10 =	vadd.f32 v12, v10;
	_ =	sdelay $0x1  }
0x34b: {  	v9 =	vmul.f32 $1.442695020e+00, v9;
	v11 =	vperm.xlane v10, v5;
	_ =	sdelay $0x1  }
0x34c: {  	v10 =	vadd.f32 v11, v10;
	(erf) = vpow2.f32 v9;
	_ =	sdelay $0x1  }
0x34d: {  	v9 =	vperm.xlane v10, v6;
	_ =	sdelay $0x1  }
0x34e: {  	v9 =	vadd.f32 v9, v10  }
0x34f: {  	v10 =	vld [tilespmem:s0+$0x20]  }
0x350: {  	v11 =	vmul.f32 $1.442695020e+00, v9;
	_ =	sdelay $0x1  }
0x351: {  	(erf) = vpow2.f32 v11  }
0x352: {  	v9 =	vpop (erf)  }
0x353: {  	v10 =	vmul.f32 v10, v9;
	_ =	sdelay $0x1  }
0x354: {  	s21 =	sadd.s32 $0xFFFFFFFF, s18;
	[tilespmem:s9+$0x0] =	vst v10  }
0x355: {  	v11 =	vmov s21;
	v10 =	vld [tilespmem:s0+$0x30]  }
0x356: {  	v11 =	vand.u32 $0xFFFFFFFE, v11  }
0x357: {  	v11 =	vbroadcast v11, $0x0;
	_ =	sdelay $0x1  }
0x358: {  	v12 =	vpop (erf)  }
0x359: {  	v10 =	vmul.f32 v12, v10;
	_ =	sdelay $0x1  }
0x35a: {  	[tilespmem:s9+$0x10] =	vst v10  }
0x35b: {  	v10 =	vld.idx.msk [tilespmem:v11+s15+$0x0], $0xffff;
	_ =	sdelay $0x5  }
0x35c: {  	vm0 =	veq.s32 v10, v4;
	vm1 =	veq.s32 v10, v7  }
0x35d: {  	v9 =	vnsel vm0, $0x0, v9;
	v10 =	vnsel vm1, $0x0, v12  }
0x35e: {  	v9 =	vadd.f32 v10, v9;
	_ =	sdelay $0x1  }
0x35f: {  	[tilespmem:s16+$0x0] =	vst v9  }
0x360: {  	v12 =	vld [tilespmem:s1+$0x80]  }
0x361: {  	v13 =	vld [tilespmem:s0+$0x80]  }
.Ltmp3:
0x362: {  	v10 =	vld [tilespmem:s1+$0x90];
	(pc) =	sbr.rel @p1 .LBB2_10-.Ltmp3, $3  }
0x363: {  	v11 =	vld [tilespmem:s0+$0x90]  }
0x364: {  	v9 =	vld [tilespmem:s0+$0xA0];
	_ =	sdelay $0x1  }
0x365: {  	s0 =	sadd.s32 $0x200, s0;
	v12 =	vmul.f32 v13, v12  }
0x366: {  	_ = 	snop  }
0x367: {  	v13 =	vperm.xlane v12, v2;
	_ =	sdelay $0x1  }
0x368: {  	v12 =	vadd.f32 v13, v12;
	_ =	sdelay $0x1  }
0x369: {  	v13 =	vperm.xlane v12, v3  }
0x36a: {  	v10 =	vmul.f32 v11, v10  }
0x36b: {  	v11 =	vadd.f32 v13, v12  }
0x36c: {  	v62 =	vperm.xlane v10, v2  }
0x36d: {  	v13 =	vperm.xlane v11, v5  }
0x36e: {  	v10 =	vadd.f32 v62, v10  }
0x36f: {  	v11 =	vadd.f32 v13, v11  }
0x370: {  	v12 =	vperm.xlane v10, v3  }
0x371: {  	v13 =	vperm.xlane v11, v6  }
0x372: {  	v10 =	vadd.f32 v12, v10  }
0x373: {  	v11 =	vadd.f32 v13, v11  }
0x374: {  	v12 =	vperm.xlane v10, v5  }
0x375: {  	v11 =	vmul.f32 $1.442695020e+00, v11  }
0x376: {  	v10 =	vadd.f32 v12, v10  }
0x377: {  	(erf) = vpow2.f32 v11  }
0x378: {  	v11 =	vperm.xlane v10, v6;
	_ =	sdelay $0x1  }
0x379: {  	v10 =	vadd.f32 v11, v10;
	_ =	sdelay $0x1  }
0x37a: {  	v10 =	vmul.f32 $1.442695020e+00, v10;
	_ =	sdelay $0x2  }
0x37b: {  	(erf) = vpow2.f32 v10  }
0x37c: {  	v10 =	vpop (erf)  }
0x37d: {  	v9 =	vmul.f32 v9, v10;
	_ =	sdelay $0x1  }
0x37e: {  	[tilespmem:s19+$0x20] =	vst v9  }
0x37f: {  	v9 =	vld [tilespmem:s23+$0xB0];
	_ =	sdelay $0x2  }
0x380: {  	v11 =	vmov s18  }
0x381: {  	v63 =	vpop (erf)  }
0x382: {  	v9 =	vmul.f32 v63, v9;
	_ =	sdelay $0x1  }
0x383: {  	[tilespmem:s19+$0x30] =	vst v9  }
0x384: {  	v9 =	vld.idx.msk [tilespmem:v11+s15+$0x0], $0xffff;
	_ =	sdelay $0x4  }
0x385: {  	vm0 =	veq.s32 v9, v4;
	vm1 =	veq.s32 v9, v7  }
0x386: {  	v9 =	vnsel vm0, $0x0, v10;
	v10 =	vnsel vm1, $0x0, v63  }
0x387: {  	v9 =	vadd.f32 v10, v9;
	_ =	sdelay $0x1  }
0x388: {  	s0 =	rddreg [dreg:$0x2];
	s1 =	simm.s32 $0x1B600;
	s2 =	simm.s32 $0xD590;
	[tilespmem:s17+$0x10] =	vst v9  }
0x389: {  	[spmem:s0] =	stream.indirect.scatter.add.f32 [tilespmem:s1], [sflag:$0x9], $0x20, s2, s13, $0xb8;
	[tilespmem:$0x1E610] =	vst v63  }
0x38a: {  	s22 =	sadd.s32 $0x1, s22;
	_ =	swait.ge [sflag:s30], $0xE00  }
0x38b: {  	s21 =	simm.s32 $0x1C400;
	p1 =	sne.s32 s22, $0xE0;
	[sflag:s30] =	ssyncset.done $0x0  }
.Ltmp4:
0x38c: {  	s23 =	simm.s32 $0xD4B0;
	[sflag:s30] =	ssyncadd.s32 $0xFFFFF200;
	(pc) =	sbr.rel @p1 .LBB2_7-.Ltmp4, $4  }
0x38d: {  	[spmem:s3] =	stream.indirect.scatter.add.f32 [tilespmem:s21], [sflag:$0x9], $0x10, s23, s13, $0xb8;
	[tilespmem:$0x1E610] =	vst v63  }
0x38e: {  	_ =	swait.ge [sflag:s30], $0x700  }
0x38f: {  	[sflag:s30] =	ssyncset.done $0x0  }
0x390: {  	[sflag:s30] =	ssyncadd.s32 $0xFFFFF900  }
0x391: {  	s0 =	simm.s32 $0x3  }
0x392: {  	_ =	swait.ge [sflag:s0], $0x3800  }
0x393: {  	[sflag:s0] =	ssyncset.done $0x0  }
0x394: {  	[sflag:s0] =	ssyncadd.s32 $0xFFFFC800  }
0x395: {  	_ =	swait.ge [sflag:s31], $0x3800  }
0x396: {  	[sflag:s31] =	ssyncset.done $0x0  }
0x397: {  	[sflag:s31] =	ssyncadd.s32 $0xFFFFC800  }
0x398: {  	_ =	swait.ge [sflag:s26], $0x70  }
0x399: {  	[sflag:s26] =	ssyncset.done $0x0  }
0x39a: {  	[sflag:s26] =	ssyncadd.s32 $0xFFFFFF90  }
0x39b: {  	_ =	swait.ge [sflag:s28], $0x70  }
0x39c: {  	[sflag:s28] =	ssyncset.done $0x0  }
0x39d: {  	[sflag:s28] =	ssyncadd.s32 $0xFFFFFF90  }
0x39e: {  	s1 =	simm.s32 $0x0;
	s0 =	simm.s32 $0x0;
	[bflag:$0x0] =	sbarrier.arrive $0xFFFF  }
.LBB2_13:
0x39f: {  	s9 =	sshll.u32 s1, $0x4;
	s2 =	stileid.u32  }
0x3a0: {  	s9 =	sor.u32 s2, s9  }
0x3a1: {  	s16 =	smul.u32 $0x1400, s9;
	_ =	sdelay $0x1  }
0x3a2: {  	s19 =	rddreg [dreg:$0x2];
	s16 =	sshra.s32 s16, $0x2  }
0x3a3: {  	s20 =	smul.u32 $0x140, s9;
	s16 =	sadd.s32 s16, s19  }
0x3a4: {  	[tilespmem:s29], [sflag:$0x9] =	stream.linear.gather [spmem:s16], $0x500, $0x38;
	[tilespmem:$0x1E610] =	vst v63  }
0x3a5: {  	_ =	swait.ge [sflag:s30], $0x500  }
0x3a6: {  	s16 =	sshra.s32 s20, $0x2;
	[sflag:s30] =	ssyncset.done $0x0  }
0x3a7: {  	s21 =	simm.s32 $0x1D000;
	s16 =	sadd.s32 s16, s3;
	[sflag:s30] =	ssyncadd.s32 $0xFFFFFB00  }
0x3a8: {  	[tilespmem:s21], [sflag:$0x9] =	stream.linear.gather [spmem:s16], $0x50, $0x38;
	[tilespmem:$0x1E610] =	vst v63  }
0x3a9: {  	_ =	swait.ge [sflag:s30], $0x50  }
0x3aa: {  	[sflag:s30] =	ssyncset.done $0x0  }
0x3ab: {  	s22 =	sand.u32 $0x70, s0;
	[sflag:s30] =	ssyncadd.s32 $0xFFFFFFB0  }
0x3ac: {  	v8 =	vld [tilespmem:s22+$0x1D000];
	_ =	sdelay $0x2  }
0x3ad: {  	s23 =	sand.u32 $0xE, s0  }
0x3ae: {  	v9 =	vmov s23  }
0x3af: {  	v10 =	vperm.xlane v8, v9;
	_ =	sdelay $0x1  }
0x3b0: {  	v10 =	vadd.f32 $9.999999710e-10, v10;
	_ =	sdelay $0x1  }
0x3b1: {  	(erf) = vrcp.f32 v10;
	_ =	sdelay $0x1  }
0x3b2: {  	v9 =	vor.u32 $0x1, v9  }
0x3b3: {  	v8 =	vperm.xlane v8, v9  }
0x3b4: {  	s17 =	simm.s32 $0x1CB10  }
0x3b5: {  	v9 =	vld [tilespmem:s17+$0xFFFFFFF0];
	v8 =	vadd.f32 $9.999999710e-10, v8;
	_ =	sdelay $0x2  }
0x3b6: {  	(erf) = vrcp.f32 v8  }
0x3b7: {  	v8 =	vpop (erf)  }
0x3b8: {  	v8 =	vmul.f32 v8, v9  }
0x3b9: {  	s19 =	simm.s32 $0x1D220  }
0x3ba: {  	[tilespmem:s19+$0xFFFFFFF0] =	vst v8  }
0x3bb: {  	v8 =	vld [tilespmem:s17+$0x0];
	_ =	sdelay $0x3  }
0x3bc: {  	v9 =	vpop (erf)  }
0x3bd: {  	s18 =	simm.s32 $0x2;
	s20 =	simm.s32 $0x4;
	s16 =	simm.s32 $0x1D2A0;
	v8 =	vmul.f32 v8, v9  }
.LBB2_14:
0x3be: {  	s21 =	sand.u32 $0x70, s18;
	s17 =	sadd.s32 $0x20, s17  }
0x3bf: {  	[tilespmem:s19+$0x0] =	vst v8;
	s22 =	smov.u32 s20;
	s23 =	sadd.s32 $0x2, s20;
	s19 =	smov.u32 s16  }
0x3c0: {  	p1 =	sne.s32 s20, $0x4E;
	v8 =	vld [tilespmem:s21+$0x1D000];
	_ =	sdelay $0x1  }
0x3c1: {  	s20 =	sand.u32 $0xE, s18;
	s18 =	smov.u32 s22  }
0x3c2: {  	v9 =	vmov s20  }
0x3c3: {  	v10 =	vor.u32 $0x1, v9  }
0x3c4: {  	v9 =	vperm.xlane v8, v9;
	v8 =	vperm.xlane v8, v10;
	_ =	sdelay $0x1  }
0x3c5: {  	v9 =	vadd.f32 $9.999999710e-10, v9;
	v8 =	vadd.f32 $9.999999710e-10, v8;
	_ =	sdelay $0x1  }
0x3c6: {  	(erf) = vrcp.f32 v9;
	_ =	sdelay $0x4  }
0x3c7: {  	v9 =	vld [tilespmem:s17+$0xFFFFFFF0];
	_ =	sdelay $0x2  }
0x3c8: {  	(erf) = vrcp.f32 v8  }
0x3c9: {  	v8 =	vpop (erf)  }
0x3ca: {  	v8 =	vmul.f32 v8, v9;
	_ =	sdelay $0x1  }
0x3cb: {  	[tilespmem:s16+$0xFFFFFFF0] =	vst v8  }
0x3cc: {  	v8 =	vld [tilespmem:s17+$0x0];
	_ =	sdelay $0x1  }
.Ltmp5:
0x3cd: {  	(pc) =	sbr.rel @p1 .LBB2_14-.Ltmp5, $4  }
0x3ce: {  	_ = 	snop  }
0x3cf: {  	v9 =	vpop (erf)  }
0x3d0: {  	v8 =	vmul.f32 v8, v9  }
0x3d1: {  	s20 =	smov.u32 s23;
	s16 =	sadd.s32 $0x80, s16  }
0x3d2: {  	s20 =	sand.u32 $0x70, s18;
	[tilespmem:s19+$0x0] =	vst v8  }
0x3d3: {  	v8 =	vld [tilespmem:s20+$0x1D000];
	_ =	sdelay $0x2  }
0x3d4: {  	s19 =	sand.u32 $0xE, s18  }
0x3d5: {  	v9 =	vmov s19  }
0x3d6: {  	v10 =	vperm.xlane v8, v9;
	_ =	sdelay $0x1  }
0x3d7: {  	v10 =	vadd.f32 $9.999999710e-10, v10;
	_ =	sdelay $0x1  }
0x3d8: {  	(erf) = vrcp.f32 v10;
	_ =	sdelay $0x1  }
0x3d9: {  	v9 =	vor.u32 $0x1, v9  }
0x3da: {  	v8 =	vperm.xlane v8, v9  }
0x3db: {  	s17 =	sadd.s32 $0x20, s17  }
0x3dc: {  	v62 =	vld [tilespmem:s17+$0xFFFFFFF0];
	v8 =	vadd.f32 $9.999999710e-10, v8;
	_ =	sdelay $0x2  }
0x3dd: {  	(erf) = vrcp.f32 v8  }
0x3de: {  	v8 =	vpop (erf)  }
0x3df: {  	v8 =	vmul.f32 v8, v62;
	_ =	sdelay $0x1  }
0x3e0: {  	[tilespmem:s16+$0xFFFFFFF0] =	vst v8  }
0x3e1: {  	v8 =	vld [tilespmem:s17+$0x0]  }
0x3e2: {  	s9 =	smul.u32 $0x28, s9  }
0x3e3: {  	s2 =	rddreg [dreg:$0x18]  }
0x3e4: {  	s9 =	sadd.s32 s2, s9  }
0x3e5: {  	s20 =	rddreg [dreg:$0xe];
	s9 =	sshll.u32 s9, $0x7;
	v63 =	vpop (erf)  }
0x3e6: {  	s9 =	sadd.s32 s20, s9;
	v8 =	vmul.f32 v8, v63  }
0x3e7: {  	s21 =	rddreg [dreg:$0x5];
	s9 =	sshrl.u32 s9, $0x3  }
0x3e8: {  	s22 =	simm.s32 $0x1D210;
	s9 =	sadd.s32 s21, s9;
	[tilespmem:s16+$0x0] =	vst v8  }
0x3e9: {  	[hbm4b:s9+s4] =	stream.linear.scatter [tilespmem:s22], [sflag:$0x9], $0x1400, $0x38;
	[tilespmem:$0x1E610] =	vst v63  }
0x3ea: {  	_ =	swait.ge [sflag:s30], $0x1400  }
0x3eb: {  	s1 =	sadd.s32 $0x1, s1;
	s23 =	rddreg [dreg:$0xd]  }
0x3ec: {  	p1 =	sne.s32 s1, s23  }
.Ltmp6:
0x3ed: {  	_ = 	snop;
	(pc) =	sbr.rel @p1 .LBB2_13-.Ltmp6, $3  }
0x3ee: {  	_ =	sdelay $0x1  }
0x3ef: {  	[sflag:s30] =	ssyncset.done $0x0  }
0x3f0: {  	[sflag:s30] =	ssyncadd.s32 $0xFFFFEC00  }
.Ltmp7:
0x3f1: {  	(pc) =	sbr.rel @p0 .LBB2_2-.Ltmp7, $3  }
0x3f2: {  	_ =	sdelay $0x1  }
0x3f3: {  	[bflag:$0x0] =	sbarrier.arrive $0xFFFF;
	s0 =	simm.s32 $0x61A8  }
0x3f4: {  	p1 =	por $0x0, $0x0;
	[dreg:$0x18] =	wrdreg s0  }
0x3f5: {  	s1 =	rddreg [dreg:$0x17]  }
0x3f6: {  	s0 =	rddreg [dreg:$0x13];
	s1 =	sadd.s32 $0x1, s1  }
0x3f7: {  	p0 =	sne.s32 s1, s0  }
.Ltmp8:
0x3f8: {  	_ = 	snop;
	(pc) =	sbr.rel @p0 .LBB2_1-.Ltmp8, $1  }
0x3f9: {  	_ =	sdelay $0x3  }
0x3fa: {  	_ =	sfence.sel $0x180000  }
0x3fb: {  	[bflag:$0x0] =	sbarrier.arrive $0xFFFF  }
0x3fc: {  	_ =	strace $0x90000047  }
0x3fd: {  	s0 =	stileid.u32;
	[bflag:$0x2] =	sbarrier.arrive $0xFFFF  }
0x3fe: {  	p0 =	sne.s32 s0, $0x0;
	s0 =	rddreg [dreg:$0x4]  }
0x3ff: {  	s0 =	sadd.s32 @!p0 $0x100000, s0  }
0x400: {  	[sflag:s0] =	ssyncadd.tile.s32 @!p0 $0x1;
	_ =	shalt  }
.Lfunc_end2:
_tile_overlayer_lowered:
.L_overlay_start_2:
0x401: {  	(tag) =	ssettag $0x2  }
0x402: {  	s0 =	rddreg [dreg:$0x0];
	s2 =	stileid.u32  }
0x403: {  	s1 =	rddreg [dreg:$0x1];
	p0 =	sne.s32 s2, $0x0  }
0x404: {  	s3 =	rddreg [dreg:$0x2];
	[bflag:$0x3] =	sbarrier.arrive $0xFFFF;
	s2 =	simm.s32 @!p0 $0x1C09  }
0x405: {  	[timem:s3], [sflag:s2] =	dma.local @!p0 [hbm:s0], s1  }
0x406: {  	s0 =	simm.s32 @!p0 $0x9  }
0x407: {  	_ =	swait.ge @!p0 [sflag:s0], s1  }
0x408: {  	s1 =	ssub.s32 @!p0 $0x0, s1;
	[sflag:s0] =	ssyncset.done @!p0 $0x0  }
0x409: {  	[sflag:s0] =	ssyncadd.s32 @!p0 s1  }
0x40a: {  	[bflag:$0x3] =	sbarrier.arrive $0xFFFF  }
0x40b: {  	_ =	shalt  }

</sc_bundles>
